<compile_context>
chip_gen: v7x
topology: tpu7x:2x2x1
jax: 0.10.2.dev20260603
libtpu: 0.0.44.dev20260713+nightly
codegen_flags: <defaults>
</compile_context>

<pallas_src>
import functools

import jax
import jax.numpy as jnp
from jax import lax
from jax.experimental import pallas as pl
from jax.experimental.pallas import tpu as pltpu
from jax.experimental.pallas import tpu_sc as plsc

N_NODES = 10000
N_EDGES = 320000
F = 128
LAT = 64

NC = 2
NS = 16
CHUNK = 80
CPT = 128
E_PAD = NC * NS * CPT * CHUNK
CROWS = E_PAD // CHUNK
NROWS = 10240
NDUMP = NROWS - N_NODES
DEGN = 10240

_MESH = plsc.VectorSubcoreMesh(core_axis_name="c", subcore_axis_name="s")


def _sc_degree_body(dst2, zn, degp, dstall, onesv, shared):
    c = lax.axis_index("c")
    s = lax.axis_index("s")
    base = (c * NS + s) * CPT

    @pl.when(s == 0)
    def _():
        pltpu.sync_copy(zn, shared)

    pltpu.sync_copy(dst2.at[pl.ds(base, CPT)], dstall)

    def fill(i, _):
        onesv[pl.ds(i * 16, 16)] = jnp.ones((16,), jnp.float32)
        return 0

    lax.fori_loop(0, CHUNK // 16, fill, 0)
    plsc.subcore_barrier()

    def chunk(j, _):
        pltpu.sync_copy(onesv, shared.at[dstall.at[j]], add=True)
        return 0

    lax.fori_loop(0, CPT, chunk, 0)
    plsc.subcore_barrier()

    @pl.when(s == 0)
    def _():
        pltpu.sync_copy(shared, degp.at[c])


_sc_degree = pl.kernel(
    _sc_degree_body,
    out_type=jax.ShapeDtypeStruct((NC, DEGN), jnp.float32),
    mesh=_MESH,
    scratch_types=[
        pltpu.VMEM((CPT, CHUNK), jnp.int32),
        pltpu.VMEM((CHUNK,), jnp.float32),
        pltpu.VMEM_SHARED((DEGN,), jnp.float32),
    ],
)


NBUF = 2


def _sc_prop_body(g, comb, accp, comball, idxb, rowsb, accum, gsems, ssems):
    c = lax.axis_index("c")
    s = lax.axis_index("s")
    base = (c * NS + s) * CPT

    pltpu.sync_copy(comb.at[pl.ds(base, CPT)], comball)

    def zrow(i, _):
        rowsb[0, i // 8, pl.ds((i % 8) * 16, 16)] = jnp.zeros((16,), jnp.float32)
        return 0

    lax.fori_loop(0, CHUNK * 8, zrow, 0)
    zslice = NROWS // NS
    for i in range(zslice // CHUNK):
        pltpu.sync_copy(rowsb.at[0],
                        accum.at[pl.ds(s * zslice + i * CHUNK, CHUNK)])
    plsc.subcore_barrier()

    def unpack(r, k):
        for i in range(CHUNK // 16):
            v = comball[r, pl.ds(i * 16, 16)]
            idxb[k, pl.ds(i * 16, 16)] = lax.bitwise_and(v, 0xFFFF)
            idxb[NBUF + k, pl.ds(i * 16, 16)] = lax.shift_right_logical(v, 16)

    for k in range(NBUF):
        unpack(k, k)
        pltpu.async_copy(g.at[idxb.at[k]], rowsb.at[k], gsems.at[k])

    def block(jj, _):
        j = jj * NBUF
        for k in range(NBUF):
            pltpu.make_async_copy(g.at[idxb.at[k]], rowsb.at[k],
                                  gsems.at[k]).wait()
            pltpu.async_copy(rowsb.at[k], accum.at[idxb.at[NBUF + k]],
                             ssems.at[k], add=True)

        @pl.when(jj + 1 < CPT // NBUF)
        def _():
            for k in range(NBUF):
                pltpu.make_async_copy(rowsb.at[k], accum.at[idxb.at[NBUF + k]],
                                      ssems.at[k]).wait()
                unpack(j + NBUF + k, k)
                pltpu.async_copy(g.at[idxb.at[k]], rowsb.at[k], gsems.at[k])
        return 0

    lax.fori_loop(0, CPT // NBUF, block, 0)
    for k in range(NBUF):
        pltpu.make_async_copy(rowsb.at[k], accum.at[idxb.at[NBUF + k]],
                              ssems.at[k]).wait()
    plsc.subcore_barrier()

    wslice = 1000
    @pl.when(s < 10)
    def _():
        pltpu.sync_copy(accum.at[pl.ds(s * wslice, wslice)],
                        accp.at[c, pl.ds(s * wslice, wslice)])


_sc_prop = pl.kernel(
    _sc_prop_body,
    out_type=jax.ShapeDtypeStruct((NC, N_NODES, F), jnp.float32),
    mesh=_MESH,
    scratch_types=[
        pltpu.VMEM((CPT, CHUNK), jnp.int32),
        pltpu.VMEM((2 * NBUF, CHUNK), jnp.int32),
        pltpu.VMEM((NBUF, CHUNK, F), jnp.float32),
        pltpu.VMEM_SHARED((NROWS, F), jnp.float32),
        pltpu.SemaphoreType.DMA((NBUF,)),
        pltpu.SemaphoreType.DMA((NBUF,)),
    ],
)


_BLK = 1000
_GRID = N_NODES // _BLK


def _tc_prep_body(x_ref, y_ref, dg_ref, w1_ref, g1_ref, dinv_ref):
    deg = dg_ref[:, 0:1] + dg_ref[:, 1:2] + 1.0
    dinv = lax.rsqrt(deg)
    hw = jnp.dot(jnp.abs(x_ref[...]), w1_ref[0:F, :],
                 preferred_element_type=jnp.float32)
    hw = hw + jnp.abs(y_ref[...]) * w1_ref[F:F + 1, :]
    g1_ref[...] = dinv * hw
    dinv_ref[...] = dinv


_tc_prep = pl.pallas_call(
    _tc_prep_body,
    grid=(_GRID,),
    in_specs=[
        pl.BlockSpec((_BLK, F), lambda i: (i, 0)),
        pl.BlockSpec((_BLK, 1), lambda i: (i, 0)),
        pl.BlockSpec((_BLK, NC), lambda i: (i, 0)),
        pl.BlockSpec((F + 1, F), lambda i: (0, 0)),
    ],
    out_specs=[
        pl.BlockSpec((_BLK, F), lambda i: (i, 0)),
        pl.BlockSpec((_BLK, 1), lambda i: (i, 0)),
    ],
    out_shape=[
        jax.ShapeDtypeStruct((N_NODES, F), jnp.float32),
        jax.ShapeDtypeStruct((N_NODES, 1), jnp.float32),
    ],
)


def _tc_mid_body(acc_ref, g1_ref, dinv_ref, b1_ref, wcat_ref, g2_ref):
    dinv = dinv_ref[...]
    acc = acc_ref[0] + acc_ref[1] + g1_ref[...]
    h = jnp.maximum(dinv * acc + b1_ref[...], 0.0)
    g2_ref[...] = dinv * jnp.dot(h, wcat_ref[...],
                                 preferred_element_type=jnp.float32)


_tc_mid = pl.pallas_call(
    _tc_mid_body,
    grid=(_GRID,),
    in_specs=[
        pl.BlockSpec((NC, _BLK, F), lambda i: (0, i, 0)),
        pl.BlockSpec((_BLK, F), lambda i: (i, 0)),
        pl.BlockSpec((_BLK, 1), lambda i: (i, 0)),
        pl.BlockSpec((1, F), lambda i: (0, 0)),
        pl.BlockSpec((F, F), lambda i: (0, 0)),
    ],
    out_specs=pl.BlockSpec((_BLK, F), lambda i: (i, 0)),
    out_shape=jax.ShapeDtypeStruct((N_NODES, F), jnp.float32),
)


def _tc_head_body(acc_ref, g2_ref, dinv_ref, bmu_ref, bls_ref, mu_ref, std_ref):
    out = dinv_ref[...] * (acc_ref[0] + acc_ref[1] + g2_ref[...])
    mu_ref[...] = out[:, 0:LAT] + bmu_ref[...]
    z = out[:, LAT:2 * LAT] + bls_ref[...]
    std_ref[...] = jnp.maximum(z, 0.0) + jnp.log1p(jnp.exp(-jnp.abs(z)))


_tc_head = pl.pallas_call(
    _tc_head_body,
    grid=(_GRID,),
    in_specs=[
        pl.BlockSpec((NC, _BLK, F), lambda i: (0, i, 0)),
        pl.BlockSpec((_BLK, F), lambda i: (i, 0)),
        pl.BlockSpec((_BLK, 1), lambda i: (i, 0)),
        pl.BlockSpec((1, LAT), lambda i: (0, 0)),
        pl.BlockSpec((1, LAT), lambda i: (0, 0)),
    ],
    out_specs=[
        pl.BlockSpec((_BLK, LAT), lambda i: (i, 0)),
        pl.BlockSpec((_BLK, LAT), lambda i: (i, 0)),
    ],
    out_shape=[
        jax.ShapeDtypeStruct((N_NODES, LAT), jnp.float32),
        jax.ShapeDtypeStruct((N_NODES, LAT), jnp.float32),
    ],
)


@jax.jit
def kernel(x, edge_index, Y, W1, b1, Wmu, bmu, Wls, bls):
    ei = edge_index.astype(jnp.int32)
    npad = E_PAD - N_EDGES
    pad = jnp.arange(npad, dtype=jnp.int32)
    srcp = jnp.concatenate([ei[0], pad % N_NODES])
    dstp = jnp.concatenate([ei[1], N_NODES + pad % NDUMP])
    dst2 = dstp.reshape(CROWS, CHUNK)
    comb = (srcp | (dstp << 16)).reshape(CROWS, CHUNK)
    zn = jnp.zeros((DEGN,), jnp.float32)

    degp = _sc_degree(dst2, zn)
    degt = degp[:, :N_NODES].T

    g1, dinv = _tc_prep(x, Y, degt, W1)
    acc1 = _sc_prop(g1, comb)
    wcat = jnp.concatenate([Wmu, Wls], axis=1)
    g2 = _tc_mid(acc1, g1, dinv, b1.reshape(1, F), wcat)
    acc2 = _sc_prop(g2, comb)
    mu, std = _tc_head(acc2, g2, dinv, bmu.reshape(1, LAT), bls.reshape(1, LAT))
    return (mu, std)

# --- scband reference (transcript-rebuilt; emitter-appended) ---
"""Pipeline reference for scband-u-y-encoder-5583457485491 (READ-ONLY COPY).

The authoritative reference and input builder live on the scoring server;
editing this copy changes nothing except your own understanding.
"""

import jax, jax.numpy as jnp
import numpy as np

N = 10000
E = 320000
F_IN = 128   # config.num_feats
IN_C = F_IN + 1
H = 128      # config.gcn_hidden_dim
LAT = 64     # config.latent_dim_Y


def gcn_conv(x, edge_index, W, b, num_nodes):
    # GCNConv: symmetric normalization with self-loops
    src = edge_index[0]
    dst = edge_index[1]
    loop = jnp.arange(num_nodes, dtype=edge_index.dtype)
    src = jnp.concatenate([src, loop])
    dst = jnp.concatenate([dst, loop])
    deg = jnp.zeros((num_nodes,), dtype=x.dtype).at[dst].add(1.0)
    dinv = jnp.where(deg > 0, deg ** -0.5, 0.0)
    norm = dinv[src] * dinv[dst]
    h = x @ W
    msg = h[src] * norm[:, None]
    out = jnp.zeros((num_nodes, W.shape[1]), dtype=x.dtype).at[dst].add(msg)
    return out + b


def setup_inputs(seed: int = 0) -> dict:
    key = jax.random.key(seed)
    ks = [jax.random.fold_in(key, i) for i in range(10)]
    x = jax.random.normal(ks[0], (N, F_IN), dtype=jnp.float32)
    Y = jax.random.normal(ks[1], (N, 1), dtype=jnp.float32)
    edge_index = jax.random.randint(ks[2], (2, E), 0, N, dtype=jnp.int64)
    W1 = jax.random.normal(ks[3], (IN_C, H), dtype=jnp.float32) * (1.0 / np.sqrt(IN_C))
    b1 = jnp.zeros((H,), dtype=jnp.float32)
    Wmu = jax.random.normal(ks[4], (H, LAT), dtype=jnp.float32) * (1.0 / np.sqrt(H))
    bmu = jnp.zeros((LAT,), dtype=jnp.float32)
    Wls = jax.random.normal(ks[5], (H, LAT), dtype=jnp.float32) * (1.0 / np.sqrt(H))
    bls = jnp.zeros((LAT,), dtype=jnp.float32)
    return {"x": x, "edge_index": edge_index, "Y": Y,
            "W1": W1, "b1": b1, "Wmu": Wmu, "bmu": bmu, "Wls": Wls, "bls": bls}


def reference(x, edge_index, Y, W1, b1, Wmu, bmu, Wls, bls):
    h = jnp.concatenate((x, Y), axis=1)
    h = jax.nn.relu(gcn_conv(jnp.abs(h), edge_index, W1, b1, N))
    mu = gcn_conv(h, edge_index, Wmu, bmu, N)
    std = jax.nn.softplus(gcn_conv(h, edge_index, Wls, bls, N))
    return (mu, std)

if __name__ == "__main__":
    import jax
    _d = setup_inputs()
    print(jax.jit(kernel)(*tuple(_d.values())))

</pallas_src>

<mosaic_0001>
#map = affine_map<(d0, d1) -> (0, 0)>
#map1 = affine_map<(d0, d1) -> (0, 0, 0)>
module attributes {stable_mosaic.version = 14 : i64} {
  func.func @_sc_prop_body(%arg0: i32, %arg1: i32, %arg2: memref<10000x128xf32, #tpu.memory_space<hbm>>, %arg3: memref<4096x80xi32, #tpu.memory_space<hbm>>, %arg4: memref<2x10000x128xf32, #tpu.memory_space<hbm>>, %arg5: memref<128x80xi32, #tpu.memory_space<vmem>>, %arg6: memref<4x80xi32, #tpu.memory_space<vmem>>, %arg7: memref<2x80x128xf32, #tpu.memory_space<vmem>>, %arg8: memref<10240x128xf32, #tpu.memory_space<vmem_shared>>, %arg9: memref<2x!tpu.dma_semaphore, #tpu.memory_space<semaphore_mem>>, %arg10: memref<2x!tpu.dma_semaphore, #tpu.memory_space<semaphore_mem>>) attributes {dimension_semantics = [#tpu.dimension_semantics<core_parallel>, #tpu.dimension_semantics<subcore_parallel>], iteration_bounds = array<i64: 2, 16>, scalar_prefetch = 0 : i64, scratch_operands = 6 : i64, tpu.core_type = #tpu.core_type<sc_vector_subcore>, window_params = [{transform_indices = #map}, {transform_indices = #map}, {transform_indices = #map1}]} {
    %mul3A = arith.constant 16 : i32
    %mul3A_0 = arith.muli %arg0, %mul3A : i32
    %add3A = arith.addi %mul3A_0, %arg1 : i32
    %mul3A_1 = arith.constant 128 : i32
    %mul3A_2 = arith.muli %add3A, %mul3A_1 : i32
    "tpu.region"() ({
      %run_scoped3A_342 = tpu.sem_alloc : memref<!tpu.dma_semaphore, #tpu.memory_space<semaphore_mem>>
      %dma_start3A_343 = arith.constant 0 : i32
      %dma_start3A_344 = tpu.memref_slice %arg3[%mul3A_2, %dma_start3A_343] : memref<4096x80xi32, #tpu.memory_space<hbm>> -> memref<128x80xi32, #tpu.memory_space<hbm>>
      %dma_start3A_345 = arith.constant 0 : i32
      %dma_start3A_346 = tpu.memref_slice %arg3[%mul3A_2, %dma_start3A_345] : memref<4096x80xi32, #tpu.memory_space<hbm>> -> memref<128x80xi32, #tpu.memory_space<hbm>>
      tpu.enqueue_dma source(%dma_start3A_346 : memref<128x80xi32, #tpu.memory_space<hbm>>) target(%arg5 : memref<128x80xi32, #tpu.memory_space<vmem>>) target_semaphore(%run_scoped3A_342 : memref<!tpu.dma_semaphore, #tpu.memory_space<semaphore_mem>>)
      %dma_wait3A_347 = arith.constant 0 : i32
      %dma_wait3A_348 = tpu.memref_slice %arg3[%mul3A_2, %dma_wait3A_347] : memref<4096x80xi32, #tpu.memory_space<hbm>> -> memref<128x80xi32, #tpu.memory_space<hbm>>
      %dma_wait3A_349 = arith.constant 0 : i32
      %dma_wait3A_350 = tpu.memref_slice %arg3[%mul3A_2, %dma_wait3A_349] : memref<4096x80xi32, #tpu.memory_space<hbm>> -> memref<128x80xi32, #tpu.memory_space<hbm>>
      tpu.wait_dma2 semaphore(%run_scoped3A_342 : memref<!tpu.dma_semaphore, #tpu.memory_space<semaphore_mem>>) src(%dma_wait3A_350 : memref<128x80xi32, #tpu.memory_space<hbm>>) dst(%arg5 : memref<128x80xi32, #tpu.memory_space<vmem>>)
      tpu.yield
    }) : () -> ()
    %scan3A = arith.constant 0 : i32
    %scan3A_3 = arith.constant 0 : i32
    %scan3A_4 = arith.constant 640 : i32
    %scan3A_5 = arith.addi %scan3A_3, %scan3A_4 : i32
    %scan3A_6 = arith.constant 1 : i32
    %scan3A_7 = scf.for %scan3A_342 = %scan3A_3 to %scan3A_5 step %scan3A_6 iter_args(%scan3A_343 = %scan3A) -> (i32)  : i32 {
      %broadcast_in_dim3A = arith.constant 0.000000e+00 : f32
      %broadcast_in_dim3A_344 = vector.broadcast %broadcast_in_dim3A : f32 to vector<16xf32>
      %jit3A = arith.constant 8 : i32
      %div3A = arith.divsi %scan3A_342, %jit3A : i32
      %sign3A = arith.constant 0 : i32
      %sign3A_345 = arith.cmpi sgt, %scan3A_342, %sign3A : i32
      %sign3A_346 = arith.extui %sign3A_345 : i1 to i32
      %sign3A_347 = arith.constant 0 : i32
      %sign3A_348 = arith.cmpi slt, %scan3A_342, %sign3A_347 : i32
      %sign3A_349 = arith.extui %sign3A_348 : i1 to i32
      %sign3A_350 = arith.subi %sign3A_346, %sign3A_349 : i32
      %sign3A_351 = arith.constant 0 : i32
      %sign3A_352 = arith.cmpi sgt, %jit3A, %sign3A_351 : i32
      %sign3A_353 = arith.extui %sign3A_352 : i1 to i32
      %sign3A_354 = arith.constant 0 : i32
      %sign3A_355 = arith.cmpi slt, %jit3A, %sign3A_354 : i32
      %sign3A_356 = arith.extui %sign3A_355 : i1 to i32
      %sign3A_357 = arith.subi %sign3A_353, %sign3A_356 : i32
      %ne3A = arith.cmpi ne, %sign3A_350, %sign3A_357 : i32
      %rem3A = arith.remsi %scan3A_342, %jit3A : i32
      %ne3A_358 = arith.constant 0 : i32
      %ne3A_359 = arith.cmpi ne, %rem3A, %ne3A_358 : i32
      %and3A_360 = arith.andi %ne3A, %ne3A_359 : i1
      %sub3A = arith.constant 1 : i32
      %sub3A_361 = arith.subi %div3A, %sub3A : i32
      %select_n3A = arith.select %and3A_360, %sub3A_361, %div3A : i32
      %jit3A_362 = arith.constant 8 : i32
      %eq3A = arith.constant 0 : i32
      %eq3A_363 = arith.cmpi eq, %jit3A_362, %eq3A : i32
      %jit3A_364 = arith.constant 1 : i32
      %select_n3A_365 = arith.select %eq3A_363, %jit3A_364, %jit3A_362 : i32
      %rem3A_366 = arith.remsi %scan3A_342, %select_n3A_365 : i32
      %ne3A_367 = arith.constant 0 : i32
      %ne3A_368 = arith.cmpi ne, %rem3A_366, %ne3A_367 : i32
      %lt3A_369 = arith.constant 0 : i32
      %lt3A_370 = arith.cmpi slt, %rem3A_366, %lt3A_369 : i32
      %lt3A_371 = arith.constant 0 : i32
      %lt3A_372 = arith.cmpi slt, %select_n3A_365, %lt3A_371 : i32
      %ne3A_373 = arith.xori %lt3A_370, %lt3A_372 : i1
      %and3A_374 = arith.andi %ne3A_373, %ne3A_368 : i1
      %add3A_375 = arith.addi %rem3A_366, %select_n3A_365 : i32
      %select_n3A_376 = arith.select %and3A_374, %add3A_375, %rem3A_366 : i32
      %mul3A_377 = arith.constant 16 : i32
      %mul3A_378 = arith.muli %select_n3A_376, %mul3A_377 : i32
      %swap3A_379 = arith.constant 0 : i32
      %swap3A_380 = arith.index_cast %swap3A_379 : i32 to index
      %swap3A_381 = arith.index_cast %select_n3A : i32 to index
      %swap3A_382 = arith.index_cast %mul3A_378 : i32 to index
      %swap3A_383 = tpu.vector_load %arg7[%swap3A_380, %swap3A_381, %swap3A_382] {strides = array<i32>} : memref<2x80x128xf32, #tpu.memory_space<vmem>>, vector<1x1x16xf32>,
      %swap3A_384 = vector.shape_cast %swap3A_383 : vector<1x1x16xf32> to vector<16xf32>
      %swap3A_385 = vector.shape_cast %broadcast_in_dim3A_344 : vector<16xf32> to vector<1x1x16xf32>
      tpu.vector_store %arg7[%swap3A_380, %swap3A_381, %swap3A_382], %swap3A_385 {strides = array<i32>} : memref<2x80x128xf32, #tpu.memory_space<vmem>>, vector<1x1x16xf32>,
      %scan3A_386 = arith.constant 0 : i32
      scf.yield %scan3A_386 : i32
    }
    %scan3A_8 = arith.constant 640 : i32
    %mul3A_9 = arith.constant 640 : i32
    %mul3A_10 = arith.muli %arg1, %mul3A_9 : i32
    %add3A_11 = arith.constant 0 : i32
    %add3A_12 = arith.addi %mul3A_10, %add3A_11 : i32
    %run_scoped3A = arith.constant 0 : i32
    "tpu.region"() ({
      %run_scoped3A_342 = tpu.sem_alloc : memref<!tpu.dma_semaphore, #tpu.memory_space<semaphore_mem>>
      %dma_start3A_343 = arith.constant 0 : i32
      %dma_start3A_344 = arith.constant 0 : i32
      %dma_start3A_345 = tpu.memref_slice %arg7[%run_scoped3A, %dma_start3A_343, %dma_start3A_344] : memref<2x80x128xf32, #tpu.memory_space<vmem>> -> memref<1x80x128xf32, #tpu.memory_space<vmem>>
      %dma_start3A_346 = tpu.memref_squeeze %dma_start3A_345 : memref<1x80x128xf32, #tpu.memory_space<vmem>> -> memref<80x128xf32, #tpu.memory_space<vmem>>
      %dma_start3A_347 = arith.constant 0 : i32
      %dma_start3A_348 = tpu.memref_slice %arg8[%add3A_12, %dma_start3A_347] : memref<10240x128xf32, #tpu.memory_space<vmem_shared>> -> memref<80x128xf32, #tpu.memory_space<vmem_shared>>
      %dma_start3A_349 = arith.constant 0 : i32
      %dma_start3A_350 = tpu.memref_slice %arg8[%add3A_12, %dma_start3A_349] : memref<10240x128xf32, #tpu.memory_space<vmem_shared>> -> memref<80x128xf32, #tpu.memory_space<vmem_shared>>
      %dma_start3A_351 = arith.constant 0 : i32
      %dma_start3A_352 = arith.constant 0 : i32
      %dma_start3A_353 = tpu.memref_slice %arg7[%run_scoped3A, %dma_start3A_351, %dma_start3A_352] : memref<2x80x128xf32, #tpu.memory_space<vmem>> -> memref<1x80x128xf32, #tpu.memory_space<vmem>>
      %dma_start3A_354 = tpu.memref_squeeze %dma_start3A_353 : memref<1x80x128xf32, #tpu.memory_space<vmem>> -> memref<80x128xf32, #tpu.memory_space<vmem>>
      tpu.enqueue_dma source(%dma_start3A_354 : memref<80x128xf32, #tpu.memory_space<vmem>>) target(%dma_start3A_350 : memref<80x128xf32, #tpu.memory_space<vmem_shared>>) target_semaphore(%run_scoped3A_342 : memref<!tpu.dma_semaphore, #tpu.memory_space<semaphore_mem>>)
      %dma_wait3A_355 = arith.constant 0 : i32
      %dma_wait3A_356 = arith.constant 0 : i32
      %dma_wait3A_357 = tpu.memref_slice %arg7[%run_scoped3A, %dma_wait3A_355, %dma_wait3A_356] : memref<2x80x128xf32, #tpu.memory_space<vmem>> -> memref<1x80x128xf32, #tpu.memory_space<vmem>>
      %dma_wait3A_358 = tpu.memref_squeeze %dma_wait3A_357 : memref<1x80x128xf32, #tpu.memory_space<vmem>> -> memref<80x128xf32, #tpu.memory_space<vmem>>
      %dma_wait3A_359 = arith.constant 0 : i32
      %dma_wait3A_360 = tpu.memref_slice %arg8[%add3A_12, %dma_wait3A_359] : memref<10240x128xf32, #tpu.memory_space<vmem_shared>> -> memref<80x128xf32, #tpu.memory_space<vmem_shared>>
      %dma_wait3A_361 = arith.constant 0 : i32
      %dma_wait3A_362 = tpu.memref_slice %arg8[%add3A_12, %dma_wait3A_361] : memref<10240x128xf32, #tpu.memory_space<vmem_shared>> -> memref<80x128xf32, #tpu.memory_space<vmem_shared>>
      %dma_wait3A_363 = arith.constant 0 : i32
      %dma_wait3A_364 = arith.constant 0 : i32
      %dma_wait3A_365 = tpu.memref_slice %arg7[%run_scoped3A, %dma_wait3A_363, %dma_wait3A_364] : memref<2x80x128xf32, #tpu.memory_space<vmem>> -> memref<1x80x128xf32, #tpu.memory_space<vmem>>
      %dma_wait3A_366 = tpu.memref_squeeze %dma_wait3A_365 : memref<1x80x128xf32, #tpu.memory_space<vmem>> -> memref<80x128xf32, #tpu.memory_space<vmem>>
      tpu.wait_dma2 semaphore(%run_scoped3A_342 : memref<!tpu.dma_semaphore, #tpu.memory_space<semaphore_mem>>) src(%dma_wait3A_366 : memref<80x128xf32, #tpu.memory_space<vmem>>) dst(%dma_wait3A_362 : memref<80x128xf32, #tpu.memory_space<vmem_shared>>)
      tpu.yield
    }) : () -> ()
    %mul3A_13 = arith.constant 640 : i32
    %mul3A_14 = arith.muli %arg1, %mul3A_13 : i32
    %add3A_15 = arith.constant 80 : i32
    %add3A_16 = arith.addi %mul3A_14, %add3A_15 : i32
    %run_scoped3A_17 = arith.constant 0 : i32
    "tpu.region"() ({
      %run_scoped3A_342 = tpu.sem_alloc : memref<!tpu.dma_semaphore, #tpu.memory_space<semaphore_mem>>
      %dma_start3A_343 = arith.constant 0 : i32
      %dma_start3A_344 = arith.constant 0 : i32
      %dma_start3A_345 = tpu.memref_slice %arg7[%run_scoped3A_17, %dma_start3A_343, %dma_start3A_344] : memref<2x80x128xf32, #tpu.memory_space<vmem>> -> memref<1x80x128xf32, #tpu.memory_space<vmem>>
      %dma_start3A_346 = tpu.memref_squeeze %dma_start3A_345 : memref<1x80x128xf32, #tpu.memory_space<vmem>> -> memref<80x128xf32, #tpu.memory_space<vmem>>
      %dma_start3A_347 = arith.constant 0 : i32
      %dma_start3A_348 = tpu.memref_slice %arg8[%add3A_16, %dma_start3A_347] : memref<10240x128xf32, #tpu.memory_space<vmem_shared>> -> memref<80x128xf32, #tpu.memory_space<vmem_shared>>
      %dma_start3A_349 = arith.constant 0 : i32
      %dma_start3A_350 = tpu.memref_slice %arg8[%add3A_16, %dma_start3A_349] : memref<10240x128xf32, #tpu.memory_space<vmem_shared>> -> memref<80x128xf32, #tpu.memory_space<vmem_shared>>
      %dma_start3A_351 = arith.constant 0 : i32
      %dma_start3A_352 = arith.constant 0 : i32
      %dma_start3A_353 = tpu.memref_slice %arg7[%run_scoped3A_17, %dma_start3A_351, %dma_start3A_352] : memref<2x80x128xf32, #tpu.memory_space<vmem>> -> memref<1x80x128xf32, #tpu.memory_space<vmem>>
      %dma_start3A_354 = tpu.memref_squeeze %dma_start3A_353 : memref<1x80x128xf32, #tpu.memory_space<vmem>> -> memref<80x128xf32, #tpu.memory_space<vmem>>
      tpu.enqueue_dma source(%dma_start3A_354 : memref<80x128xf32, #tpu.memory_space<vmem>>) target(%dma_start3A_350 : memref<80x128xf32, #tpu.memory_space<vmem_shared>>) target_semaphore(%run_scoped3A_342 : memref<!tpu.dma_semaphore, #tpu.memory_space<semaphore_mem>>)
      %dma_wait3A_355 = arith.constant 0 : i32
      %dma_wait3A_356 = arith.constant 0 : i32
      %dma_wait3A_357 = tpu.memref_slice %arg7[%run_scoped3A_17, %dma_wait3A_355, %dma_wait3A_356] : memref<2x80x128xf32, #tpu.memory_space<vmem>> -> memref<1x80x128xf32, #tpu.memory_space<vmem>>
      %dma_wait3A_358 = tpu.memref_squeeze %dma_wait3A_357 : memref<1x80x128xf32, #tpu.memory_space<vmem>> -> memref<80x128xf32, #tpu.memory_space<vmem>>
      %dma_wait3A_359 = arith.constant 0 : i32
      %dma_wait3A_360 = tpu.memref_slice %arg8[%add3A_16, %dma_wait3A_359] : memref<10240x128xf32, #tpu.memory_space<vmem_shared>> -> memref<80x128xf32, #tpu.memory_space<vmem_shared>>
      %dma_wait3A_361 = arith.constant 0 : i32
      %dma_wait3A_362 = tpu.memref_slice %arg8[%add3A_16, %dma_wait3A_361] : memref<10240x128xf32, #tpu.memory_space<vmem_shared>> -> memref<80x128xf32, #tpu.memory_space<vmem_shared>>
      %dma_wait3A_363 = arith.constant 0 : i32
      %dma_wait3A_364 = arith.constant 0 : i32
      %dma_wait3A_365 = tpu.memref_slice %arg7[%run_scoped3A_17, %dma_wait3A_363, %dma_wait3A_364] : memref<2x80x128xf32, #tpu.memory_space<vmem>> -> memref<1x80x128xf32, #tpu.memory_space<vmem>>
      %dma_wait3A_366 = tpu.memref_squeeze %dma_wait3A_365 : memref<1x80x128xf32, #tpu.memory_space<vmem>> -> memref<80x128xf32, #tpu.memory_space<vmem>>
      tpu.wait_dma2 semaphore(%run_scoped3A_342 : memref<!tpu.dma_semaphore, #tpu.memory_space<semaphore_mem>>) src(%dma_wait3A_366 : memref<80x128xf32, #tpu.memory_space<vmem>>) dst(%dma_wait3A_362 : memref<80x128xf32, #tpu.memory_space<vmem_shared>>)
      tpu.yield
    }) : () -> ()
    %mul3A_18 = arith.constant 640 : i32
    %mul3A_19 = arith.muli %arg1, %mul3A_18 : i32
    %add3A_20 = arith.constant 160 : i32
    %add3A_21 = arith.addi %mul3A_19, %add3A_20 : i32
    %run_scoped3A_22 = arith.constant 0 : i32
    "tpu.region"() ({
      %run_scoped3A_342 = tpu.sem_alloc : memref<!tpu.dma_semaphore, #tpu.memory_space<semaphore_mem>>
      %dma_start3A_343 = arith.constant 0 : i32
      %dma_start3A_344 = arith.constant 0 : i32
      %dma_start3A_345 = tpu.memref_slice %arg7[%run_scoped3A_22, %dma_start3A_343, %dma_start3A_344] : memref<2x80x128xf32, #tpu.memory_space<vmem>> -> memref<1x80x128xf32, #tpu.memory_space<vmem>>
      %dma_start3A_346 = tpu.memref_squeeze %dma_start3A_345 : memref<1x80x128xf32, #tpu.memory_space<vmem>> -> memref<80x128xf32, #tpu.memory_space<vmem>>
      %dma_start3A_347 = arith.constant 0 : i32
      %dma_start3A_348 = tpu.memref_slice %arg8[%add3A_21, %dma_start3A_347] : memref<10240x128xf32, #tpu.memory_space<vmem_shared>> -> memref<80x128xf32, #tpu.memory_space<vmem_shared>>
      %dma_start3A_349 = arith.constant 0 : i32
      %dma_start3A_350 = tpu.memref_slice %arg8[%add3A_21, %dma_start3A_349] : memref<10240x128xf32, #tpu.memory_space<vmem_shared>> -> memref<80x128xf32, #tpu.memory_space<vmem_shared>>
      %dma_start3A_351 = arith.constant 0 : i32
      %dma_start3A_352 = arith.constant 0 : i32
      %dma_start3A_353 = tpu.memref_slice %arg7[%run_scoped3A_22, %dma_start3A_351, %dma_start3A_352] : memref<2x80x128xf32, #tpu.memory_space<vmem>> -> memref<1x80x128xf32, #tpu.memory_space<vmem>>
      %dma_start3A_354 = tpu.memref_squeeze %dma_start3A_353 : memref<1x80x128xf32, #tpu.memory_space<vmem>> -> memref<80x128xf32, #tpu.memory_space<vmem>>
      tpu.enqueue_dma source(%dma_start3A_354 : memref<80x128xf32, #tpu.memory_space<vmem>>) target(%dma_start3A_350 : memref<80x128xf32, #tpu.memory_space<vmem_shared>>) target_semaphore(%run_scoped3A_342 : memref<!tpu.dma_semaphore, #tpu.memory_space<semaphore_mem>>)
      %dma_wait3A_355 = arith.constant 0 : i32
      %dma_wait3A_356 = arith.constant 0 : i32
      %dma_wait3A_357 = tpu.memref_slice %arg7[%run_scoped3A_22, %dma_wait3A_355, %dma_wait3A_356] : memref<2x80x128xf32, #tpu.memory_space<vmem>> -> memref<1x80x128xf32, #tpu.memory_space<vmem>>
      %dma_wait3A_358 = tpu.memref_squeeze %dma_wait3A_357 : memref<1x80x128xf32, #tpu.memory_space<vmem>> -> memref<80x128xf32, #tpu.memory_space<vmem>>
      %dma_wait3A_359 = arith.constant 0 : i32
      %dma_wait3A_360 = tpu.memref_slice %arg8[%add3A_21, %dma_wait3A_359] : memref<10240x128xf32, #tpu.memory_space<vmem_shared>> -> memref<80x128xf32, #tpu.memory_space<vmem_shared>>
      %dma_wait3A_361 = arith.constant 0 : i32
      %dma_wait3A_362 = tpu.memref_slice %arg8[%add3A_21, %dma_wait3A_361] : memref<10240x128xf32, #tpu.memory_space<vmem_shared>> -> memref<80x128xf32, #tpu.memory_space<vmem_shared>>
      %dma_wait3A_363 = arith.constant 0 : i32
      %dma_wait3A_364 = arith.constant 0 : i32
      %dma_wait3A_365 = tpu.memref_slice %arg7[%run_scoped3A_22, %dma_wait3A_363, %dma_wait3A_364] : memref<2x80x128xf32, #tpu.memory_space<vmem>> -> memref<1x80x128xf32, #tpu.memory_space<vmem>>
      %dma_wait3A_366 = tpu.memref_squeeze %dma_wait3A_365 : memref<1x80x128xf32, #tpu.memory_space<vmem>> -> memref<80x128xf32, #tpu.memory_space<vmem>>
      tpu.wait_dma2 semaphore(%run_scoped3A_342 : memref<!tpu.dma_semaphore, #tpu.memory_space<semaphore_mem>>) src(%dma_wait3A_366 : memref<80x128xf32, #tpu.memory_space<vmem>>) dst(%dma_wait3A_362 : memref<80x128xf32, #tpu.memory_space<vmem_shared>>)
      tpu.yield
    }) : () -> ()
    %mul3A_23 = arith.constant 640 : i32
    %mul3A_24 = arith.muli %arg1, %mul3A_23 : i32
    %add3A_25 = arith.constant 240 : i32
    %add3A_26 = arith.addi %mul3A_24, %add3A_25 : i32
    %run_scoped3A_27 = arith.constant 0 : i32
    "tpu.region"() ({
      %run_scoped3A_342 = tpu.sem_alloc : memref<!tpu.dma_semaphore, #tpu.memory_space<semaphore_mem>>
      %dma_start3A_343 = arith.constant 0 : i32
      %dma_start3A_344 = arith.constant 0 : i32
      %dma_start3A_345 = tpu.memref_slice %arg7[%run_scoped3A_27, %dma_start3A_343, %dma_start3A_344] : memref<2x80x128xf32, #tpu.memory_space<vmem>> -> memref<1x80x128xf32, #tpu.memory_space<vmem>>
      %dma_start3A_346 = tpu.memref_squeeze %dma_start3A_345 : memref<1x80x128xf32, #tpu.memory_space<vmem>> -> memref<80x128xf32, #tpu.memory_space<vmem>>
      %dma_start3A_347 = arith.constant 0 : i32
      %dma_start3A_348 = tpu.memref_slice %arg8[%add3A_26, %dma_start3A_347] : memref<10240x128xf32, #tpu.memory_space<vmem_shared>> -> memref<80x128xf32, #tpu.memory_space<vmem_shared>>
      %dma_start3A_349 = arith.constant 0 : i32
      %dma_start3A_350 = tpu.memref_slice %arg8[%add3A_26, %dma_start3A_349] : memref<10240x128xf32, #tpu.memory_space<vmem_shared>> -> memref<80x128xf32, #tpu.memory_space<vmem_shared>>
      %dma_start3A_351 = arith.constant 0 : i32
      %dma_start3A_352 = arith.constant 0 : i32
      %dma_start3A_353 = tpu.memref_slice %arg7[%run_scoped3A_27, %dma_start3A_351, %dma_start3A_352] : memref<2x80x128xf32, #tpu.memory_space<vmem>> -> memref<1x80x128xf32, #tpu.memory_space<vmem>>
      %dma_start3A_354 = tpu.memref_squeeze %dma_start3A_353 : memref<1x80x128xf32, #tpu.memory_space<vmem>> -> memref<80x128xf32, #tpu.memory_space<vmem>>
      tpu.enqueue_dma source(%dma_start3A_354 : memref<80x128xf32, #tpu.memory_space<vmem>>) target(%dma_start3A_350 : memref<80x128xf32, #tpu.memory_space<vmem_shared>>) target_semaphore(%run_scoped3A_342 : memref<!tpu.dma_semaphore, #tpu.memory_space<semaphore_mem>>)
      %dma_wait3A_355 = arith.constant 0 : i32
      %dma_wait3A_356 = arith.constant 0 : i32
      %dma_wait3A_357 = tpu.memref_slice %arg7[%run_scoped3A_27, %dma_wait3A_355, %dma_wait3A_356] : memref<2x80x128xf32, #tpu.memory_space<vmem>> -> memref<1x80x128xf32, #tpu.memory_space<vmem>>
      %dma_wait3A_358 = tpu.memref_squeeze %dma_wait3A_357 : memref<1x80x128xf32, #tpu.memory_space<vmem>> -> memref<80x128xf32, #tpu.memory_space<vmem>>
      %dma_wait3A_359 = arith.constant 0 : i32
      %dma_wait3A_360 = tpu.memref_slice %arg8[%add3A_26, %dma_wait3A_359] : memref<10240x128xf32, #tpu.memory_space<vmem_shared>> -> memref<80x128xf32, #tpu.memory_space<vmem_shared>>
      %dma_wait3A_361 = arith.constant 0 : i32
      %dma_wait3A_362 = tpu.memref_slice %arg8[%add3A_26, %dma_wait3A_361] : memref<10240x128xf32, #tpu.memory_space<vmem_shared>> -> memref<80x128xf32, #tpu.memory_space<vmem_shared>>
      %dma_wait3A_363 = arith.constant 0 : i32
      %dma_wait3A_364 = arith.constant 0 : i32
      %dma_wait3A_365 = tpu.memref_slice %arg7[%run_scoped3A_27, %dma_wait3A_363, %dma_wait3A_364] : memref<2x80x128xf32, #tpu.memory_space<vmem>> -> memref<1x80x128xf32, #tpu.memory_space<vmem>>
      %dma_wait3A_366 = tpu.memref_squeeze %dma_wait3A_365 : memref<1x80x128xf32, #tpu.memory_space<vmem>> -> memref<80x128xf32, #tpu.memory_space<vmem>>
      tpu.wait_dma2 semaphore(%run_scoped3A_342 : memref<!tpu.dma_semaphore, #tpu.memory_space<semaphore_mem>>) src(%dma_wait3A_366 : memref<80x128xf32, #tpu.memory_space<vmem>>) dst(%dma_wait3A_362 : memref<80x128xf32, #tpu.memory_space<vmem_shared>>)
      tpu.yield
    }) : () -> ()
    %mul3A_28 = arith.constant 640 : i32
    %mul3A_29 = arith.muli %arg1, %mul3A_28 : i32
    %add3A_30 = arith.constant 320 : i32
    %add3A_31 = arith.addi %mul3A_29, %add3A_30 : i32
    %run_scoped3A_32 = arith.constant 0 : i32
    "tpu.region"() ({
      %run_scoped3A_342 = tpu.sem_alloc : memref<!tpu.dma_semaphore, #tpu.memory_space<semaphore_mem>>
      %dma_start3A_343 = arith.constant 0 : i32
      %dma_start3A_344 = arith.constant 0 : i32
      %dma_start3A_345 = tpu.memref_slice %arg7[%run_scoped3A_32, %dma_start3A_343, %dma_start3A_344] : memref<2x80x128xf32, #tpu.memory_space<vmem>> -> memref<1x80x128xf32, #tpu.memory_space<vmem>>
      %dma_start3A_346 = tpu.memref_squeeze %dma_start3A_345 : memref<1x80x128xf32, #tpu.memory_space<vmem>> -> memref<80x128xf32, #tpu.memory_space<vmem>>
      %dma_start3A_347 = arith.constant 0 : i32
      %dma_start3A_348 = tpu.memref_slice %arg8[%add3A_31, %dma_start3A_347] : memref<10240x128xf32, #tpu.memory_space<vmem_shared>> -> memref<80x128xf32, #tpu.memory_space<vmem_shared>>
      %dma_start3A_349 = arith.constant 0 : i32
      %dma_start3A_350 = tpu.memref_slice %arg8[%add3A_31, %dma_start3A_349] : memref<10240x128xf32, #tpu.memory_space<vmem_shared>> -> memref<80x128xf32, #tpu.memory_space<vmem_shared>>
      %dma_start3A_351 = arith.constant 0 : i32
      %dma_start3A_352 = arith.constant 0 : i32
      %dma_start3A_353 = tpu.memref_slice %arg7[%run_scoped3A_32, %dma_start3A_351, %dma_start3A_352] : memref<2x80x128xf32, #tpu.memory_space<vmem>> -> memref<1x80x128xf32, #tpu.memory_space<vmem>>
      %dma_start3A_354 = tpu.memref_squeeze %dma_start3A_353 : memref<1x80x128xf32, #tpu.memory_space<vmem>> -> memref<80x128xf32, #tpu.memory_space<vmem>>
      tpu.enqueue_dma source(%dma_start3A_354 : memref<80x128xf32, #tpu.memory_space<vmem>>) target(%dma_start3A_350 : memref<80x128xf32, #tpu.memory_space<vmem_shared>>) target_semaphore(%run_scoped3A_342 : memref<!tpu.dma_semaphore, #tpu.memory_space<semaphore_mem>>)
      %dma_wait3A_355 = arith.constant 0 : i32
      %dma_wait3A_356 = arith.constant 0 : i32
      %dma_wait3A_357 = tpu.memref_slice %arg7[%run_scoped3A_32, %dma_wait3A_355, %dma_wait3A_356] : memref<2x80x128xf32, #tpu.memory_space<vmem>> -> memref<1x80x128xf32, #tpu.memory_space<vmem>>
      %dma_wait3A_358 = tpu.memref_squeeze %dma_wait3A_357 : memref<1x80x128xf32, #tpu.memory_space<vmem>> -> memref<80x128xf32, #tpu.memory_space<vmem>>
      %dma_wait3A_359 = arith.constant 0 : i32
      %dma_wait3A_360 = tpu.memref_slice %arg8[%add3A_31, %dma_wait3A_359] : memref<10240x128xf32, #tpu.memory_space<vmem_shared>> -> memref<80x128xf32, #tpu.memory_space<vmem_shared>>
      %dma_wait3A_361 = arith.constant 0 : i32
      %dma_wait3A_362 = tpu.memref_slice %arg8[%add3A_31, %dma_wait3A_361] : memref<10240x128xf32, #tpu.memory_space<vmem_shared>> -> memref<80x128xf32, #tpu.memory_space<vmem_shared>>
      %dma_wait3A_363 = arith.constant 0 : i32
      %dma_wait3A_364 = arith.constant 0 : i32
      %dma_wait3A_365 = tpu.memref_slice %arg7[%run_scoped3A_32, %dma_wait3A_363, %dma_wait3A_364] : memref<2x80x128xf32, #tpu.memory_space<vmem>> -> memref<1x80x128xf32, #tpu.memory_space<vmem>>
      %dma_wait3A_366 = tpu.memref_squeeze %dma_wait3A_365 : memref<1x80x128xf32, #tpu.memory_space<vmem>> -> memref<80x128xf32, #tpu.memory_space<vmem>>
      tpu.wait_dma2 semaphore(%run_scoped3A_342 : memref<!tpu.dma_semaphore, #tpu.memory_space<semaphore_mem>>) src(%dma_wait3A_366 : memref<80x128xf32, #tpu.memory_space<vmem>>) dst(%dma_wait3A_362 : memref<80x128xf32, #tpu.memory_space<vmem_shared>>)
      tpu.yield
    }) : () -> ()
    %mul3A_33 = arith.constant 640 : i32
    %mul3A_34 = arith.muli %arg1, %mul3A_33 : i32
    %add3A_35 = arith.constant 400 : i32
    %add3A_36 = arith.addi %mul3A_34, %add3A_35 : i32
    %run_scoped3A_37 = arith.constant 0 : i32
    "tpu.region"() ({
      %run_scoped3A_342 = tpu.sem_alloc : memref<!tpu.dma_semaphore, #tpu.memory_space<semaphore_mem>>
      %dma_start3A_343 = arith.constant 0 : i32
      %dma_start3A_344 = arith.constant 0 : i32
      %dma_start3A_345 = tpu.memref_slice %arg7[%run_scoped3A_37, %dma_start3A_343, %dma_start3A_344] : memref<2x80x128xf32, #tpu.memory_space<vmem>> -> memref<1x80x128xf32, #tpu.memory_space<vmem>>
      %dma_start3A_346 = tpu.memref_squeeze %dma_start3A_345 : memref<1x80x128xf32, #tpu.memory_space<vmem>> -> memref<80x128xf32, #tpu.memory_space<vmem>>
      %dma_start3A_347 = arith.constant 0 : i32
      %dma_start3A_348 = tpu.memref_slice %arg8[%add3A_36, %dma_start3A_347] : memref<10240x128xf32, #tpu.memory_space<vmem_shared>> -> memref<80x128xf32, #tpu.memory_space<vmem_shared>>
      %dma_start3A_349 = arith.constant 0 : i32
      %dma_start3A_350 = tpu.memref_slice %arg8[%add3A_36, %dma_start3A_349] : memref<10240x128xf32, #tpu.memory_space<vmem_shared>> -> memref<80x128xf32, #tpu.memory_space<vmem_shared>>
      %dma_start3A_351 = arith.constant 0 : i32
      %dma_start3A_352 = arith.constant 0 : i32
      %dma_start3A_353 = tpu.memref_slice %arg7[%run_scoped3A_37, %dma_start3A_351, %dma_start3A_352] : memref<2x80x128xf32, #tpu.memory_space<vmem>> -> memref<1x80x128xf32, #tpu.memory_space<vmem>>
      %dma_start3A_354 = tpu.memref_squeeze %dma_start3A_353 : memref<1x80x128xf32, #tpu.memory_space<vmem>> -> memref<80x128xf32, #tpu.memory_space<vmem>>
      tpu.enqueue_dma source(%dma_start3A_354 : memref<80x128xf32, #tpu.memory_space<vmem>>) target(%dma_start3A_350 : memref<80x128xf32, #tpu.memory_space<vmem_shared>>) target_semaphore(%run_scoped3A_342 : memref<!tpu.dma_semaphore, #tpu.memory_space<semaphore_mem>>)
      %dma_wait3A_355 = arith.constant 0 : i32
      %dma_wait3A_356 = arith.constant 0 : i32
      %dma_wait3A_357 = tpu.memref_slice %arg7[%run_scoped3A_37, %dma_wait3A_355, %dma_wait3A_356] : memref<2x80x128xf32, #tpu.memory_space<vmem>> -> memref<1x80x128xf32, #tpu.memory_space<vmem>>
      %dma_wait3A_358 = tpu.memref_squeeze %dma_wait3A_357 : memref<1x80x128xf32, #tpu.memory_space<vmem>> -> memref<80x128xf32, #tpu.memory_space<vmem>>
      %dma_wait3A_359 = arith.constant 0 : i32
      %dma_wait3A_360 = tpu.memref_slice %arg8[%add3A_36, %dma_wait3A_359] : memref<10240x128xf32, #tpu.memory_space<vmem_shared>> -> memref<80x128xf32, #tpu.memory_space<vmem_shared>>
      %dma_wait3A_361 = arith.constant 0 : i32
      %dma_wait3A_362 = tpu.memref_slice %arg8[%add3A_36, %dma_wait3A_361] : memref<10240x128xf32, #tpu.memory_space<vmem_shared>> -> memref<80x128xf32, #tpu.memory_space<vmem_shared>>
      %dma_wait3A_363 = arith.constant 0 : i32
      %dma_wait3A_364 = arith.constant 0 : i32
      %dma_wait3A_365 = tpu.memref_slice %arg7[%run_scoped3A_37, %dma_wait3A_363, %dma_wait3A_364] : memref<2x80x128xf32, #tpu.memory_space<vmem>> -> memref<1x80x128xf32, #tpu.memory_space<vmem>>
      %dma_wait3A_366 = tpu.memref_squeeze %dma_wait3A_365 : memref<1x80x128xf32, #tpu.memory_space<vmem>> -> memref<80x128xf32, #tpu.memory_space<vmem>>
      tpu.wait_dma2 semaphore(%run_scoped3A_342 : memref<!tpu.dma_semaphore, #tpu.memory_space<semaphore_mem>>) src(%dma_wait3A_366 : memref<80x128xf32, #tpu.memory_space<vmem>>) dst(%dma_wait3A_362 : memref<80x128xf32, #tpu.memory_space<vmem_shared>>)
      tpu.yield
    }) : () -> ()
    %mul3A_38 = arith.constant 640 : i32
    %mul3A_39 = arith.muli %arg1, %mul3A_38 : i32
    %add3A_40 = arith.constant 480 : i32
    %add3A_41 = arith.addi %mul3A_39, %add3A_40 : i32
    %run_scoped3A_42 = arith.constant 0 : i32
    "tpu.region"() ({
      %run_scoped3A_342 = tpu.sem_alloc : memref<!tpu.dma_semaphore, #tpu.memory_space<semaphore_mem>>
      %dma_start3A_343 = arith.constant 0 : i32
      %dma_start3A_344 = arith.constant 0 : i32
      %dma_start3A_345 = tpu.memref_slice %arg7[%run_scoped3A_42, %dma_start3A_343, %dma_start3A_344] : memref<2x80x128xf32, #tpu.memory_space<vmem>> -> memref<1x80x128xf32, #tpu.memory_space<vmem>>
      %dma_start3A_346 = tpu.memref_squeeze %dma_start3A_345 : memref<1x80x128xf32, #tpu.memory_space<vmem>> -> memref<80x128xf32, #tpu.memory_space<vmem>>
      %dma_start3A_347 = arith.constant 0 : i32
      %dma_start3A_348 = tpu.memref_slice %arg8[%add3A_41, %dma_start3A_347] : memref<10240x128xf32, #tpu.memory_space<vmem_shared>> -> memref<80x128xf32, #tpu.memory_space<vmem_shared>>
      %dma_start3A_349 = arith.constant 0 : i32
      %dma_start3A_350 = tpu.memref_slice %arg8[%add3A_41, %dma_start3A_349] : memref<10240x128xf32, #tpu.memory_space<vmem_shared>> -> memref<80x128xf32, #tpu.memory_space<vmem_shared>>
      %dma_start3A_351 = arith.constant 0 : i32
      %dma_start3A_352 = arith.constant 0 : i32
      %dma_start3A_353 = tpu.memref_slice %arg7[%run_scoped3A_42, %dma_start3A_351, %dma_start3A_352] : memref<2x80x128xf32, #tpu.memory_space<vmem>> -> memref<1x80x128xf32, #tpu.memory_space<vmem>>
      %dma_start3A_354 = tpu.memref_squeeze %dma_start3A_353 : memref<1x80x128xf32, #tpu.memory_space<vmem>> -> memref<80x128xf32, #tpu.memory_space<vmem>>
      tpu.enqueue_dma source(%dma_start3A_354 : memref<80x128xf32, #tpu.memory_space<vmem>>) target(%dma_start3A_350 : memref<80x128xf32, #tpu.memory_space<vmem_shared>>) target_semaphore(%run_scoped3A_342 : memref<!tpu.dma_semaphore, #tpu.memory_space<semaphore_mem>>)
      %dma_wait3A_355 = arith.constant 0 : i32
      %dma_wait3A_356 = arith.constant 0 : i32
      %dma_wait3A_357 = tpu.memref_slice %arg7[%run_scoped3A_42, %dma_wait3A_355, %dma_wait3A_356] : memref<2x80x128xf32, #tpu.memory_space<vmem>> -> memref<1x80x128xf32, #tpu.memory_space<vmem>>
      %dma_wait3A_358 = tpu.memref_squeeze %dma_wait3A_357 : memref<1x80x128xf32, #tpu.memory_space<vmem>> -> memref<80x128xf32, #tpu.memory_space<vmem>>
      %dma_wait3A_359 = arith.constant 0 : i32
      %dma_wait3A_360 = tpu.memref_slice %arg8[%add3A_41, %dma_wait3A_359] : memref<10240x128xf32, #tpu.memory_space<vmem_shared>> -> memref<80x128xf32, #tpu.memory_space<vmem_shared>>
      %dma_wait3A_361 = arith.constant 0 : i32
      %dma_wait3A_362 = tpu.memref_slice %arg8[%add3A_41, %dma_wait3A_361] : memref<10240x128xf32, #tpu.memory_space<vmem_shared>> -> memref<80x128xf32, #tpu.memory_space<vmem_shared>>
      %dma_wait3A_363 = arith.constant 0 : i32
      %dma_wait3A_364 = arith.constant 0 : i32
      %dma_wait3A_365 = tpu.memref_slice %arg7[%run_scoped3A_42, %dma_wait3A_363, %dma_wait3A_364] : memref<2x80x128xf32, #tpu.memory_space<vmem>> -> memref<1x80x128xf32, #tpu.memory_space<vmem>>
      %dma_wait3A_366 = tpu.memref_squeeze %dma_wait3A_365 : memref<1x80x128xf32, #tpu.memory_space<vmem>> -> memref<80x128xf32, #tpu.memory_space<vmem>>
      tpu.wait_dma2 semaphore(%run_scoped3A_342 : memref<!tpu.dma_semaphore, #tpu.memory_space<semaphore_mem>>) src(%dma_wait3A_366 : memref<80x128xf32, #tpu.memory_space<vmem>>) dst(%dma_wait3A_362 : memref<80x128xf32, #tpu.memory_space<vmem_shared>>)
      tpu.yield
    }) : () -> ()
    %mul3A_43 = arith.constant 640 : i32
    %mul3A_44 = arith.muli %arg1, %mul3A_43 : i32
    %add3A_45 = arith.constant 560 : i32
    %add3A_46 = arith.addi %mul3A_44, %add3A_45 : i32
    %run_scoped3A_47 = arith.constant 0 : i32
    "tpu.region"() ({
      %run_scoped3A_342 = tpu.sem_alloc : memref<!tpu.dma_semaphore, #tpu.memory_space<semaphore_mem>>
      %dma_start3A_343 = arith.constant 0 : i32
      %dma_start3A_344 = arith.constant 0 : i32
      %dma_start3A_345 = tpu.memref_slice %arg7[%run_scoped3A_47, %dma_start3A_343, %dma_start3A_344] : memref<2x80x128xf32, #tpu.memory_space<vmem>> -> memref<1x80x128xf32, #tpu.memory_space<vmem>>
      %dma_start3A_346 = tpu.memref_squeeze %dma_start3A_345 : memref<1x80x128xf32, #tpu.memory_space<vmem>> -> memref<80x128xf32, #tpu.memory_space<vmem>>
      %dma_start3A_347 = arith.constant 0 : i32
      %dma_start3A_348 = tpu.memref_slice %arg8[%add3A_46, %dma_start3A_347] : memref<10240x128xf32, #tpu.memory_space<vmem_shared>> -> memref<80x128xf32, #tpu.memory_space<vmem_shared>>
      %dma_start3A_349 = arith.constant 0 : i32
      %dma_start3A_350 = tpu.memref_slice %arg8[%add3A_46, %dma_start3A_349] : memref<10240x128xf32, #tpu.memory_space<vmem_shared>> -> memref<80x128xf32, #tpu.memory_space<vmem_shared>>
      %dma_start3A_351 = arith.constant 0 : i32
      %dma_start3A_352 = arith.constant 0 : i32
      %dma_start3A_353 = tpu.memref_slice %arg7[%run_scoped3A_47, %dma_start3A_351, %dma_start3A_352] : memref<2x80x128xf32, #tpu.memory_space<vmem>> -> memref<1x80x128xf32, #tpu.memory_space<vmem>>
      %dma_start3A_354 = tpu.memref_squeeze %dma_start3A_353 : memref<1x80x128xf32, #tpu.memory_space<vmem>> -> memref<80x128xf32, #tpu.memory_space<vmem>>
      tpu.enqueue_dma source(%dma_start3A_354 : memref<80x128xf32, #tpu.memory_space<vmem>>) target(%dma_start3A_350 : memref<80x128xf32, #tpu.memory_space<vmem_shared>>) target_semaphore(%run_scoped3A_342 : memref<!tpu.dma_semaphore, #tpu.memory_space<semaphore_mem>>)
      %dma_wait3A_355 = arith.constant 0 : i32
      %dma_wait3A_356 = arith.constant 0 : i32
      %dma_wait3A_357 = tpu.memref_slice %arg7[%run_scoped3A_47, %dma_wait3A_355, %dma_wait3A_356] : memref<2x80x128xf32, #tpu.memory_space<vmem>> -> memref<1x80x128xf32, #tpu.memory_space<vmem>>
      %dma_wait3A_358 = tpu.memref_squeeze %dma_wait3A_357 : memref<1x80x128xf32, #tpu.memory_space<vmem>> -> memref<80x128xf32, #tpu.memory_space<vmem>>
      %dma_wait3A_359 = arith.constant 0 : i32
      %dma_wait3A_360 = tpu.memref_slice %arg8[%add3A_46, %dma_wait3A_359] : memref<10240x128xf32, #tpu.memory_space<vmem_shared>> -> memref<80x128xf32, #tpu.memory_space<vmem_shared>>
      %dma_wait3A_361 = arith.constant 0 : i32
      %dma_wait3A_362 = tpu.memref_slice %arg8[%add3A_46, %dma_wait3A_361] : memref<10240x128xf32, #tpu.memory_space<vmem_shared>> -> memref<80x128xf32, #tpu.memory_space<vmem_shared>>
      %dma_wait3A_363 = arith.constant 0 : i32
      %dma_wait3A_364 = arith.constant 0 : i32
      %dma_wait3A_365 = tpu.memref_slice %arg7[%run_scoped3A_47, %dma_wait3A_363, %dma_wait3A_364] : memref<2x80x128xf32, #tpu.memory_space<vmem>> -> memref<1x80x128xf32, #tpu.memory_space<vmem>>
      %dma_wait3A_366 = tpu.memref_squeeze %dma_wait3A_365 : memref<1x80x128xf32, #tpu.memory_space<vmem>> -> memref<80x128xf32, #tpu.memory_space<vmem>>
      tpu.wait_dma2 semaphore(%run_scoped3A_342 : memref<!tpu.dma_semaphore, #tpu.memory_space<semaphore_mem>>) src(%dma_wait3A_366 : memref<80x128xf32, #tpu.memory_space<vmem>>) dst(%dma_wait3A_362 : memref<80x128xf32, #tpu.memory_space<vmem_shared>>)
      tpu.yield
    }) : () -> ()
    %barrier3A = arith.constant 0 : index
    tpu.barrier barrier_id(%barrier3A)
    %get3A = arith.constant 0 : i32
    %get3A_48 = arith.index_cast %get3A : i32 to index
    %get3A_49 = arith.constant 0 : index
    %get3A_50 = tpu.vector_load %arg5[%get3A_48, %get3A_49] {strides = array<i32>} : memref<128x80xi32, #tpu.memory_space<vmem>>, vector<1x16xi32>,
    %get3A_51 = vector.shape_cast %get3A_50 : vector<1x16xi32> to vector<16xi32>
    %and3A = arith.constant 65535 : i32
    %and3A_52 = vector.broadcast %and3A : i32 to vector<16xi32>
    %and3A_53 = arith.andi %get3A_51, %and3A_52 : vector<16xi32>
    %swap3A = arith.constant 0 : i32
    %swap3A_54 = arith.index_cast %swap3A : i32 to index
    %swap3A_55 = arith.constant 0 : index
    %swap3A_56 = tpu.vector_load %arg6[%swap3A_54, %swap3A_55] {strides = array<i32>} : memref<4x80xi32, #tpu.memory_space<vmem>>, vector<1x16xi32>,
    %swap3A_57 = vector.shape_cast %swap3A_56 : vector<1x16xi32> to vector<16xi32>
    %swap3A_58 = vector.shape_cast %and3A_53 : vector<16xi32> to vector<1x16xi32>
    tpu.vector_store %arg6[%swap3A_54, %swap3A_55], %swap3A_58 {strides = array<i32>} : memref<4x80xi32, #tpu.memory_space<vmem>>, vector<1x16xi32>,
    %shift_right_logical3A = arith.constant 16 : i32
    %shift_right_logical3A_59 = vector.broadcast %shift_right_logical3A : i32 to vector<16xi32>
    %shift_right_logical3A_60 = arith.shrui %get3A_51, %shift_right_logical3A_59 : vector<16xi32>
    %swap3A_61 = arith.constant 2 : i32
    %swap3A_62 = arith.index_cast %swap3A_61 : i32 to index
    %swap3A_63 = arith.constant 0 : index
    %swap3A_64 = tpu.vector_load %arg6[%swap3A_62, %swap3A_63] {strides = array<i32>} : memref<4x80xi32, #tpu.memory_space<vmem>>, vector<1x16xi32>,
    %swap3A_65 = vector.shape_cast %swap3A_64 : vector<1x16xi32> to vector<16xi32>
    %swap3A_66 = vector.shape_cast %shift_right_logical3A_60 : vector<16xi32> to vector<1x16xi32>
    tpu.vector_store %arg6[%swap3A_62, %swap3A_63], %swap3A_66 {strides = array<i32>} : memref<4x80xi32, #tpu.memory_space<vmem>>, vector<1x16xi32>,
    %get3A_67 = arith.constant 0 : i32
    %get3A_68 = arith.index_cast %get3A_67 : i32 to index
    %get3A_69 = arith.constant 16 : index
    %get3A_70 = tpu.vector_load %arg5[%get3A_68, %get3A_69] {strides = array<i32>} : memref<128x80xi32, #tpu.memory_space<vmem>>, vector<1x16xi32>,
    %get3A_71 = vector.shape_cast %get3A_70 : vector<1x16xi32> to vector<16xi32>
    %and3A_72 = arith.constant 65535 : i32
    %and3A_73 = vector.broadcast %and3A_72 : i32 to vector<16xi32>
    %and3A_74 = arith.andi %get3A_71, %and3A_73 : vector<16xi32>
    %swap3A_75 = arith.constant 0 : i32
    %swap3A_76 = arith.index_cast %swap3A_75 : i32 to index
    %swap3A_77 = arith.constant 16 : index
    %swap3A_78 = tpu.vector_load %arg6[%swap3A_76, %swap3A_77] {strides = array<i32>} : memref<4x80xi32, #tpu.memory_space<vmem>>, vector<1x16xi32>,
    %swap3A_79 = vector.shape_cast %swap3A_78 : vector<1x16xi32> to vector<16xi32>
    %swap3A_80 = vector.shape_cast %and3A_74 : vector<16xi32> to vector<1x16xi32>
    tpu.vector_store %arg6[%swap3A_76, %swap3A_77], %swap3A_80 {strides = array<i32>} : memref<4x80xi32, #tpu.memory_space<vmem>>, vector<1x16xi32>,
    %shift_right_logical3A_81 = arith.constant 16 : i32
    %shift_right_logical3A_82 = vector.broadcast %shift_right_logical3A_81 : i32 to vector<16xi32>
    %shift_right_logical3A_83 = arith.shrui %get3A_71, %shift_right_logical3A_82 : vector<16xi32>
    %swap3A_84 = arith.constant 2 : i32
    %swap3A_85 = arith.index_cast %swap3A_84 : i32 to index
    %swap3A_86 = arith.constant 16 : index
    %swap3A_87 = tpu.vector_load %arg6[%swap3A_85, %swap3A_86] {strides = array<i32>} : memref<4x80xi32, #tpu.memory_space<vmem>>, vector<1x16xi32>,
    %swap3A_88 = vector.shape_cast %swap3A_87 : vector<1x16xi32> to vector<16xi32>
    %swap3A_89 = vector.shape_cast %shift_right_logical3A_83 : vector<16xi32> to vector<1x16xi32>
    tpu.vector_store %arg6[%swap3A_85, %swap3A_86], %swap3A_89 {strides = array<i32>} : memref<4x80xi32, #tpu.memory_space<vmem>>, vector<1x16xi32>,
    %get3A_90 = arith.constant 0 : i32
    %get3A_91 = arith.index_cast %get3A_90 : i32 to index
    %get3A_92 = arith.constant 32 : index
    %get3A_93 = tpu.vector_load %arg5[%get3A_91, %get3A_92] {strides = array<i32>} : memref<128x80xi32, #tpu.memory_space<vmem>>, vector<1x16xi32>,
    %get3A_94 = vector.shape_cast %get3A_93 : vector<1x16xi32> to vector<16xi32>
    %and3A_95 = arith.constant 65535 : i32
    %and3A_96 = vector.broadcast %and3A_95 : i32 to vector<16xi32>
    %and3A_97 = arith.andi %get3A_94, %and3A_96 : vector<16xi32>
    %swap3A_98 = arith.constant 0 : i32
    %swap3A_99 = arith.index_cast %swap3A_98 : i32 to index
    %swap3A_100 = arith.constant 32 : index
    %swap3A_101 = tpu.vector_load %arg6[%swap3A_99, %swap3A_100] {strides = array<i32>} : memref<4x80xi32, #tpu.memory_space<vmem>>, vector<1x16xi32>,
    %swap3A_102 = vector.shape_cast %swap3A_101 : vector<1x16xi32> to vector<16xi32>
    %swap3A_103 = vector.shape_cast %and3A_97 : vector<16xi32> to vector<1x16xi32>
    tpu.vector_store %arg6[%swap3A_99, %swap3A_100], %swap3A_103 {strides = array<i32>} : memref<4x80xi32, #tpu.memory_space<vmem>>, vector<1x16xi32>,
    %shift_right_logical3A_104 = arith.constant 16 : i32
    %shift_right_logical3A_105 = vector.broadcast %shift_right_logical3A_104 : i32 to vector<16xi32>
    %shift_right_logical3A_106 = arith.shrui %get3A_94, %shift_right_logical3A_105 : vector<16xi32>
    %swap3A_107 = arith.constant 2 : i32
    %swap3A_108 = arith.index_cast %swap3A_107 : i32 to index
    %swap3A_109 = arith.constant 32 : index
    %swap3A_110 = tpu.vector_load %arg6[%swap3A_108, %swap3A_109] {strides = array<i32>} : memref<4x80xi32, #tpu.memory_space<vmem>>, vector<1x16xi32>,
    %swap3A_111 = vector.shape_cast %swap3A_110 : vector<1x16xi32> to vector<16xi32>
    %swap3A_112 = vector.shape_cast %shift_right_logical3A_106 : vector<16xi32> to vector<1x16xi32>
    tpu.vector_store %arg6[%swap3A_108, %swap3A_109], %swap3A_112 {strides = array<i32>} : memref<4x80xi32, #tpu.memory_space<vmem>>, vector<1x16xi32>,
    %get3A_113 = arith.constant 0 : i32
    %get3A_114 = arith.index_cast %get3A_113 : i32 to index
    %get3A_115 = arith.constant 48 : index
    %get3A_116 = tpu.vector_load %arg5[%get3A_114, %get3A_115] {strides = array<i32>} : memref<128x80xi32, #tpu.memory_space<vmem>>, vector<1x16xi32>,
    %get3A_117 = vector.shape_cast %get3A_116 : vector<1x16xi32> to vector<16xi32>
    %and3A_118 = arith.constant 65535 : i32
    %and3A_119 = vector.broadcast %and3A_118 : i32 to vector<16xi32>
    %and3A_120 = arith.andi %get3A_117, %and3A_119 : vector<16xi32>
    %swap3A_121 = arith.constant 0 : i32
    %swap3A_122 = arith.index_cast %swap3A_121 : i32 to index
    %swap3A_123 = arith.constant 48 : index
    %swap3A_124 = tpu.vector_load %arg6[%swap3A_122, %swap3A_123] {strides = array<i32>} : memref<4x80xi32, #tpu.memory_space<vmem>>, vector<1x16xi32>,
    %swap3A_125 = vector.shape_cast %swap3A_124 : vector<1x16xi32> to vector<16xi32>
    %swap3A_126 = vector.shape_cast %and3A_120 : vector<16xi32> to vector<1x16xi32>
    tpu.vector_store %arg6[%swap3A_122, %swap3A_123], %swap3A_126 {strides = array<i32>} : memref<4x80xi32, #tpu.memory_space<vmem>>, vector<1x16xi32>,
    %shift_right_logical3A_127 = arith.constant 16 : i32
    %shift_right_logical3A_128 = vector.broadcast %shift_right_logical3A_127 : i32 to vector<16xi32>
    %shift_right_logical3A_129 = arith.shrui %get3A_117, %shift_right_logical3A_128 : vector<16xi32>
    %swap3A_130 = arith.constant 2 : i32
    %swap3A_131 = arith.index_cast %swap3A_130 : i32 to index
    %swap3A_132 = arith.constant 48 : index
    %swap3A_133 = tpu.vector_load %arg6[%swap3A_131, %swap3A_132] {strides = array<i32>} : memref<4x80xi32, #tpu.memory_space<vmem>>, vector<1x16xi32>,
    %swap3A_134 = vector.shape_cast %swap3A_133 : vector<1x16xi32> to vector<16xi32>
    %swap3A_135 = vector.shape_cast %shift_right_logical3A_129 : vector<16xi32> to vector<1x16xi32>
    tpu.vector_store %arg6[%swap3A_131, %swap3A_132], %swap3A_135 {strides = array<i32>} : memref<4x80xi32, #tpu.memory_space<vmem>>, vector<1x16xi32>,
    %get3A_136 = arith.constant 0 : i32
    %get3A_137 = arith.index_cast %get3A_136 : i32 to index
    %get3A_138 = arith.constant 64 : index
    %get3A_139 = tpu.vector_load %arg5[%get3A_137, %get3A_138] {strides = array<i32>} : memref<128x80xi32, #tpu.memory_space<vmem>>, vector<1x16xi32>,
    %get3A_140 = vector.shape_cast %get3A_139 : vector<1x16xi32> to vector<16xi32>
    %and3A_141 = arith.constant 65535 : i32
    %and3A_142 = vector.broadcast %and3A_141 : i32 to vector<16xi32>
    %and3A_143 = arith.andi %get3A_140, %and3A_142 : vector<16xi32>
    %swap3A_144 = arith.constant 0 : i32
    %swap3A_145 = arith.index_cast %swap3A_144 : i32 to index
    %swap3A_146 = arith.constant 64 : index
    %swap3A_147 = tpu.vector_load %arg6[%swap3A_145, %swap3A_146] {strides = array<i32>} : memref<4x80xi32, #tpu.memory_space<vmem>>, vector<1x16xi32>,
    %swap3A_148 = vector.shape_cast %swap3A_147 : vector<1x16xi32> to vector<16xi32>
    %swap3A_149 = vector.shape_cast %and3A_143 : vector<16xi32> to vector<1x16xi32>
    tpu.vector_store %arg6[%swap3A_145, %swap3A_146], %swap3A_149 {strides = array<i32>} : memref<4x80xi32, #tpu.memory_space<vmem>>, vector<1x16xi32>,
    %shift_right_logical3A_150 = arith.constant 16 : i32
    %shift_right_logical3A_151 = vector.broadcast %shift_right_logical3A_150 : i32 to vector<16xi32>
    %shift_right_logical3A_152 = arith.shrui %get3A_140, %shift_right_logical3A_151 : vector<16xi32>
    %swap3A_153 = arith.constant 2 : i32
    %swap3A_154 = arith.index_cast %swap3A_153 : i32 to index
    %swap3A_155 = arith.constant 64 : index
    %swap3A_156 = tpu.vector_load %arg6[%swap3A_154, %swap3A_155] {strides = array<i32>} : memref<4x80xi32, #tpu.memory_space<vmem>>, vector<1x16xi32>,
    %swap3A_157 = vector.shape_cast %swap3A_156 : vector<1x16xi32> to vector<16xi32>
    %swap3A_158 = vector.shape_cast %shift_right_logical3A_152 : vector<16xi32> to vector<1x16xi32>
    tpu.vector_store %arg6[%swap3A_154, %swap3A_155], %swap3A_158 {strides = array<i32>} : memref<4x80xi32, #tpu.memory_space<vmem>>, vector<1x16xi32>,
    %dma_start3A = arith.constant 0 : i32
    %dma_start3A_159 = arith.constant 0 : i32
    %dma_start3A_160 = arith.constant 0 : i32
    %dma_start3A_161 = arith.constant 0 : i32
    %dma_start3A_162 = arith.constant 0 : i32
    %dma_start3A_163 = tpu.memref_slice %arg7[%dma_start3A_159, %dma_start3A_161, %dma_start3A_162] : memref<2x80x128xf32, #tpu.memory_space<vmem>> -> memref<1x80x128xf32, #tpu.memory_space<vmem>>
    %dma_start3A_164 = tpu.memref_squeeze %dma_start3A_163 : memref<1x80x128xf32, #tpu.memory_space<vmem>> -> memref<80x128xf32, #tpu.memory_space<vmem>>
    %dma_start3A_165 = arith.constant 0 : i32
    %dma_start3A_166 = tpu.memref_slice %arg6[%dma_start3A, %dma_start3A_165] : memref<4x80xi32, #tpu.memory_space<vmem>> -> memref<1x80xi32, #tpu.memory_space<vmem>>
    %dma_start3A_167 = tpu.memref_squeeze %dma_start3A_166 : memref<1x80xi32, #tpu.memory_space<vmem>> -> memref<80xi32, #tpu.memory_space<vmem>>
    %dma_start3A_168 = arith.constant 0 : i32
    %dma_start3A_169 = arith.constant 0 : i32
    %dma_start3A_170 = tpu.memref_slice %arg2[%dma_start3A_168, %dma_start3A_169] : memref<10000x128xf32, #tpu.memory_space<hbm>> -> memref<10000x128xf32, #tpu.memory_space<hbm>>
    %dma_start3A_171 = tpu.memref_slice %arg9[%dma_start3A_160] : memref<2x!tpu.dma_semaphore, #tpu.memory_space<semaphore_mem>> -> memref<1x!tpu.dma_semaphore, #tpu.memory_space<semaphore_mem>>
    %dma_start3A_172 = tpu.memref_squeeze %dma_start3A_171 : memref<1x!tpu.dma_semaphore, #tpu.memory_space<semaphore_mem>> -> memref<!tpu.dma_semaphore, #tpu.memory_space<semaphore_mem>>
    tpu.enqueue_indirect_dma source(%dma_start3A_170 : memref<10000x128xf32, #tpu.memory_space<hbm>>) target(%dma_start3A_164 : memref<80x128xf32, #tpu.memory_space<vmem>>) offsets(%dma_start3A_167 : memref<80xi32, #tpu.memory_space<vmem>>) semaphore(%dma_start3A_172 : memref<!tpu.dma_semaphore, #tpu.memory_space<semaphore_mem>>)
    %get3A_173 = arith.constant 1 : i32
    %get3A_174 = arith.index_cast %get3A_173 : i32 to index
    %get3A_175 = arith.constant 0 : index
    %get3A_176 = tpu.vector_load %arg5[%get3A_174, %get3A_175] {strides = array<i32>} : memref<128x80xi32, #tpu.memory_space<vmem>>, vector<1x16xi32>,
    %get3A_177 = vector.shape_cast %get3A_176 : vector<1x16xi32> to vector<16xi32>
    %and3A_178 = arith.constant 65535 : i32
    %and3A_179 = vector.broadcast %and3A_178 : i32 to vector<16xi32>
    %and3A_180 = arith.andi %get3A_177, %and3A_179 : vector<16xi32>
    %swap3A_181 = arith.constant 1 : i32
    %swap3A_182 = arith.index_cast %swap3A_181 : i32 to index
    %swap3A_183 = arith.constant 0 : index
    %swap3A_184 = tpu.vector_load %arg6[%swap3A_182, %swap3A_183] {strides = array<i32>} : memref<4x80xi32, #tpu.memory_space<vmem>>, vector<1x16xi32>,
    %swap3A_185 = vector.shape_cast %swap3A_184 : vector<1x16xi32> to vector<16xi32>
    %swap3A_186 = vector.shape_cast %and3A_180 : vector<16xi32> to vector<1x16xi32>
    tpu.vector_store %arg6[%swap3A_182, %swap3A_183], %swap3A_186 {strides = array<i32>} : memref<4x80xi32, #tpu.memory_space<vmem>>, vector<1x16xi32>,
    %shift_right_logical3A_187 = arith.constant 16 : i32
    %shift_right_logical3A_188 = vector.broadcast %shift_right_logical3A_187 : i32 to vector<16xi32>
    %shift_right_logical3A_189 = arith.shrui %get3A_177, %shift_right_logical3A_188 : vector<16xi32>
    %swap3A_190 = arith.constant 3 : i32
    %swap3A_191 = arith.index_cast %swap3A_190 : i32 to index
    %swap3A_192 = arith.constant 0 : index
    %swap3A_193 = tpu.vector_load %arg6[%swap3A_191, %swap3A_192] {strides = array<i32>} : memref<4x80xi32, #tpu.memory_space<vmem>>, vector<1x16xi32>,
    %swap3A_194 = vector.shape_cast %swap3A_193 : vector<1x16xi32> to vector<16xi32>
    %swap3A_195 = vector.shape_cast %shift_right_logical3A_189 : vector<16xi32> to vector<1x16xi32>
    tpu.vector_store %arg6[%swap3A_191, %swap3A_192], %swap3A_195 {strides = array<i32>} : memref<4x80xi32, #tpu.memory_space<vmem>>, vector<1x16xi32>,
    %get3A_196 = arith.constant 1 : i32
    %get3A_197 = arith.index_cast %get3A_196 : i32 to index
    %get3A_198 = arith.constant 16 : index
    %get3A_199 = tpu.vector_load %arg5[%get3A_197, %get3A_198] {strides = array<i32>} : memref<128x80xi32, #tpu.memory_space<vmem>>, vector<1x16xi32>,
    %get3A_200 = vector.shape_cast %get3A_199 : vector<1x16xi32> to vector<16xi32>
    %and3A_201 = arith.constant 65535 : i32
    %and3A_202 = vector.broadcast %and3A_201 : i32 to vector<16xi32>
    %and3A_203 = arith.andi %get3A_200, %and3A_202 : vector<16xi32>
    %swap3A_204 = arith.constant 1 : i32
    %swap3A_205 = arith.index_cast %swap3A_204 : i32 to index
    %swap3A_206 = arith.constant 16 : index
    %swap3A_207 = tpu.vector_load %arg6[%swap3A_205, %swap3A_206] {strides = array<i32>} : memref<4x80xi32, #tpu.memory_space<vmem>>, vector<1x16xi32>,
    %swap3A_208 = vector.shape_cast %swap3A_207 : vector<1x16xi32> to vector<16xi32>
    %swap3A_209 = vector.shape_cast %and3A_203 : vector<16xi32> to vector<1x16xi32>
    tpu.vector_store %arg6[%swap3A_205, %swap3A_206], %swap3A_209 {strides = array<i32>} : memref<4x80xi32, #tpu.memory_space<vmem>>, vector<1x16xi32>,
    %shift_right_logical3A_210 = arith.constant 16 : i32
    %shift_right_logical3A_211 = vector.broadcast %shift_right_logical3A_210 : i32 to vector<16xi32>
    %shift_right_logical3A_212 = arith.shrui %get3A_200, %shift_right_logical3A_211 : vector<16xi32>
    %swap3A_213 = arith.constant 3 : i32
    %swap3A_214 = arith.index_cast %swap3A_213 : i32 to index
    %swap3A_215 = arith.constant 16 : index
    %swap3A_216 = tpu.vector_load %arg6[%swap3A_214, %swap3A_215] {strides = array<i32>} : memref<4x80xi32, #tpu.memory_space<vmem>>, vector<1x16xi32>,
    %swap3A_217 = vector.shape_cast %swap3A_216 : vector<1x16xi32> to vector<16xi32>
    %swap3A_218 = vector.shape_cast %shift_right_logical3A_212 : vector<16xi32> to vector<1x16xi32>
    tpu.vector_store %arg6[%swap3A_214, %swap3A_215], %swap3A_218 {strides = array<i32>} : memref<4x80xi32, #tpu.memory_space<vmem>>, vector<1x16xi32>,
    %get3A_219 = arith.constant 1 : i32
    %get3A_220 = arith.index_cast %get3A_219 : i32 to index
    %get3A_221 = arith.constant 32 : index
    %get3A_222 = tpu.vector_load %arg5[%get3A_220, %get3A_221] {strides = array<i32>} : memref<128x80xi32, #tpu.memory_space<vmem>>, vector<1x16xi32>,
    %get3A_223 = vector.shape_cast %get3A_222 : vector<1x16xi32> to vector<16xi32>
    %and3A_224 = arith.constant 65535 : i32
    %and3A_225 = vector.broadcast %and3A_224 : i32 to vector<16xi32>
    %and3A_226 = arith.andi %get3A_223, %and3A_225 : vector<16xi32>
    %swap3A_227 = arith.constant 1 : i32
    %swap3A_228 = arith.index_cast %swap3A_227 : i32 to index
    %swap3A_229 = arith.constant 32 : index
    %swap3A_230 = tpu.vector_load %arg6[%swap3A_228, %swap3A_229] {strides = array<i32>} : memref<4x80xi32, #tpu.memory_space<vmem>>, vector<1x16xi32>,
    %swap3A_231 = vector.shape_cast %swap3A_230 : vector<1x16xi32> to vector<16xi32>
    %swap3A_232 = vector.shape_cast %and3A_226 : vector<16xi32> to vector<1x16xi32>
    tpu.vector_store %arg6[%swap3A_228, %swap3A_229], %swap3A_232 {strides = array<i32>} : memref<4x80xi32, #tpu.memory_space<vmem>>, vector<1x16xi32>,
    %shift_right_logical3A_233 = arith.constant 16 : i32
    %shift_right_logical3A_234 = vector.broadcast %shift_right_logical3A_233 : i32 to vector<16xi32>
    %shift_right_logical3A_235 = arith.shrui %get3A_223, %shift_right_logical3A_234 : vector<16xi32>
    %swap3A_236 = arith.constant 3 : i32
    %swap3A_237 = arith.index_cast %swap3A_236 : i32 to index
    %swap3A_238 = arith.constant 32 : index
    %swap3A_239 = tpu.vector_load %arg6[%swap3A_237, %swap3A_238] {strides = array<i32>} : memref<4x80xi32, #tpu.memory_space<vmem>>, vector<1x16xi32>,
    %swap3A_240 = vector.shape_cast %swap3A_239 : vector<1x16xi32> to vector<16xi32>
    %swap3A_241 = vector.shape_cast %shift_right_logical3A_235 : vector<16xi32> to vector<1x16xi32>
    tpu.vector_store %arg6[%swap3A_237, %swap3A_238], %swap3A_241 {strides = array<i32>} : memref<4x80xi32, #tpu.memory_space<vmem>>, vector<1x16xi32>,
    %get3A_242 = arith.constant 1 : i32
    %get3A_243 = arith.index_cast %get3A_242 : i32 to index
    %get3A_244 = arith.constant 48 : index
    %get3A_245 = tpu.vector_load %arg5[%get3A_243, %get3A_244] {strides = array<i32>} : memref<128x80xi32, #tpu.memory_space<vmem>>, vector<1x16xi32>,
    %get3A_246 = vector.shape_cast %get3A_245 : vector<1x16xi32> to vector<16xi32>
    %and3A_247 = arith.constant 65535 : i32
    %and3A_248 = vector.broadcast %and3A_247 : i32 to vector<16xi32>
    %and3A_249 = arith.andi %get3A_246, %and3A_248 : vector<16xi32>
    %swap3A_250 = arith.constant 1 : i32
    %swap3A_251 = arith.index_cast %swap3A_250 : i32 to index
    %swap3A_252 = arith.constant 48 : index
    %swap3A_253 = tpu.vector_load %arg6[%swap3A_251, %swap3A_252] {strides = array<i32>} : memref<4x80xi32, #tpu.memory_space<vmem>>, vector<1x16xi32>,
    %swap3A_254 = vector.shape_cast %swap3A_253 : vector<1x16xi32> to vector<16xi32>
    %swap3A_255 = vector.shape_cast %and3A_249 : vector<16xi32> to vector<1x16xi32>
    tpu.vector_store %arg6[%swap3A_251, %swap3A_252], %swap3A_255 {strides = array<i32>} : memref<4x80xi32, #tpu.memory_space<vmem>>, vector<1x16xi32>,
    %shift_right_logical3A_256 = arith.constant 16 : i32
    %shift_right_logical3A_257 = vector.broadcast %shift_right_logical3A_256 : i32 to vector<16xi32>
    %shift_right_logical3A_258 = arith.shrui %get3A_246, %shift_right_logical3A_257 : vector<16xi32>
    %swap3A_259 = arith.constant 3 : i32
    %swap3A_260 = arith.index_cast %swap3A_259 : i32 to index
    %swap3A_261 = arith.constant 48 : index
    %swap3A_262 = tpu.vector_load %arg6[%swap3A_260, %swap3A_261] {strides = array<i32>} : memref<4x80xi32, #tpu.memory_space<vmem>>, vector<1x16xi32>,
    %swap3A_263 = vector.shape_cast %swap3A_262 : vector<1x16xi32> to vector<16xi32>
    %swap3A_264 = vector.shape_cast %shift_right_logical3A_258 : vector<16xi32> to vector<1x16xi32>
    tpu.vector_store %arg6[%swap3A_260, %swap3A_261], %swap3A_264 {strides = array<i32>} : memref<4x80xi32, #tpu.memory_space<vmem>>, vector<1x16xi32>,
    %get3A_265 = arith.constant 1 : i32
    %get3A_266 = arith.index_cast %get3A_265 : i32 to index
    %get3A_267 = arith.constant 64 : index
    %get3A_268 = tpu.vector_load %arg5[%get3A_266, %get3A_267] {strides = array<i32>} : memref<128x80xi32, #tpu.memory_space<vmem>>, vector<1x16xi32>,
    %get3A_269 = vector.shape_cast %get3A_268 : vector<1x16xi32> to vector<16xi32>
    %and3A_270 = arith.constant 65535 : i32
    %and3A_271 = vector.broadcast %and3A_270 : i32 to vector<16xi32>
    %and3A_272 = arith.andi %get3A_269, %and3A_271 : vector<16xi32>
    %swap3A_273 = arith.constant 1 : i32
    %swap3A_274 = arith.index_cast %swap3A_273 : i32 to index
    %swap3A_275 = arith.constant 64 : index
    %swap3A_276 = tpu.vector_load %arg6[%swap3A_274, %swap3A_275] {strides = array<i32>} : memref<4x80xi32, #tpu.memory_space<vmem>>, vector<1x16xi32>,
    %swap3A_277 = vector.shape_cast %swap3A_276 : vector<1x16xi32> to vector<16xi32>
    %swap3A_278 = vector.shape_cast %and3A_272 : vector<16xi32> to vector<1x16xi32>
    tpu.vector_store %arg6[%swap3A_274, %swap3A_275], %swap3A_278 {strides = array<i32>} : memref<4x80xi32, #tpu.memory_space<vmem>>, vector<1x16xi32>,
    %shift_right_logical3A_279 = arith.constant 16 : i32
    %shift_right_logical3A_280 = vector.broadcast %shift_right_logical3A_279 : i32 to vector<16xi32>
    %shift_right_logical3A_281 = arith.shrui %get3A_269, %shift_right_logical3A_280 : vector<16xi32>
    %swap3A_282 = arith.constant 3 : i32
    %swap3A_283 = arith.index_cast %swap3A_282 : i32 to index
    %swap3A_284 = arith.constant 64 : index
    %swap3A_285 = tpu.vector_load %arg6[%swap3A_283, %swap3A_284] {strides = array<i32>} : memref<4x80xi32, #tpu.memory_space<vmem>>, vector<1x16xi32>,
    %swap3A_286 = vector.shape_cast %swap3A_285 : vector<1x16xi32> to vector<16xi32>
    %swap3A_287 = vector.shape_cast %shift_right_logical3A_281 : vector<16xi32> to vector<1x16xi32>
    tpu.vector_store %arg6[%swap3A_283, %swap3A_284], %swap3A_287 {strides = array<i32>} : memref<4x80xi32, #tpu.memory_space<vmem>>, vector<1x16xi32>,
    %dma_start3A_288 = arith.constant 1 : i32
    %dma_start3A_289 = arith.constant 1 : i32
    %dma_start3A_290 = arith.constant 1 : i32
    %dma_start3A_291 = arith.constant 0 : i32
    %dma_start3A_292 = arith.constant 0 : i32
    %dma_start3A_293 = tpu.memref_slice %arg7[%dma_start3A_289, %dma_start3A_291, %dma_start3A_292] : memref<2x80x128xf32, #tpu.memory_space<vmem>> -> memref<1x80x128xf32, #tpu.memory_space<vmem>>
    %dma_start3A_294 = tpu.memref_squeeze %dma_start3A_293 : memref<1x80x128xf32, #tpu.memory_space<vmem>> -> memref<80x128xf32, #tpu.memory_space<vmem>>
    %dma_start3A_295 = arith.constant 0 : i32
    %dma_start3A_296 = tpu.memref_slice %arg6[%dma_start3A_288, %dma_start3A_295] : memref<4x80xi32, #tpu.memory_space<vmem>> -> memref<1x80xi32, #tpu.memory_space<vmem>>
    %dma_start3A_297 = tpu.memref_squeeze %dma_start3A_296 : memref<1x80xi32, #tpu.memory_space<vmem>> -> memref<80xi32, #tpu.memory_space<vmem>>
    %dma_start3A_298 = arith.constant 0 : i32
    %dma_start3A_299 = arith.constant 0 : i32
    %dma_start3A_300 = tpu.memref_slice %arg2[%dma_start3A_298, %dma_start3A_299] : memref<10000x128xf32, #tpu.memory_space<hbm>> -> memref<10000x128xf32, #tpu.memory_space<hbm>>
    %dma_start3A_301 = tpu.memref_slice %arg9[%dma_start3A_290] : memref<2x!tpu.dma_semaphore, #tpu.memory_space<semaphore_mem>> -> memref<1x!tpu.dma_semaphore, #tpu.memory_space<semaphore_mem>>
    %dma_start3A_302 = tpu.memref_squeeze %dma_start3A_301 : memref<1x!tpu.dma_semaphore, #tpu.memory_space<semaphore_mem>> -> memref<!tpu.dma_semaphore, #tpu.memory_space<semaphore_mem>>
    tpu.enqueue_indirect_dma source(%dma_start3A_300 : memref<10000x128xf32, #tpu.memory_space<hbm>>) target(%dma_start3A_294 : memref<80x128xf32, #tpu.memory_space<vmem>>) offsets(%dma_start3A_297 : memref<80xi32, #tpu.memory_space<vmem>>) semaphore(%dma_start3A_302 : memref<!tpu.dma_semaphore, #tpu.memory_space<semaphore_mem>>)
    %scan3A_303 = arith.constant 0 : i32
    %scan3A_304 = arith.constant 0 : i32
    %scan3A_305 = arith.constant 64 : i32
    %scan3A_306 = arith.addi %scan3A_304, %scan3A_305 : i32
    %scan3A_307 = arith.constant 1 : i32
    %scan3A_308 = scf.for %scan3A_342 = %scan3A_304 to %scan3A_306 step %scan3A_307 iter_args(%scan3A_343 = %scan3A_303) -> (i32)  : i32 {
      %mul3A_344 = arith.constant 2 : i32
      %mul3A_345 = arith.muli %scan3A_342, %mul3A_344 : i32
      %dma_wait3A_346 = arith.constant 0 : i32
      %dma_wait3A_347 = arith.constant 0 : i32
      %dma_wait3A_348 = arith.constant 0 : i32
      %dma_wait3A_349 = arith.constant 0 : i32
      %dma_wait3A_350 = arith.constant 0 : i32
      %dma_wait3A_351 = tpu.memref_slice %arg7[%dma_wait3A_347, %dma_wait3A_349, %dma_wait3A_350] : memref<2x80x128xf32, #tpu.memory_space<vmem>> -> memref<1x80x128xf32, #tpu.memory_space<vmem>>
      %dma_wait3A_352 = tpu.memref_squeeze %dma_wait3A_351 : memref<1x80x128xf32, #tpu.memory_space<vmem>> -> memref<80x128xf32, #tpu.memory_space<vmem>>
      %dma_wait3A_353 = arith.constant 0 : i32
      %dma_wait3A_354 = tpu.memref_slice %arg6[%dma_wait3A_346, %dma_wait3A_353] : memref<4x80xi32, #tpu.memory_space<vmem>> -> memref<1x80xi32, #tpu.memory_space<vmem>>
      %dma_wait3A_355 = tpu.memref_squeeze %dma_wait3A_354 : memref<1x80xi32, #tpu.memory_space<vmem>> -> memref<80xi32, #tpu.memory_space<vmem>>
      %dma_wait3A_356 = arith.constant 0 : i32
      %dma_wait3A_357 = arith.constant 0 : i32
      %dma_wait3A_358 = tpu.memref_slice %arg2[%dma_wait3A_356, %dma_wait3A_357] : memref<10000x128xf32, #tpu.memory_space<hbm>> -> memref<10000x128xf32, #tpu.memory_space<hbm>>
      %dma_wait3A_359 = tpu.memref_slice %arg9[%dma_wait3A_348] : memref<2x!tpu.dma_semaphore, #tpu.memory_space<semaphore_mem>> -> memref<1x!tpu.dma_semaphore, #tpu.memory_space<semaphore_mem>>
      %dma_wait3A_360 = tpu.memref_squeeze %dma_wait3A_359 : memref<1x!tpu.dma_semaphore, #tpu.memory_space<semaphore_mem>> -> memref<!tpu.dma_semaphore, #tpu.memory_space<semaphore_mem>>
      tpu.wait_indirect_dma semaphore(%dma_wait3A_360 : memref<!tpu.dma_semaphore, #tpu.memory_space<semaphore_mem>>) src(%dma_wait3A_358 : memref<10000x128xf32, #tpu.memory_space<hbm>>) dst(%dma_wait3A_352 : memref<80x128xf32, #tpu.memory_space<vmem>>)
      %dma_start3A_361 = arith.constant 0 : i32
      %dma_start3A_362 = arith.constant 2 : i32
      %dma_start3A_363 = arith.constant 0 : i32
      %dma_start3A_364 = arith.constant 0 : i32
      %dma_start3A_365 = arith.constant 0 : i32
      %dma_start3A_366 = tpu.memref_slice %arg7[%dma_start3A_361, %dma_start3A_364, %dma_start3A_365] : memref<2x80x128xf32, #tpu.memory_space<vmem>> -> memref<1x80x128xf32, #tpu.memory_space<vmem>>
      %dma_start3A_367 = tpu.memref_squeeze %dma_start3A_366 : memref<1x80x128xf32, #tpu.memory_space<vmem>> -> memref<80x128xf32, #tpu.memory_space<vmem>>
      %dma_start3A_368 = arith.constant 0 : i32
      %dma_start3A_369 = tpu.memref_slice %arg6[%dma_start3A_362, %dma_start3A_368] : memref<4x80xi32, #tpu.memory_space<vmem>> -> memref<1x80xi32, #tpu.memory_space<vmem>>
      %dma_start3A_370 = tpu.memref_squeeze %dma_start3A_369 : memref<1x80xi32, #tpu.memory_space<vmem>> -> memref<80xi32, #tpu.memory_space<vmem>>
      %dma_start3A_371 = arith.constant 0 : i32
      %dma_start3A_372 = arith.constant 0 : i32
      %dma_start3A_373 = tpu.memref_slice %arg8[%dma_start3A_371, %dma_start3A_372] : memref<10240x128xf32, #tpu.memory_space<vmem_shared>> -> memref<10240x128xf32, #tpu.memory_space<vmem_shared>>
      %dma_start3A_374 = tpu.memref_slice %arg10[%dma_start3A_363] : memref<2x!tpu.dma_semaphore, #tpu.memory_space<semaphore_mem>> -> memref<1x!tpu.dma_semaphore, #tpu.memory_space<semaphore_mem>>
      %dma_start3A_375 = tpu.memref_squeeze %dma_start3A_374 : memref<1x!tpu.dma_semaphore, #tpu.memory_space<semaphore_mem>> -> memref<!tpu.dma_semaphore, #tpu.memory_space<semaphore_mem>>
      tpu.enqueue_indirect_dma source(%dma_start3A_367 : memref<80x128xf32, #tpu.memory_space<vmem>>) target(%dma_start3A_373 : memref<10240x128xf32, #tpu.memory_space<vmem_shared>>) offsets(%dma_start3A_370 : memref<80xi32, #tpu.memory_space<vmem>>) semaphore(%dma_start3A_375 : memref<!tpu.dma_semaphore, #tpu.memory_space<semaphore_mem>>) {add = true}
      %dma_wait3A_376 = arith.constant 1 : i32
      %dma_wait3A_377 = arith.constant 1 : i32
      %dma_wait3A_378 = arith.constant 1 : i32
      %dma_wait3A_379 = arith.constant 0 : i32
      %dma_wait3A_380 = arith.constant 0 : i32
      %dma_wait3A_381 = tpu.memref_slice %arg7[%dma_wait3A_377, %dma_wait3A_379, %dma_wait3A_380] : memref<2x80x128xf32, #tpu.memory_space<vmem>> -> memref<1x80x128xf32, #tpu.memory_space<vmem>>
      %dma_wait3A_382 = tpu.memref_squeeze %dma_wait3A_381 : memref<1x80x128xf32, #tpu.memory_space<vmem>> -> memref<80x128xf32, #tpu.memory_space<vmem>>
      %dma_wait3A_383 = arith.constant 0 : i32
      %dma_wait3A_384 = tpu.memref_slice %arg6[%dma_wait3A_376, %dma_wait3A_383] : memref<4x80xi32, #tpu.memory_space<vmem>> -> memref<1x80xi32, #tpu.memory_space<vmem>>
      %dma_wait3A_385 = tpu.memref_squeeze %dma_wait3A_384 : memref<1x80xi32, #tpu.memory_space<vmem>> -> memref<80xi32, #tpu.memory_space<vmem>>
      %dma_wait3A_386 = arith.constant 0 : i32
      %dma_wait3A_387 = arith.constant 0 : i32
      %dma_wait3A_388 = tpu.memref_slice %arg2[%dma_wait3A_386, %dma_wait3A_387] : memref<10000x128xf32, #tpu.memory_space<hbm>> -> memref<10000x128xf32, #tpu.memory_space<hbm>>
      %dma_wait3A_389 = tpu.memref_slice %arg9[%dma_wait3A_378] : memref<2x!tpu.dma_semaphore, #tpu.memory_space<semaphore_mem>> -> memref<1x!tpu.dma_semaphore, #tpu.memory_space<semaphore_mem>>
      %dma_wait3A_390 = tpu.memref_squeeze %dma_wait3A_389 : memref<1x!tpu.dma_semaphore, #tpu.memory_space<semaphore_mem>> -> memref<!tpu.dma_semaphore, #tpu.memory_space<semaphore_mem>>
      tpu.wait_indirect_dma semaphore(%dma_wait3A_390 : memref<!tpu.dma_semaphore, #tpu.memory_space<semaphore_mem>>) src(%dma_wait3A_388 : memref<10000x128xf32, #tpu.memory_space<hbm>>) dst(%dma_wait3A_382 : memref<80x128xf32, #tpu.memory_space<vmem>>)
      %dma_start3A_391 = arith.constant 1 : i32
      %dma_start3A_392 = arith.constant 3 : i32
      %dma_start3A_393 = arith.constant 1 : i32
      %dma_start3A_394 = arith.constant 0 : i32
      %dma_start3A_395 = arith.constant 0 : i32
      %dma_start3A_396 = tpu.memref_slice %arg7[%dma_start3A_391, %dma_start3A_394, %dma_start3A_395] : memref<2x80x128xf32, #tpu.memory_space<vmem>> -> memref<1x80x128xf32, #tpu.memory_space<vmem>>
      %dma_start3A_397 = tpu.memref_squeeze %dma_start3A_396 : memref<1x80x128xf32, #tpu.memory_space<vmem>> -> memref<80x128xf32, #tpu.memory_space<vmem>>
      %dma_start3A_398 = arith.constant 0 : i32
      %dma_start3A_399 = tpu.memref_slice %arg6[%dma_start3A_392, %dma_start3A_398] : memref<4x80xi32, #tpu.memory_space<vmem>> -> memref<1x80xi32, #tpu.memory_space<vmem>>
      %dma_start3A_400 = tpu.memref_squeeze %dma_start3A_399 : memref<1x80xi32, #tpu.memory_space<vmem>> -> memref<80xi32, #tpu.memory_space<vmem>>
      %dma_start3A_401 = arith.constant 0 : i32
      %dma_start3A_402 = arith.constant 0 : i32
      %dma_start3A_403 = tpu.memref_slice %arg8[%dma_start3A_401, %dma_start3A_402] : memref<10240x128xf32, #tpu.memory_space<vmem_shared>> -> memref<10240x128xf32, #tpu.memory_space<vmem_shared>>
      %dma_start3A_404 = tpu.memref_slice %arg10[%dma_start3A_393] : memref<2x!tpu.dma_semaphore, #tpu.memory_space<semaphore_mem>> -> memref<1x!tpu.dma_semaphore, #tpu.memory_space<semaphore_mem>>
      %dma_start3A_405 = tpu.memref_squeeze %dma_start3A_404 : memref<1x!tpu.dma_semaphore, #tpu.memory_space<semaphore_mem>> -> memref<!tpu.dma_semaphore, #tpu.memory_space<semaphore_mem>>
      tpu.enqueue_indirect_dma source(%dma_start3A_397 : memref<80x128xf32, #tpu.memory_space<vmem>>) target(%dma_start3A_403 : memref<10240x128xf32, #tpu.memory_space<vmem_shared>>) offsets(%dma_start3A_400 : memref<80xi32, #tpu.memory_space<vmem>>) semaphore(%dma_start3A_405 : memref<!tpu.dma_semaphore, #tpu.memory_space<semaphore_mem>>) {add = true}
      %add3A_406 = arith.constant 1 : i32
      %add3A_407 = arith.addi %scan3A_342, %add3A_406 : i32
      %lt3A_408 = arith.constant 64 : i32
      %lt3A_409 = arith.cmpi slt, %add3A_407, %lt3A_408 : i32
      %convert_element_type3A_410 = arith.extui %lt3A_409 : i1 to i32
      %cond3A_411 = arith.constant 0 : i32
      %cond3A_412 = arith.cmpi ne, %convert_element_type3A_410, %cond3A_411 : i32
      scf.if %cond3A_412 {
        %dma_wait3A_414 = arith.constant 0 : i32
        %dma_wait3A_415 = arith.constant 2 : i32
        %dma_wait3A_416 = arith.constant 0 : i32
        %dma_wait3A_417 = arith.constant 0 : i32
        %dma_wait3A_418 = arith.constant 0 : i32
        %dma_wait3A_419 = tpu.memref_slice %arg7[%dma_wait3A_414, %dma_wait3A_417, %dma_wait3A_418] : memref<2x80x128xf32, #tpu.memory_space<vmem>> -> memref<1x80x128xf32, #tpu.memory_space<vmem>>
        %dma_wait3A_420 = tpu.memref_squeeze %dma_wait3A_419 : memref<1x80x128xf32, #tpu.memory_space<vmem>> -> memref<80x128xf32, #tpu.memory_space<vmem>>
        %dma_wait3A_421 = arith.constant 0 : i32
        %dma_wait3A_422 = tpu.memref_slice %arg6[%dma_wait3A_415, %dma_wait3A_421] : memref<4x80xi32, #tpu.memory_space<vmem>> -> memref<1x80xi32, #tpu.memory_space<vmem>>
        %dma_wait3A_423 = tpu.memref_squeeze %dma_wait3A_422 : memref<1x80xi32, #tpu.memory_space<vmem>> -> memref<80xi32, #tpu.memory_space<vmem>>
        %dma_wait3A_424 = arith.constant 0 : i32
        %dma_wait3A_425 = arith.constant 0 : i32
        %dma_wait3A_426 = tpu.memref_slice %arg8[%dma_wait3A_424, %dma_wait3A_425] : memref<10240x128xf32, #tpu.memory_space<vmem_shared>> -> memref<10240x128xf32, #tpu.memory_space<vmem_shared>>
        %dma_wait3A_427 = tpu.memref_slice %arg10[%dma_wait3A_416] : memref<2x!tpu.dma_semaphore, #tpu.memory_space<semaphore_mem>> -> memref<1x!tpu.dma_semaphore, #tpu.memory_space<semaphore_mem>>
        %dma_wait3A_428 = tpu.memref_squeeze %dma_wait3A_427 : memref<1x!tpu.dma_semaphore, #tpu.memory_space<semaphore_mem>> -> memref<!tpu.dma_semaphore, #tpu.memory_space<semaphore_mem>>
        tpu.wait_indirect_dma semaphore(%dma_wait3A_428 : memref<!tpu.dma_semaphore, #tpu.memory_space<semaphore_mem>>) src(%dma_wait3A_420 : memref<80x128xf32, #tpu.memory_space<vmem>>) dst(%dma_wait3A_426 : memref<10240x128xf32, #tpu.memory_space<vmem_shared>>)
        %add3A_429 = arith.constant 2 : i32
        %add3A_430 = arith.addi %mul3A_345, %add3A_429 : i32
        %add3A_431 = arith.constant 0 : i32
        %add3A_432 = arith.addi %add3A_430, %add3A_431 : i32
        %get3A_433 = arith.index_cast %add3A_432 : i32 to index
        %get3A_434 = arith.constant 0 : index
        %get3A_435 = tpu.vector_load %arg5[%get3A_433, %get3A_434] {strides = array<i32>} : memref<128x80xi32, #tpu.memory_space<vmem>>, vector<1x16xi32>,
        %get3A_436 = vector.shape_cast %get3A_435 : vector<1x16xi32> to vector<16xi32>
        %and3A_437 = arith.constant 65535 : i32
        %and3A_438 = vector.broadcast %and3A_437 : i32 to vector<16xi32>
        %and3A_439 = arith.andi %get3A_436, %and3A_438 : vector<16xi32>
        %swap3A_440 = arith.constant 0 : i32
        %swap3A_441 = arith.index_cast %swap3A_440 : i32 to index
        %swap3A_442 = arith.constant 0 : index
        %swap3A_443 = tpu.vector_load %arg6[%swap3A_441, %swap3A_442] {strides = array<i32>} : memref<4x80xi32, #tpu.memory_space<vmem>>, vector<1x16xi32>,
        %swap3A_444 = vector.shape_cast %swap3A_443 : vector<1x16xi32> to vector<16xi32>
        %swap3A_445 = vector.shape_cast %and3A_439 : vector<16xi32> to vector<1x16xi32>
        tpu.vector_store %arg6[%swap3A_441, %swap3A_442], %swap3A_445 {strides = array<i32>} : memref<4x80xi32, #tpu.memory_space<vmem>>, vector<1x16xi32>,
        %shift_right_logical3A_446 = arith.constant 16 : i32
        %shift_right_logical3A_447 = vector.broadcast %shift_right_logical3A_446 : i32 to vector<16xi32>
        %shift_right_logical3A_448 = arith.shrui %get3A_436, %shift_right_logical3A_447 : vector<16xi32>
        %swap3A_449 = arith.constant 2 : i32
        %swap3A_450 = arith.index_cast %swap3A_449 : i32 to index
        %swap3A_451 = arith.constant 0 : index
        %swap3A_452 = tpu.vector_load %arg6[%swap3A_450, %swap3A_451] {strides = array<i32>} : memref<4x80xi32, #tpu.memory_space<vmem>>, vector<1x16xi32>,
        %swap3A_453 = vector.shape_cast %swap3A_452 : vector<1x16xi32> to vector<16xi32>
        %swap3A_454 = vector.shape_cast %shift_right_logical3A_448 : vector<16xi32> to vector<1x16xi32>
        tpu.vector_store %arg6[%swap3A_450, %swap3A_451], %swap3A_454 {strides = array<i32>} : memref<4x80xi32, #tpu.memory_space<vmem>>, vector<1x16xi32>,
        %get3A_455 = arith.index_cast %add3A_432 : i32 to index
        %get3A_456 = arith.constant 16 : index
        %get3A_457 = tpu.vector_load %arg5[%get3A_455, %get3A_456] {strides = array<i32>} : memref<128x80xi32, #tpu.memory_space<vmem>>, vector<1x16xi32>,
        %get3A_458 = vector.shape_cast %get3A_457 : vector<1x16xi32> to vector<16xi32>
        %and3A_459 = arith.constant 65535 : i32
        %and3A_460 = vector.broadcast %and3A_459 : i32 to vector<16xi32>
        %and3A_461 = arith.andi %get3A_458, %and3A_460 : vector<16xi32>
        %swap3A_462 = arith.constant 0 : i32
        %swap3A_463 = arith.index_cast %swap3A_462 : i32 to index
        %swap3A_464 = arith.constant 16 : index
        %swap3A_465 = tpu.vector_load %arg6[%swap3A_463, %swap3A_464] {strides = array<i32>} : memref<4x80xi32, #tpu.memory_space<vmem>>, vector<1x16xi32>,
        %swap3A_466 = vector.shape_cast %swap3A_465 : vector<1x16xi32> to vector<16xi32>
        %swap3A_467 = vector.shape_cast %and3A_461 : vector<16xi32> to vector<1x16xi32>
        tpu.vector_store %arg6[%swap3A_463, %swap3A_464], %swap3A_467 {strides = array<i32>} : memref<4x80xi32, #tpu.memory_space<vmem>>, vector<1x16xi32>,
        %shift_right_logical3A_468 = arith.constant 16 : i32
        %shift_right_logical3A_469 = vector.broadcast %shift_right_logical3A_468 : i32 to vector<16xi32>
        %shift_right_logical3A_470 = arith.shrui %get3A_458, %shift_right_logical3A_469 : vector<16xi32>
        %swap3A_471 = arith.constant 2 : i32
        %swap3A_472 = arith.index_cast %swap3A_471 : i32 to index
        %swap3A_473 = arith.constant 16 : index
        %swap3A_474 = tpu.vector_load %arg6[%swap3A_472, %swap3A_473] {strides = array<i32>} : memref<4x80xi32, #tpu.memory_space<vmem>>, vector<1x16xi32>,
        %swap3A_475 = vector.shape_cast %swap3A_474 : vector<1x16xi32> to vector<16xi32>
        %swap3A_476 = vector.shape_cast %shift_right_logical3A_470 : vector<16xi32> to vector<1x16xi32>
        tpu.vector_store %arg6[%swap3A_472, %swap3A_473], %swap3A_476 {strides = array<i32>} : memref<4x80xi32, #tpu.memory_space<vmem>>, vector<1x16xi32>,
        %get3A_477 = arith.index_cast %add3A_432 : i32 to index
        %get3A_478 = arith.constant 32 : index
        %get3A_479 = tpu.vector_load %arg5[%get3A_477, %get3A_478] {strides = array<i32>} : memref<128x80xi32, #tpu.memory_space<vmem>>, vector<1x16xi32>,
        %get3A_480 = vector.shape_cast %get3A_479 : vector<1x16xi32> to vector<16xi32>
        %and3A_481 = arith.constant 65535 : i32
        %and3A_482 = vector.broadcast %and3A_481 : i32 to vector<16xi32>
        %and3A_483 = arith.andi %get3A_480, %and3A_482 : vector<16xi32>
        %swap3A_484 = arith.constant 0 : i32
        %swap3A_485 = arith.index_cast %swap3A_484 : i32 to index
        %swap3A_486 = arith.constant 32 : index
        %swap3A_487 = tpu.vector_load %arg6[%swap3A_485, %swap3A_486] {strides = array<i32>} : memref<4x80xi32, #tpu.memory_space<vmem>>, vector<1x16xi32>,
        %swap3A_488 = vector.shape_cast %swap3A_487 : vector<1x16xi32> to vector<16xi32>
        %swap3A_489 = vector.shape_cast %and3A_483 : vector<16xi32> to vector<1x16xi32>
        tpu.vector_store %arg6[%swap3A_485, %swap3A_486], %swap3A_489 {strides = array<i32>} : memref<4x80xi32, #tpu.memory_space<vmem>>, vector<1x16xi32>,
        %shift_right_logical3A_490 = arith.constant 16 : i32
        %shift_right_logical3A_491 = vector.broadcast %shift_right_logical3A_490 : i32 to vector<16xi32>
        %shift_right_logical3A_492 = arith.shrui %get3A_480, %shift_right_logical3A_491 : vector<16xi32>
        %swap3A_493 = arith.constant 2 : i32
        %swap3A_494 = arith.index_cast %swap3A_493 : i32 to index
        %swap3A_495 = arith.constant 32 : index
        %swap3A_496 = tpu.vector_load %arg6[%swap3A_494, %swap3A_495] {strides = array<i32>} : memref<4x80xi32, #tpu.memory_space<vmem>>, vector<1x16xi32>,
        %swap3A_497 = vector.shape_cast %swap3A_496 : vector<1x16xi32> to vector<16xi32>
        %swap3A_498 = vector.shape_cast %shift_right_logical3A_492 : vector<16xi32> to vector<1x16xi32>
        tpu.vector_store %arg6[%swap3A_494, %swap3A_495], %swap3A_498 {strides = array<i32>} : memref<4x80xi32, #tpu.memory_space<vmem>>, vector<1x16xi32>,
        %get3A_499 = arith.index_cast %add3A_432 : i32 to index
        %get3A_500 = arith.constant 48 : index
        %get3A_501 = tpu.vector_load %arg5[%get3A_499, %get3A_500] {strides = array<i32>} : memref<128x80xi32, #tpu.memory_space<vmem>>, vector<1x16xi32>,
        %get3A_502 = vector.shape_cast %get3A_501 : vector<1x16xi32> to vector<16xi32>
        %and3A_503 = arith.constant 65535 : i32
        %and3A_504 = vector.broadcast %and3A_503 : i32 to vector<16xi32>
        %and3A_505 = arith.andi %get3A_502, %and3A_504 : vector<16xi32>
        %swap3A_506 = arith.constant 0 : i32
        %swap3A_507 = arith.index_cast %swap3A_506 : i32 to index
        %swap3A_508 = arith.constant 48 : index
        %swap3A_509 = tpu.vector_load %arg6[%swap3A_507, %swap3A_508] {strides = array<i32>} : memref<4x80xi32, #tpu.memory_space<vmem>>, vector<1x16xi32>,
        %swap3A_510 = vector.shape_cast %swap3A_509 : vector<1x16xi32> to vector<16xi32>
        %swap3A_511 = vector.shape_cast %and3A_505 : vector<16xi32> to vector<1x16xi32>
        tpu.vector_store %arg6[%swap3A_507, %swap3A_508], %swap3A_511 {strides = array<i32>} : memref<4x80xi32, #tpu.memory_space<vmem>>, vector<1x16xi32>,
        %shift_right_logical3A_512 = arith.constant 16 : i32
        %shift_right_logical3A_513 = vector.broadcast %shift_right_logical3A_512 : i32 to vector<16xi32>
        %shift_right_logical3A_514 = arith.shrui %get3A_502, %shift_right_logical3A_513 : vector<16xi32>
        %swap3A_515 = arith.constant 2 : i32
        %swap3A_516 = arith.index_cast %swap3A_515 : i32 to index
        %swap3A_517 = arith.constant 48 : index
        %swap3A_518 = tpu.vector_load %arg6[%swap3A_516, %swap3A_517] {strides = array<i32>} : memref<4x80xi32, #tpu.memory_space<vmem>>, vector<1x16xi32>,
        %swap3A_519 = vector.shape_cast %swap3A_518 : vector<1x16xi32> to vector<16xi32>
        %swap3A_520 = vector.shape_cast %shift_right_logical3A_514 : vector<16xi32> to vector<1x16xi32>
        tpu.vector_store %arg6[%swap3A_516, %swap3A_517], %swap3A_520 {strides = array<i32>} : memref<4x80xi32, #tpu.memory_space<vmem>>, vector<1x16xi32>,
        %get3A_521 = arith.index_cast %add3A_432 : i32 to index
        %get3A_522 = arith.constant 64 : index
        %get3A_523 = tpu.vector_load %arg5[%get3A_521, %get3A_522] {strides = array<i32>} : memref<128x80xi32, #tpu.memory_space<vmem>>, vector<1x16xi32>,
        %get3A_524 = vector.shape_cast %get3A_523 : vector<1x16xi32> to vector<16xi32>
        %and3A_525 = arith.constant 65535 : i32
        %and3A_526 = vector.broadcast %and3A_525 : i32 to vector<16xi32>
        %and3A_527 = arith.andi %get3A_524, %and3A_526 : vector<16xi32>
        %swap3A_528 = arith.constant 0 : i32
        %swap3A_529 = arith.index_cast %swap3A_528 : i32 to index
        %swap3A_530 = arith.constant 64 : index
        %swap3A_531 = tpu.vector_load %arg6[%swap3A_529, %swap3A_530] {strides = array<i32>} : memref<4x80xi32, #tpu.memory_space<vmem>>, vector<1x16xi32>,
        %swap3A_532 = vector.shape_cast %swap3A_531 : vector<1x16xi32> to vector<16xi32>
        %swap3A_533 = vector.shape_cast %and3A_527 : vector<16xi32> to vector<1x16xi32>
        tpu.vector_store %arg6[%swap3A_529, %swap3A_530], %swap3A_533 {strides = array<i32>} : memref<4x80xi32, #tpu.memory_space<vmem>>, vector<1x16xi32>,
        %shift_right_logical3A_534 = arith.constant 16 : i32
        %shift_right_logical3A_535 = vector.broadcast %shift_right_logical3A_534 : i32 to vector<16xi32>
        %shift_right_logical3A_536 = arith.shrui %get3A_524, %shift_right_logical3A_535 : vector<16xi32>
        %swap3A_537 = arith.constant 2 : i32
        %swap3A_538 = arith.index_cast %swap3A_537 : i32 to index
        %swap3A_539 = arith.constant 64 : index
        %swap3A_540 = tpu.vector_load %arg6[%swap3A_538, %swap3A_539] {strides = array<i32>} : memref<4x80xi32, #tpu.memory_space<vmem>>, vector<1x16xi32>,
        %swap3A_541 = vector.shape_cast %swap3A_540 : vector<1x16xi32> to vector<16xi32>
        %swap3A_542 = vector.shape_cast %shift_right_logical3A_536 : vector<16xi32> to vector<1x16xi32>
        tpu.vector_store %arg6[%swap3A_538, %swap3A_539], %swap3A_542 {strides = array<i32>} : memref<4x80xi32, #tpu.memory_space<vmem>>, vector<1x16xi32>,
        %dma_start3A_543 = arith.constant 0 : i32
        %dma_start3A_544 = arith.constant 0 : i32
        %dma_start3A_545 = arith.constant 0 : i32
        %dma_start3A_546 = arith.constant 0 : i32
        %dma_start3A_547 = arith.constant 0 : i32
        %dma_start3A_548 = tpu.memref_slice %arg7[%dma_start3A_544, %dma_start3A_546, %dma_start3A_547] : memref<2x80x128xf32, #tpu.memory_space<vmem>> -> memref<1x80x128xf32, #tpu.memory_space<vmem>>
        %dma_start3A_549 = tpu.memref_squeeze %dma_start3A_548 : memref<1x80x128xf32, #tpu.memory_space<vmem>> -> memref<80x128xf32, #tpu.memory_space<vmem>>
        %dma_start3A_550 = arith.constant 0 : i32
        %dma_start3A_551 = tpu.memref_slice %arg6[%dma_start3A_543, %dma_start3A_550] : memref<4x80xi32, #tpu.memory_space<vmem>> -> memref<1x80xi32, #tpu.memory_space<vmem>>
        %dma_start3A_552 = tpu.memref_squeeze %dma_start3A_551 : memref<1x80xi32, #tpu.memory_space<vmem>> -> memref<80xi32, #tpu.memory_space<vmem>>
        %dma_start3A_553 = arith.constant 0 : i32
        %dma_start3A_554 = arith.constant 0 : i32
        %dma_start3A_555 = tpu.memref_slice %arg2[%dma_start3A_553, %dma_start3A_554] : memref<10000x128xf32, #tpu.memory_space<hbm>> -> memref<10000x128xf32, #tpu.memory_space<hbm>>
        %dma_start3A_556 = tpu.memref_slice %arg9[%dma_start3A_545] : memref<2x!tpu.dma_semaphore, #tpu.memory_space<semaphore_mem>> -> memref<1x!tpu.dma_semaphore, #tpu.memory_space<semaphore_mem>>
        %dma_start3A_557 = tpu.memref_squeeze %dma_start3A_556 : memref<1x!tpu.dma_semaphore, #tpu.memory_space<semaphore_mem>> -> memref<!tpu.dma_semaphore, #tpu.memory_space<semaphore_mem>>
        tpu.enqueue_indirect_dma source(%dma_start3A_555 : memref<10000x128xf32, #tpu.memory_space<hbm>>) target(%dma_start3A_549 : memref<80x128xf32, #tpu.memory_space<vmem>>) offsets(%dma_start3A_552 : memref<80xi32, #tpu.memory_space<vmem>>) semaphore(%dma_start3A_557 : memref<!tpu.dma_semaphore, #tpu.memory_space<semaphore_mem>>)
        %dma_wait3A_558 = arith.constant 1 : i32
        %dma_wait3A_559 = arith.constant 3 : i32
        %dma_wait3A_560 = arith.constant 1 : i32
        %dma_wait3A_561 = arith.constant 0 : i32
        %dma_wait3A_562 = arith.constant 0 : i32
        %dma_wait3A_563 = tpu.memref_slice %arg7[%dma_wait3A_558, %dma_wait3A_561, %dma_wait3A_562] : memref<2x80x128xf32, #tpu.memory_space<vmem>> -> memref<1x80x128xf32, #tpu.memory_space<vmem>>
        %dma_wait3A_564 = tpu.memref_squeeze %dma_wait3A_563 : memref<1x80x128xf32, #tpu.memory_space<vmem>> -> memref<80x128xf32, #tpu.memory_space<vmem>>
        %dma_wait3A_565 = arith.constant 0 : i32
        %dma_wait3A_566 = tpu.memref_slice %arg6[%dma_wait3A_559, %dma_wait3A_565] : memref<4x80xi32, #tpu.memory_space<vmem>> -> memref<1x80xi32, #tpu.memory_space<vmem>>
        %dma_wait3A_567 = tpu.memref_squeeze %dma_wait3A_566 : memref<1x80xi32, #tpu.memory_space<vmem>> -> memref<80xi32, #tpu.memory_space<vmem>>
        %dma_wait3A_568 = arith.constant 0 : i32
        %dma_wait3A_569 = arith.constant 0 : i32
        %dma_wait3A_570 = tpu.memref_slice %arg8[%dma_wait3A_568, %dma_wait3A_569] : memref<10240x128xf32, #tpu.memory_space<vmem_shared>> -> memref<10240x128xf32, #tpu.memory_space<vmem_shared>>
        %dma_wait3A_571 = tpu.memref_slice %arg10[%dma_wait3A_560] : memref<2x!tpu.dma_semaphore, #tpu.memory_space<semaphore_mem>> -> memref<1x!tpu.dma_semaphore, #tpu.memory_space<semaphore_mem>>
        %dma_wait3A_572 = tpu.memref_squeeze %dma_wait3A_571 : memref<1x!tpu.dma_semaphore, #tpu.memory_space<semaphore_mem>> -> memref<!tpu.dma_semaphore, #tpu.memory_space<semaphore_mem>>
        tpu.wait_indirect_dma semaphore(%dma_wait3A_572 : memref<!tpu.dma_semaphore, #tpu.memory_space<semaphore_mem>>) src(%dma_wait3A_564 : memref<80x128xf32, #tpu.memory_space<vmem>>) dst(%dma_wait3A_570 : memref<10240x128xf32, #tpu.memory_space<vmem_shared>>)
        %add3A_573 = arith.constant 2 : i32
        %add3A_574 = arith.addi %mul3A_345, %add3A_573 : i32
        %add3A_575 = arith.constant 1 : i32
        %add3A_576 = arith.addi %add3A_574, %add3A_575 : i32
        %get3A_577 = arith.index_cast %add3A_576 : i32 to index
        %get3A_578 = arith.constant 0 : index
        %get3A_579 = tpu.vector_load %arg5[%get3A_577, %get3A_578] {strides = array<i32>} : memref<128x80xi32, #tpu.memory_space<vmem>>, vector<1x16xi32>,
        %get3A_580 = vector.shape_cast %get3A_579 : vector<1x16xi32> to vector<16xi32>
        %and3A_581 = arith.constant 65535 : i32
        %and3A_582 = vector.broadcast %and3A_581 : i32 to vector<16xi32>
        %and3A_583 = arith.andi %get3A_580, %and3A_582 : vector<16xi32>
        %swap3A_584 = arith.constant 1 : i32
        %swap3A_585 = arith.index_cast %swap3A_584 : i32 to index
        %swap3A_586 = arith.constant 0 : index
        %swap3A_587 = tpu.vector_load %arg6[%swap3A_585, %swap3A_586] {strides = array<i32>} : memref<4x80xi32, #tpu.memory_space<vmem>>, vector<1x16xi32>,
        %swap3A_588 = vector.shape_cast %swap3A_587 : vector<1x16xi32> to vector<16xi32>
        %swap3A_589 = vector.shape_cast %and3A_583 : vector<16xi32> to vector<1x16xi32>
        tpu.vector_store %arg6[%swap3A_585, %swap3A_586], %swap3A_589 {strides = array<i32>} : memref<4x80xi32, #tpu.memory_space<vmem>>, vector<1x16xi32>,
        %shift_right_logical3A_590 = arith.constant 16 : i32
        %shift_right_logical3A_591 = vector.broadcast %shift_right_logical3A_590 : i32 to vector<16xi32>
        %shift_right_logical3A_592 = arith.shrui %get3A_580, %shift_right_logical3A_591 : vector<16xi32>
        %swap3A_593 = arith.constant 3 : i32
        %swap3A_594 = arith.index_cast %swap3A_593 : i32 to index
        %swap3A_595 = arith.constant 0 : index
        %swap3A_596 = tpu.vector_load %arg6[%swap3A_594, %swap3A_595] {strides = array<i32>} : memref<4x80xi32, #tpu.memory_space<vmem>>, vector<1x16xi32>,
        %swap3A_597 = vector.shape_cast %swap3A_596 : vector<1x16xi32> to vector<16xi32>
        %swap3A_598 = vector.shape_cast %shift_right_logical3A_592 : vector<16xi32> to vector<1x16xi32>
        tpu.vector_store %arg6[%swap3A_594, %swap3A_595], %swap3A_598 {strides = array<i32>} : memref<4x80xi32, #tpu.memory_space<vmem>>, vector<1x16xi32>,
        %get3A_599 = arith.index_cast %add3A_576 : i32 to index
        %get3A_600 = arith.constant 16 : index
        %get3A_601 = tpu.vector_load %arg5[%get3A_599, %get3A_600] {strides = array<i32>} : memref<128x80xi32, #tpu.memory_space<vmem>>, vector<1x16xi32>,
        %get3A_602 = vector.shape_cast %get3A_601 : vector<1x16xi32> to vector<16xi32>
        %and3A_603 = arith.constant 65535 : i32
        %and3A_604 = vector.broadcast %and3A_603 : i32 to vector<16xi32>
        %and3A_605 = arith.andi %get3A_602, %and3A_604 : vector<16xi32>
        %swap3A_606 = arith.constant 1 : i32
        %swap3A_607 = arith.index_cast %swap3A_606 : i32 to index
        %swap3A_608 = arith.constant 16 : index
        %swap3A_609 = tpu.vector_load %arg6[%swap3A_607, %swap3A_608] {strides = array<i32>} : memref<4x80xi32, #tpu.memory_space<vmem>>, vector<1x16xi32>,
        %swap3A_610 = vector.shape_cast %swap3A_609 : vector<1x16xi32> to vector<16xi32>
        %swap3A_611 = vector.shape_cast %and3A_605 : vector<16xi32> to vector<1x16xi32>
        tpu.vector_store %arg6[%swap3A_607, %swap3A_608], %swap3A_611 {strides = array<i32>} : memref<4x80xi32, #tpu.memory_space<vmem>>, vector<1x16xi32>,
        %shift_right_logical3A_612 = arith.constant 16 : i32
        %shift_right_logical3A_613 = vector.broadcast %shift_right_logical3A_612 : i32 to vector<16xi32>
        %shift_right_logical3A_614 = arith.shrui %get3A_602, %shift_right_logical3A_613 : vector<16xi32>
        %swap3A_615 = arith.constant 3 : i32
        %swap3A_616 = arith.index_cast %swap3A_615 : i32 to index
        %swap3A_617 = arith.constant 16 : index
        %swap3A_618 = tpu.vector_load %arg6[%swap3A_616, %swap3A_617] {strides = array<i32>} : memref<4x80xi32, #tpu.memory_space<vmem>>, vector<1x16xi32>,
        %swap3A_619 = vector.shape_cast %swap3A_618 : vector<1x16xi32> to vector<16xi32>
        %swap3A_620 = vector.shape_cast %shift_right_logical3A_614 : vector<16xi32> to vector<1x16xi32>
        tpu.vector_store %arg6[%swap3A_616, %swap3A_617], %swap3A_620 {strides = array<i32>} : memref<4x80xi32, #tpu.memory_space<vmem>>, vector<1x16xi32>,
        %get3A_621 = arith.index_cast %add3A_576 : i32 to index
        %get3A_622 = arith.constant 32 : index
        %get3A_623 = tpu.vector_load %arg5[%get3A_621, %get3A_622] {strides = array<i32>} : memref<128x80xi32, #tpu.memory_space<vmem>>, vector<1x16xi32>,
        %get3A_624 = vector.shape_cast %get3A_623 : vector<1x16xi32> to vector<16xi32>
        %and3A_625 = arith.constant 65535 : i32
        %and3A_626 = vector.broadcast %and3A_625 : i32 to vector<16xi32>
        %and3A_627 = arith.andi %get3A_624, %and3A_626 : vector<16xi32>
        %swap3A_628 = arith.constant 1 : i32
        %swap3A_629 = arith.index_cast %swap3A_628 : i32 to index
        %swap3A_630 = arith.constant 32 : index
        %swap3A_631 = tpu.vector_load %arg6[%swap3A_629, %swap3A_630] {strides = array<i32>} : memref<4x80xi32, #tpu.memory_space<vmem>>, vector<1x16xi32>,
        %swap3A_632 = vector.shape_cast %swap3A_631 : vector<1x16xi32> to vector<16xi32>
        %swap3A_633 = vector.shape_cast %and3A_627 : vector<16xi32> to vector<1x16xi32>
        tpu.vector_store %arg6[%swap3A_629, %swap3A_630], %swap3A_633 {strides = array<i32>} : memref<4x80xi32, #tpu.memory_space<vmem>>, vector<1x16xi32>,
        %shift_right_logical3A_634 = arith.constant 16 : i32
        %shift_right_logical3A_635 = vector.broadcast %shift_right_logical3A_634 : i32 to vector<16xi32>
        %shift_right_logical3A_636 = arith.shrui %get3A_624, %shift_right_logical3A_635 : vector<16xi32>
        %swap3A_637 = arith.constant 3 : i32
        %swap3A_638 = arith.index_cast %swap3A_637 : i32 to index
        %swap3A_639 = arith.constant 32 : index
        %swap3A_640 = tpu.vector_load %arg6[%swap3A_638, %swap3A_639] {strides = array<i32>} : memref<4x80xi32, #tpu.memory_space<vmem>>, vector<1x16xi32>,
        %swap3A_641 = vector.shape_cast %swap3A_640 : vector<1x16xi32> to vector<16xi32>
        %swap3A_642 = vector.shape_cast %shift_right_logical3A_636 : vector<16xi32> to vector<1x16xi32>
        tpu.vector_store %arg6[%swap3A_638, %swap3A_639], %swap3A_642 {strides = array<i32>} : memref<4x80xi32, #tpu.memory_space<vmem>>, vector<1x16xi32>,
        %get3A_643 = arith.index_cast %add3A_576 : i32 to index
        %get3A_644 = arith.constant 48 : index
        %get3A_645 = tpu.vector_load %arg5[%get3A_643, %get3A_644] {strides = array<i32>} : memref<128x80xi32, #tpu.memory_space<vmem>>, vector<1x16xi32>,
        %get3A_646 = vector.shape_cast %get3A_645 : vector<1x16xi32> to vector<16xi32>
        %and3A_647 = arith.constant 65535 : i32
        %and3A_648 = vector.broadcast %and3A_647 : i32 to vector<16xi32>
        %and3A_649 = arith.andi %get3A_646, %and3A_648 : vector<16xi32>
        %swap3A_650 = arith.constant 1 : i32
        %swap3A_651 = arith.index_cast %swap3A_650 : i32 to index
        %swap3A_652 = arith.constant 48 : index
        %swap3A_653 = tpu.vector_load %arg6[%swap3A_651, %swap3A_652] {strides = array<i32>} : memref<4x80xi32, #tpu.memory_space<vmem>>, vector<1x16xi32>,
        %swap3A_654 = vector.shape_cast %swap3A_653 : vector<1x16xi32> to vector<16xi32>
        %swap3A_655 = vector.shape_cast %and3A_649 : vector<16xi32> to vector<1x16xi32>
        tpu.vector_store %arg6[%swap3A_651, %swap3A_652], %swap3A_655 {strides = array<i32>} : memref<4x80xi32, #tpu.memory_space<vmem>>, vector<1x16xi32>,
        %shift_right_logical3A_656 = arith.constant 16 : i32
        %shift_right_logical3A_657 = vector.broadcast %shift_right_logical3A_656 : i32 to vector<16xi32>
        %shift_right_logical3A_658 = arith.shrui %get3A_646, %shift_right_logical3A_657 : vector<16xi32>
        %swap3A_659 = arith.constant 3 : i32
        %swap3A_660 = arith.index_cast %swap3A_659 : i32 to index
        %swap3A_661 = arith.constant 48 : index
        %swap3A_662 = tpu.vector_load %arg6[%swap3A_660, %swap3A_661] {strides = array<i32>} : memref<4x80xi32, #tpu.memory_space<vmem>>, vector<1x16xi32>,
        %swap3A_663 = vector.shape_cast %swap3A_662 : vector<1x16xi32> to vector<16xi32>
        %swap3A_664 = vector.shape_cast %shift_right_logical3A_658 : vector<16xi32> to vector<1x16xi32>
        tpu.vector_store %arg6[%swap3A_660, %swap3A_661], %swap3A_664 {strides = array<i32>} : memref<4x80xi32, #tpu.memory_space<vmem>>, vector<1x16xi32>,
        %get3A_665 = arith.index_cast %add3A_576 : i32 to index
        %get3A_666 = arith.constant 64 : index
        %get3A_667 = tpu.vector_load %arg5[%get3A_665, %get3A_666] {strides = array<i32>} : memref<128x80xi32, #tpu.memory_space<vmem>>, vector<1x16xi32>,
        %get3A_668 = vector.shape_cast %get3A_667 : vector<1x16xi32> to vector<16xi32>
        %and3A_669 = arith.constant 65535 : i32
        %and3A_670 = vector.broadcast %and3A_669 : i32 to vector<16xi32>
        %and3A_671 = arith.andi %get3A_668, %and3A_670 : vector<16xi32>
        %swap3A_672 = arith.constant 1 : i32
        %swap3A_673 = arith.index_cast %swap3A_672 : i32 to index
        %swap3A_674 = arith.constant 64 : index
        %swap3A_675 = tpu.vector_load %arg6[%swap3A_673, %swap3A_674] {strides = array<i32>} : memref<4x80xi32, #tpu.memory_space<vmem>>, vector<1x16xi32>,
        %swap3A_676 = vector.shape_cast %swap3A_675 : vector<1x16xi32> to vector<16xi32>
        %swap3A_677 = vector.shape_cast %and3A_671 : vector<16xi32> to vector<1x16xi32>
        tpu.vector_store %arg6[%swap3A_673, %swap3A_674], %swap3A_677 {strides = array<i32>} : memref<4x80xi32, #tpu.memory_space<vmem>>, vector<1x16xi32>,
        %shift_right_logical3A_678 = arith.constant 16 : i32
        %shift_right_logical3A_679 = vector.broadcast %shift_right_logical3A_678 : i32 to vector<16xi32>
        %shift_right_logical3A_680 = arith.shrui %get3A_668, %shift_right_logical3A_679 : vector<16xi32>
        %swap3A_681 = arith.constant 3 : i32
        %swap3A_682 = arith.index_cast %swap3A_681 : i32 to index
        %swap3A_683 = arith.constant 64 : index
        %swap3A_684 = tpu.vector_load %arg6[%swap3A_682, %swap3A_683] {strides = array<i32>} : memref<4x80xi32, #tpu.memory_space<vmem>>, vector<1x16xi32>,
        %swap3A_685 = vector.shape_cast %swap3A_684 : vector<1x16xi32> to vector<16xi32>
        %swap3A_686 = vector.shape_cast %shift_right_logical3A_680 : vector<16xi32> to vector<1x16xi32>
        tpu.vector_store %arg6[%swap3A_682, %swap3A_683], %swap3A_686 {strides = array<i32>} : memref<4x80xi32, #tpu.memory_space<vmem>>, vector<1x16xi32>,
        %dma_start3A_687 = arith.constant 1 : i32
        %dma_start3A_688 = arith.constant 1 : i32
        %dma_start3A_689 = arith.constant 1 : i32
        %dma_start3A_690 = arith.constant 0 : i32
        %dma_start3A_691 = arith.constant 0 : i32
        %dma_start3A_692 = tpu.memref_slice %arg7[%dma_start3A_688, %dma_start3A_690, %dma_start3A_691] : memref<2x80x128xf32, #tpu.memory_space<vmem>> -> memref<1x80x128xf32, #tpu.memory_space<vmem>>
        %dma_start3A_693 = tpu.memref_squeeze %dma_start3A_692 : memref<1x80x128xf32, #tpu.memory_space<vmem>> -> memref<80x128xf32, #tpu.memory_space<vmem>>
        %dma_start3A_694 = arith.constant 0 : i32
        %dma_start3A_695 = tpu.memref_slice %arg6[%dma_start3A_687, %dma_start3A_694] : memref<4x80xi32, #tpu.memory_space<vmem>> -> memref<1x80xi32, #tpu.memory_space<vmem>>
        %dma_start3A_696 = tpu.memref_squeeze %dma_start3A_695 : memref<1x80xi32, #tpu.memory_space<vmem>> -> memref<80xi32, #tpu.memory_space<vmem>>
        %dma_start3A_697 = arith.constant 0 : i32
        %dma_start3A_698 = arith.constant 0 : i32
        %dma_start3A_699 = tpu.memref_slice %arg2[%dma_start3A_697, %dma_start3A_698] : memref<10000x128xf32, #tpu.memory_space<hbm>> -> memref<10000x128xf32, #tpu.memory_space<hbm>>
        %dma_start3A_700 = tpu.memref_slice %arg9[%dma_start3A_689] : memref<2x!tpu.dma_semaphore, #tpu.memory_space<semaphore_mem>> -> memref<1x!tpu.dma_semaphore, #tpu.memory_space<semaphore_mem>>
        %dma_start3A_701 = tpu.memref_squeeze %dma_start3A_700 : memref<1x!tpu.dma_semaphore, #tpu.memory_space<semaphore_mem>> -> memref<!tpu.dma_semaphore, #tpu.memory_space<semaphore_mem>>
        tpu.enqueue_indirect_dma source(%dma_start3A_699 : memref<10000x128xf32, #tpu.memory_space<hbm>>) target(%dma_start3A_693 : memref<80x128xf32, #tpu.memory_space<vmem>>) offsets(%dma_start3A_696 : memref<80xi32, #tpu.memory_space<vmem>>) semaphore(%dma_start3A_701 : memref<!tpu.dma_semaphore, #tpu.memory_space<semaphore_mem>>)
      } else {
      }
      %scan3A_413 = arith.constant 0 : i32
      scf.yield %scan3A_413 : i32
    }
    %scan3A_309 = arith.constant 64 : i32
    %dma_wait3A = arith.constant 0 : i32
    %dma_wait3A_310 = arith.constant 2 : i32
    %dma_wait3A_311 = arith.constant 0 : i32
    %dma_wait3A_312 = arith.constant 0 : i32
    %dma_wait3A_313 = arith.constant 0 : i32
    %dma_wait3A_314 = tpu.memref_slice %arg7[%dma_wait3A, %dma_wait3A_312, %dma_wait3A_313] : memref<2x80x128xf32, #tpu.memory_space<vmem>> -> memref<1x80x128xf32, #tpu.memory_space<vmem>>
    %dma_wait3A_315 = tpu.memref_squeeze %dma_wait3A_314 : memref<1x80x128xf32, #tpu.memory_space<vmem>> -> memref<80x128xf32, #tpu.memory_space<vmem>>
    %dma_wait3A_316 = arith.constant 0 : i32
    %dma_wait3A_317 = tpu.memref_slice %arg6[%dma_wait3A_310, %dma_wait3A_316] : memref<4x80xi32, #tpu.memory_space<vmem>> -> memref<1x80xi32, #tpu.memory_space<vmem>>
    %dma_wait3A_318 = tpu.memref_squeeze %dma_wait3A_317 : memref<1x80xi32, #tpu.memory_space<vmem>> -> memref<80xi32, #tpu.memory_space<vmem>>
    %dma_wait3A_319 = arith.constant 0 : i32
    %dma_wait3A_320 = arith.constant 0 : i32
    %dma_wait3A_321 = tpu.memref_slice %arg8[%dma_wait3A_319, %dma_wait3A_320] : memref<10240x128xf32, #tpu.memory_space<vmem_shared>> -> memref<10240x128xf32, #tpu.memory_space<vmem_shared>>
    %dma_wait3A_322 = tpu.memref_slice %arg10[%dma_wait3A_311] : memref<2x!tpu.dma_semaphore, #tpu.memory_space<semaphore_mem>> -> memref<1x!tpu.dma_semaphore, #tpu.memory_space<semaphore_mem>>
    %dma_wait3A_323 = tpu.memref_squeeze %dma_wait3A_322 : memref<1x!tpu.dma_semaphore, #tpu.memory_space<semaphore_mem>> -> memref<!tpu.dma_semaphore, #tpu.memory_space<semaphore_mem>>
    tpu.wait_indirect_dma semaphore(%dma_wait3A_323 : memref<!tpu.dma_semaphore, #tpu.memory_space<semaphore_mem>>) src(%dma_wait3A_315 : memref<80x128xf32, #tpu.memory_space<vmem>>) dst(%dma_wait3A_321 : memref<10240x128xf32, #tpu.memory_space<vmem_shared>>)
    %dma_wait3A_324 = arith.constant 1 : i32
    %dma_wait3A_325 = arith.constant 3 : i32
    %dma_wait3A_326 = arith.constant 1 : i32
    %dma_wait3A_327 = arith.constant 0 : i32
    %dma_wait3A_328 = arith.constant 0 : i32
    %dma_wait3A_329 = tpu.memref_slice %arg7[%dma_wait3A_324, %dma_wait3A_327, %dma_wait3A_328] : memref<2x80x128xf32, #tpu.memory_space<vmem>> -> memref<1x80x128xf32, #tpu.memory_space<vmem>>
    %dma_wait3A_330 = tpu.memref_squeeze %dma_wait3A_329 : memref<1x80x128xf32, #tpu.memory_space<vmem>> -> memref<80x128xf32, #tpu.memory_space<vmem>>
    %dma_wait3A_331 = arith.constant 0 : i32
    %dma_wait3A_332 = tpu.memref_slice %arg6[%dma_wait3A_325, %dma_wait3A_331] : memref<4x80xi32, #tpu.memory_space<vmem>> -> memref<1x80xi32, #tpu.memory_space<vmem>>
    %dma_wait3A_333 = tpu.memref_squeeze %dma_wait3A_332 : memref<1x80xi32, #tpu.memory_space<vmem>> -> memref<80xi32, #tpu.memory_space<vmem>>
    %dma_wait3A_334 = arith.constant 0 : i32
    %dma_wait3A_335 = arith.constant 0 : i32
    %dma_wait3A_336 = tpu.memref_slice %arg8[%dma_wait3A_334, %dma_wait3A_335] : memref<10240x128xf32, #tpu.memory_space<vmem_shared>> -> memref<10240x128xf32, #tpu.memory_space<vmem_shared>>
    %dma_wait3A_337 = tpu.memref_slice %arg10[%dma_wait3A_326] : memref<2x!tpu.dma_semaphore, #tpu.memory_space<semaphore_mem>> -> memref<1x!tpu.dma_semaphore, #tpu.memory_space<semaphore_mem>>
    %dma_wait3A_338 = tpu.memref_squeeze %dma_wait3A_337 : memref<1x!tpu.dma_semaphore, #tpu.memory_space<semaphore_mem>> -> memref<!tpu.dma_semaphore, #tpu.memory_space<semaphore_mem>>
    tpu.wait_indirect_dma semaphore(%dma_wait3A_338 : memref<!tpu.dma_semaphore, #tpu.memory_space<semaphore_mem>>) src(%dma_wait3A_330 : memref<80x128xf32, #tpu.memory_space<vmem>>) dst(%dma_wait3A_336 : memref<10240x128xf32, #tpu.memory_space<vmem_shared>>)
    %barrier3A_339 = arith.constant 0 : index
    tpu.barrier barrier_id(%barrier3A_339)
    %lt3A = arith.constant 10 : i32
    %lt3A_340 = arith.cmpi slt, %arg1, %lt3A : i32
    %convert_element_type3A = arith.extui %lt3A_340 : i1 to i32
    %cond3A = arith.constant 0 : i32
    %cond3A_341 = arith.cmpi ne, %convert_element_type3A, %cond3A : i32
    scf.if %cond3A_341 {
      %mul3A_342 = arith.constant 1000 : i32
      %mul3A_343 = arith.muli %arg1, %mul3A_342 : i32
      %mul3A_344 = arith.constant 1000 : i32
      %mul3A_345 = arith.muli %arg1, %mul3A_344 : i32
      "tpu.region"() ({
        %run_scoped3A_346 = tpu.sem_alloc : memref<!tpu.dma_semaphore, #tpu.memory_space<semaphore_mem>>
        %dma_start3A_347 = arith.constant 0 : i32
        %dma_start3A_348 = tpu.memref_slice %arg4[%arg0, %mul3A_345, %dma_start3A_347] : memref<2x10000x128xf32, #tpu.memory_space<hbm>> -> memref<1x1000x128xf32, #tpu.memory_space<hbm>>
        %dma_start3A_349 = tpu.memref_squeeze %dma_start3A_348 : memref<1x1000x128xf32, #tpu.memory_space<hbm>> -> memref<1000x128xf32, #tpu.memory_space<hbm>>
        %dma_start3A_350 = arith.constant 0 : i32
        %dma_start3A_351 = tpu.memref_slice %arg8[%mul3A_343, %dma_start3A_350] : memref<10240x128xf32, #tpu.memory_space<vmem_shared>> -> memref<1000x128xf32, #tpu.memory_space<vmem_shared>>
        tpu.enqueue_dma source(%dma_start3A_351 : memref<1000x128xf32, #tpu.memory_space<vmem_shared>>) target(%dma_start3A_349 : memref<1000x128xf32, #tpu.memory_space<hbm>>) target_semaphore(%run_scoped3A_346 : memref<!tpu.dma_semaphore, #tpu.memory_space<semaphore_mem>>)
        %dma_wait3A_352 = arith.constant 0 : i32
        %dma_wait3A_353 = tpu.memref_slice %arg4[%arg0, %mul3A_345, %dma_wait3A_352] : memref<2x10000x128xf32, #tpu.memory_space<hbm>> -> memref<1x1000x128xf32, #tpu.memory_space<hbm>>
        %dma_wait3A_354 = tpu.memref_squeeze %dma_wait3A_353 : memref<1x1000x128xf32, #tpu.memory_space<hbm>> -> memref<1000x128xf32, #tpu.memory_space<hbm>>
        %dma_wait3A_355 = arith.constant 0 : i32
        %dma_wait3A_356 = tpu.memref_slice %arg8[%mul3A_343, %dma_wait3A_355] : memref<10240x128xf32, #tpu.memory_space<vmem_shared>> -> memref<1000x128xf32, #tpu.memory_space<vmem_shared>>
        tpu.wait_dma2 semaphore(%run_scoped3A_346 : memref<!tpu.dma_semaphore, #tpu.memory_space<semaphore_mem>>) src(%dma_wait3A_356 : memref<1000x128xf32, #tpu.memory_space<vmem_shared>>) dst(%dma_wait3A_354 : memref<1000x128xf32, #tpu.memory_space<hbm>>)
        tpu.yield
      }) : () -> ()
    } else {
    }
    return
  }
}

#map = affine_map<(d0, d1) -> (0, 0)>
#map1 = affine_map<(d0, d1) -> (0, 0, 0)>
module attributes {stable_mosaic.version = 14 : i64} {
  func.func @_sc_prop_body(%arg0: i32, %arg1: i32, %arg2: memref<10000x128xf32, #tpu.memory_space<hbm>>, %arg3: memref<4096x80xi32, #tpu.memory_space<hbm>>, %arg4: memref<2x10000x128xf32, #tpu.memory_space<hbm>>, %arg5: memref<128x80xi32, #tpu.memory_space<vmem>>, %arg6: memref<4x80xi32, #tpu.memory_space<vmem>>, %arg7: memref<2x80x128xf32, #tpu.memory_space<vmem>>, %arg8: memref<10240x128xf32, #tpu.memory_space<vmem_shared>>, %arg9: memref<2x!tpu.dma_semaphore, #tpu.memory_space<semaphore_mem>>, %arg10: memref<2x!tpu.dma_semaphore, #tpu.memory_space<semaphore_mem>>) attributes {dimension_semantics = [#tpu.dimension_semantics<core_parallel>, #tpu.dimension_semantics<subcore_parallel>], iteration_bounds = array<i64: 2, 16>, scalar_prefetch = 0 : i64, scratch_operands = 6 : i64, tpu.core_type = #tpu.core_type<sc_vector_subcore>, window_params = [{transform_indices = #map}, {transform_indices = #map}, {transform_indices = #map1}]} {
    %mul3A = arith.constant 16 : i32
    %mul3A_0 = arith.muli %arg0, %mul3A : i32
    %add3A = arith.addi %mul3A_0, %arg1 : i32
    %mul3A_1 = arith.constant 128 : i32
    %mul3A_2 = arith.muli %add3A, %mul3A_1 : i32
    "tpu.region"() ({
      %run_scoped3A_342 = tpu.sem_alloc : memref<!tpu.dma_semaphore, #tpu.memory_space<semaphore_mem>>
      %dma_start3A_343 = arith.constant 0 : i32
      %dma_start3A_344 = tpu.memref_slice %arg3[%mul3A_2, %dma_start3A_343] : memref<4096x80xi32, #tpu.memory_space<hbm>> -> memref<128x80xi32, #tpu.memory_space<hbm>>
      %dma_start3A_345 = arith.constant 0 : i32
      %dma_start3A_346 = tpu.memref_slice %arg3[%mul3A_2, %dma_start3A_345] : memref<4096x80xi32, #tpu.memory_space<hbm>> -> memref<128x80xi32, #tpu.memory_space<hbm>>
      tpu.enqueue_dma source(%dma_start3A_346 : memref<128x80xi32, #tpu.memory_space<hbm>>) target(%arg5 : memref<128x80xi32, #tpu.memory_space<vmem>>) target_semaphore(%run_scoped3A_342 : memref<!tpu.dma_semaphore, #tpu.memory_space<semaphore_mem>>)
      %dma_wait3A_347 = arith.constant 0 : i32
      %dma_wait3A_348 = tpu.memref_slice %arg3[%mul3A_2, %dma_wait3A_347] : memref<4096x80xi32, #tpu.memory_space<hbm>> -> memref<128x80xi32, #tpu.memory_space<hbm>>
      %dma_wait3A_349 = arith.constant 0 : i32
      %dma_wait3A_350 = tpu.memref_slice %arg3[%mul3A_2, %dma_wait3A_349] : memref<4096x80xi32, #tpu.memory_space<hbm>> -> memref<128x80xi32, #tpu.memory_space<hbm>>
      tpu.wait_dma2 semaphore(%run_scoped3A_342 : memref<!tpu.dma_semaphore, #tpu.memory_space<semaphore_mem>>) src(%dma_wait3A_350 : memref<128x80xi32, #tpu.memory_space<hbm>>) dst(%arg5 : memref<128x80xi32, #tpu.memory_space<vmem>>)
      tpu.yield
    }) : () -> ()
    %scan3A = arith.constant 0 : i32
    %scan3A_3 = arith.constant 0 : i32
    %scan3A_4 = arith.constant 640 : i32
    %scan3A_5 = arith.addi %scan3A_3, %scan3A_4 : i32
    %scan3A_6 = arith.constant 1 : i32
    %scan3A_7 = scf.for %scan3A_342 = %scan3A_3 to %scan3A_5 step %scan3A_6 iter_args(%scan3A_343 = %scan3A) -> (i32)  : i32 {
      %broadcast_in_dim3A = arith.constant 0.000000e+00 : f32
      %broadcast_in_dim3A_344 = vector.broadcast %broadcast_in_dim3A : f32 to vector<16xf32>
      %jit3A = arith.constant 8 : i32
      %div3A = arith.divsi %scan3A_342, %jit3A : i32
      %sign3A = arith.constant 0 : i32
      %sign3A_345 = arith.cmpi sgt, %scan3A_342, %sign3A : i32
      %sign3A_346 = arith.extui %sign3A_345 : i1 to i32
      %sign3A_347 = arith.constant 0 : i32
      %sign3A_348 = arith.cmpi slt, %scan3A_342, %sign3A_347 : i32
      %sign3A_349 = arith.extui %sign3A_348 : i1 to i32
      %sign3A_350 = arith.subi %sign3A_346, %sign3A_349 : i32
      %sign3A_351 = arith.constant 0 : i32
      %sign3A_352 = arith.cmpi sgt, %jit3A, %sign3A_351 : i32
      %sign3A_353 = arith.extui %sign3A_352 : i1 to i32
      %sign3A_354 = arith.constant 0 : i32
      %sign3A_355 = arith.cmpi slt, %jit3A, %sign3A_354 : i32
      %sign3A_356 = arith.extui %sign3A_355 : i1 to i32
      %sign3A_357 = arith.subi %sign3A_353, %sign3A_356 : i32
      %ne3A = arith.cmpi ne, %sign3A_350, %sign3A_357 : i32
      %rem3A = arith.remsi %scan3A_342, %jit3A : i32
      %ne3A_358 = arith.constant 0 : i32
      %ne3A_359 = arith.cmpi ne, %rem3A, %ne3A_358 : i32
      %and3A_360 = arith.andi %ne3A, %ne3A_359 : i1
      %sub3A = arith.constant 1 : i32
      %sub3A_361 = arith.subi %div3A, %sub3A : i32
      %select_n3A = arith.select %and3A_360, %sub3A_361, %div3A : i32
      %jit3A_362 = arith.constant 8 : i32
      %eq3A = arith.constant 0 : i32
      %eq3A_363 = arith.cmpi eq, %jit3A_362, %eq3A : i32
      %jit3A_364 = arith.constant 1 : i32
      %select_n3A_365 = arith.select %eq3A_363, %jit3A_364, %jit3A_362 : i32
      %rem3A_366 = arith.remsi %scan3A_342, %select_n3A_365 : i32
      %ne3A_367 = arith.constant 0 : i32
      %ne3A_368 = arith.cmpi ne, %rem3A_366, %ne3A_367 : i32
      %lt3A_369 = arith.constant 0 : i32
      %lt3A_370 = arith.cmpi slt, %rem3A_366, %lt3A_369 : i32
      %lt3A_371 = arith.constant 0 : i32
      %lt3A_372 = arith.cmpi slt, %select_n3A_365, %lt3A_371 : i32
      %ne3A_373 = arith.xori %lt3A_370, %lt3A_372 : i1
      %and3A_374 = arith.andi %ne3A_373, %ne3A_368 : i1
      %add3A_375 = arith.addi %rem3A_366, %select_n3A_365 : i32
      %select_n3A_376 = arith.select %and3A_374, %add3A_375, %rem3A_366 : i32
      %mul3A_377 = arith.constant 16 : i32
      %mul3A_378 = arith.muli %select_n3A_376, %mul3A_377 : i32
      %swap3A_379 = arith.constant 0 : i32
      %swap3A_380 = arith.index_cast %swap3A_379 : i32 to index
      %swap3A_381 = arith.index_cast %select_n3A : i32 to index
      %swap3A_382 = arith.index_cast %mul3A_378 : i32 to index
      %swap3A_383 = tpu.vector_load %arg7[%swap3A_380, %swap3A_381, %swap3A_382] {strides = array<i32>} : memref<2x80x128xf32, #tpu.memory_space<vmem>>, vector<1x1x16xf32>,
      %swap3A_384 = vector.shape_cast %swap3A_383 : vector<1x1x16xf32> to vector<16xf32>
      %swap3A_385 = vector.shape_cast %broadcast_in_dim3A_344 : vector<16xf32> to vector<1x1x16xf32>
      tpu.vector_store %arg7[%swap3A_380, %swap3A_381, %swap3A_382], %swap3A_385 {strides = array<i32>} : memref<2x80x128xf32, #tpu.memory_space<vmem>>, vector<1x1x16xf32>,
      %scan3A_386 = arith.constant 0 : i32
      scf.yield %scan3A_386 : i32
    }
    %scan3A_8 = arith.constant 640 : i32
    %mul3A_9 = arith.constant 640 : i32
    %mul3A_10 = arith.muli %arg1, %mul3A_9 : i32
    %add3A_11 = arith.constant 0 : i32
    %add3A_12 = arith.addi %mul3A_10, %add3A_11 : i32
    %run_scoped3A = arith.constant 0 : i32
    "tpu.region"() ({
      %run_scoped3A_342 = tpu.sem_alloc : memref<!tpu.dma_semaphore, #tpu.memory_space<semaphore_mem>>
      %dma_start3A_343 = arith.constant 0 : i32
      %dma_start3A_344 = arith.constant 0 : i32
      %dma_start3A_345 = tpu.memref_slice %arg7[%run_scoped3A, %dma_start3A_343, %dma_start3A_344] : memref<2x80x128xf32, #tpu.memory_space<vmem>> -> memref<1x80x128xf32, #tpu.memory_space<vmem>>
      %dma_start3A_346 = tpu.memref_squeeze %dma_start3A_345 : memref<1x80x128xf32, #tpu.memory_space<vmem>> -> memref<80x128xf32, #tpu.memory_space<vmem>>
      %dma_start3A_347 = arith.constant 0 : i32
      %dma_start3A_348 = tpu.memref_slice %arg8[%add3A_12, %dma_start3A_347] : memref<10240x128xf32, #tpu.memory_space<vmem_shared>> -> memref<80x128xf32, #tpu.memory_space<vmem_shared>>
      %dma_start3A_349 = arith.constant 0 : i32
      %dma_start3A_350 = tpu.memref_slice %arg8[%add3A_12, %dma_start3A_349] : memref<10240x128xf32, #tpu.memory_space<vmem_shared>> -> memref<80x128xf32, #tpu.memory_space<vmem_shared>>
      %dma_start3A_351 = arith.constant 0 : i32
      %dma_start3A_352 = arith.constant 0 : i32
      %dma_start3A_353 = tpu.memref_slice %arg7[%run_scoped3A, %dma_start3A_351, %dma_start3A_352] : memref<2x80x128xf32, #tpu.memory_space<vmem>> -> memref<1x80x128xf32, #tpu.memory_space<vmem>>
      %dma_start3A_354 = tpu.memref_squeeze %dma_start3A_353 : memref<1x80x128xf32, #tpu.memory_space<vmem>> -> memref<80x128xf32, #tpu.memory_space<vmem>>
      tpu.enqueue_dma source(%dma_start3A_354 : memref<80x128xf32, #tpu.memory_space<vmem>>) target(%dma_start3A_350 : memref<80x128xf32, #tpu.memory_space<vmem_shared>>) target_semaphore(%run_scoped3A_342 : memref<!tpu.dma_semaphore, #tpu.memory_space<semaphore_mem>>)
      %dma_wait3A_355 = arith.constant 0 : i32
      %dma_wait3A_356 = arith.constant 0 : i32
      %dma_wait3A_357 = tpu.memref_slice %arg7[%run_scoped3A, %dma_wait3A_355, %dma_wait3A_356] : memref<2x80x128xf32, #tpu.memory_space<vmem>> -> memref<1x80x128xf32, #tpu.memory_space<vmem>>
      %dma_wait3A_358 = tpu.memref_squeeze %dma_wait3A_357 : memref<1x80x128xf32, #tpu.memory_space<vmem>> -> memref<80x128xf32, #tpu.memory_space<vmem>>
      %dma_wait3A_359 = arith.constant 0 : i32
      %dma_wait3A_360 = tpu.memref_slice %arg8[%add3A_12, %dma_wait3A_359] : memref<10240x128xf32, #tpu.memory_space<vmem_shared>> -> memref<80x128xf32, #tpu.memory_space<vmem_shared>>
      %dma_wait3A_361 = arith.constant 0 : i32
      %dma_wait3A_362 = tpu.memref_slice %arg8[%add3A_12, %dma_wait3A_361] : memref<10240x128xf32, #tpu.memory_space<vmem_shared>> -> memref<80x128xf32, #tpu.memory_space<vmem_shared>>
      %dma_wait3A_363 = arith.constant 0 : i32
      %dma_wait3A_364 = arith.constant 0 : i32
      %dma_wait3A_365 = tpu.memref_slice %arg7[%run_scoped3A, %dma_wait3A_363, %dma_wait3A_364] : memref<2x80x128xf32, #tpu.memory_space<vmem>> -> memref<1x80x128xf32, #tpu.memory_space<vmem>>
      %dma_wait3A_366 = tpu.memref_squeeze %dma_wait3A_365 : memref<1x80x128xf32, #tpu.memory_space<vmem>> -> memref<80x128xf32, #tpu.memory_space<vmem>>
      tpu.wait_dma2 semaphore(%run_scoped3A_342 : memref<!tpu.dma_semaphore, #tpu.memory_space<semaphore_mem>>) src(%dma_wait3A_366 : memref<80x128xf32, #tpu.memory_space<vmem>>) dst(%dma_wait3A_362 : memref<80x128xf32, #tpu.memory_space<vmem_shared>>)
      tpu.yield
    }) : () -> ()
    %mul3A_13 = arith.constant 640 : i32
    %mul3A_14 = arith.muli %arg1, %mul3A_13 : i32
    %add3A_15 = arith.constant 80 : i32
    %add3A_16 = arith.addi %mul3A_14, %add3A_15 : i32
    %run_scoped3A_17 = arith.constant 0 : i32
    "tpu.region"() ({
      %run_scoped3A_342 = tpu.sem_alloc : memref<!tpu.dma_semaphore, #tpu.memory_space<semaphore_mem>>
      %dma_start3A_343 = arith.constant 0 : i32
      %dma_start3A_344 = arith.constant 0 : i32
      %dma_start3A_345 = tpu.memref_slice %arg7[%run_scoped3A_17, %dma_start3A_343, %dma_start3A_344] : memref<2x80x128xf32, #tpu.memory_space<vmem>> -> memref<1x80x128xf32, #tpu.memory_space<vmem>>
      %dma_start3A_346 = tpu.memref_squeeze %dma_start3A_345 : memref<1x80x128xf32, #tpu.memory_space<vmem>> -> memref<80x128xf32, #tpu.memory_space<vmem>>
      %dma_start3A_347 = arith.constant 0 : i32
      %dma_start3A_348 = tpu.memref_slice %arg8[%add3A_16, %dma_start3A_347] : memref<10240x128xf32, #tpu.memory_space<vmem_shared>> -> memref<80x128xf32, #tpu.memory_space<vmem_shared>>
      %dma_start3A_349 = arith.constant 0 : i32
      %dma_start3A_350 = tpu.memref_slice %arg8[%add3A_16, %dma_start3A_349] : memref<10240x128xf32, #tpu.memory_space<vmem_shared>> -> memref<80x128xf32, #tpu.memory_space<vmem_shared>>
      %dma_start3A_351 = arith.constant 0 : i32
      %dma_start3A_352 = arith.constant 0 : i32
      %dma_start3A_353 = tpu.memref_slice %arg7[%run_scoped3A_17, %dma_start3A_351, %dma_start3A_352] : memref<2x80x128xf32, #tpu.memory_space<vmem>> -> memref<1x80x128xf32, #tpu.memory_space<vmem>>
      %dma_start3A_354 = tpu.memref_squeeze %dma_start3A_353 : memref<1x80x128xf32, #tpu.memory_space<vmem>> -> memref<80x128xf32, #tpu.memory_space<vmem>>
      tpu.enqueue_dma source(%dma_start3A_354 : memref<80x128xf32, #tpu.memory_space<vmem>>) target(%dma_start3A_350 : memref<80x128xf32, #tpu.memory_space<vmem_shared>>) target_semaphore(%run_scoped3A_342 : memref<!tpu.dma_semaphore, #tpu.memory_space<semaphore_mem>>)
      %dma_wait3A_355 = arith.constant 0 : i32
      %dma_wait3A_356 = arith.constant 0 : i32
      %dma_wait3A_357 = tpu.memref_slice %arg7[%run_scoped3A_17, %dma_wait3A_355, %dma_wait3A_356] : memref<2x80x128xf32, #tpu.memory_space<vmem>> -> memref<1x80x128xf32, #tpu.memory_space<vmem>>
      %dma_wait3A_358 = tpu.memref_squeeze %dma_wait3A_357 : memref<1x80x128xf32, #tpu.memory_space<vmem>> -> memref<80x128xf32, #tpu.memory_space<vmem>>
      %dma_wait3A_359 = arith.constant 0 : i32
      %dma_wait3A_360 = tpu.memref_slice %arg8[%add3A_16, %dma_wait3A_359] : memref<10240x128xf32, #tpu.memory_space<vmem_shared>> -> memref<80x128xf32, #tpu.memory_space<vmem_shared>>
      %dma_wait3A_361 = arith.constant 0 : i32
      %dma_wait3A_362 = tpu.memref_slice %arg8[%add3A_16, %dma_wait3A_361] : memref<10240x128xf32, #tpu.memory_space<vmem_shared>> -> memref<80x128xf32, #tpu.memory_space<vmem_shared>>
      %dma_wait3A_363 = arith.constant 0 : i32
      %dma_wait3A_364 = arith.constant 0 : i32
      %dma_wait3A_365 = tpu.memref_slice %arg7[%run_scoped3A_17, %dma_wait3A_363, %dma_wait3A_364] : memref<2x80x128xf32, #tpu.memory_space<vmem>> -> memref<1x80x128xf32, #tpu.memory_space<vmem>>
      %dma_wait3A_366 = tpu.memref_squeeze %dma_wait3A_365 : memref<1x80x128xf32, #tpu.memory_space<vmem>> -> memref<80x128xf32, #tpu.memory_space<vmem>>
      tpu.wait_dma2 semaphore(%run_scoped3A_342 : memref<!tpu.dma_semaphore, #tpu.memory_space<semaphore_mem>>) src(%dma_wait3A_366 : memref<80x128xf32, #tpu.memory_space<vmem>>) dst(%dma_wait3A_362 : memref<80x128xf32, #tpu.memory_space<vmem_shared>>)
      tpu.yield
    }) : () -> ()
    %mul3A_18 = arith.constant 640 : i32
    %mul3A_19 = arith.muli %arg1, %mul3A_18 : i32
    %add3A_20 = arith.constant 160 : i32
    %add3A_21 = arith.addi %mul3A_19, %add3A_20 : i32
    %run_scoped3A_22 = arith.constant 0 : i32
    "tpu.region"() ({
      %run_scoped3A_342 = tpu.sem_alloc : memref<!tpu.dma_semaphore, #tpu.memory_space<semaphore_mem>>
      %dma_start3A_343 = arith.constant 0 : i32
      %dma_start3A_344 = arith.constant 0 : i32
      %dma_start3A_345 = tpu.memref_slice %arg7[%run_scoped3A_22, %dma_start3A_343, %dma_start3A_344] : memref<2x80x128xf32, #tpu.memory_space<vmem>> -> memref<1x80x128xf32, #tpu.memory_space<vmem>>
      %dma_start3A_346 = tpu.memref_squeeze %dma_start3A_345 : memref<1x80x128xf32, #tpu.memory_space<vmem>> -> memref<80x128xf32, #tpu.memory_space<vmem>>
      %dma_start3A_347 = arith.constant 0 : i32
      %dma_start3A_348 = tpu.memref_slice %arg8[%add3A_21, %dma_start3A_347] : memref<10240x128xf32, #tpu.memory_space<vmem_shared>> -> memref<80x128xf32, #tpu.memory_space<vmem_shared>>
      %dma_start3A_349 = arith.constant 0 : i32
      %dma_start3A_350 = tpu.memref_slice %arg8[%add3A_21, %dma_start3A_349] : memref<10240x128xf32, #tpu.memory_space<vmem_shared>> -> memref<80x128xf32, #tpu.memory_space<vmem_shared>>
      %dma_start3A_351 = arith.constant 0 : i32
      %dma_start3A_352 = arith.constant 0 : i32
      %dma_start3A_353 = tpu.memref_slice %arg7[%run_scoped3A_22, %dma_start3A_351, %dma_start3A_352] : memref<2x80x128xf32, #tpu.memory_space<vmem>> -> memref<1x80x128xf32, #tpu.memory_space<vmem>>
      %dma_start3A_354 = tpu.memref_squeeze %dma_start3A_353 : memref<1x80x128xf32, #tpu.memory_space<vmem>> -> memref<80x128xf32, #tpu.memory_space<vmem>>
      tpu.enqueue_dma source(%dma_start3A_354 : memref<80x128xf32, #tpu.memory_space<vmem>>) target(%dma_start3A_350 : memref<80x128xf32, #tpu.memory_space<vmem_shared>>) target_semaphore(%run_scoped3A_342 : memref<!tpu.dma_semaphore, #tpu.memory_space<semaphore_mem>>)
      %dma_wait3A_355 = arith.constant 0 : i32
      %dma_wait3A_356 = arith.constant 0 : i32
      %dma_wait3A_357 = tpu.memref_slice %arg7[%run_scoped3A_22, %dma_wait3A_355, %dma_wait3A_356] : memref<2x80x128xf32, #tpu.memory_space<vmem>> -> memref<1x80x128xf32, #tpu.memory_space<vmem>>
      %dma_wait3A_358 = tpu.memref_squeeze %dma_wait3A_357 : memref<1x80x128xf32, #tpu.memory_space<vmem>> -> memref<80x128xf32, #tpu.memory_space<vmem>>
      %dma_wait3A_359 = arith.constant 0 : i32
      %dma_wait3A_360 = tpu.memref_slice %arg8[%add3A_21, %dma_wait3A_359] : memref<10240x128xf32, #tpu.memory_space<vmem_shared>> -> memref<80x128xf32, #tpu.memory_space<vmem_shared>>
      %dma_wait3A_361 = arith.constant 0 : i32
      %dma_wait3A_362 = tpu.memref_slice %arg8[%add3A_21, %dma_wait3A_361] : memref<10240x128xf32, #tpu.memory_space<vmem_shared>> -> memref<80x128xf32, #tpu.memory_space<vmem_shared>>
      %dma_wait3A_363 = arith.constant 0 : i32
      %dma_wait3A_364 = arith.constant 0 : i32
      %dma_wait3A_365 = tpu.memref_slice %arg7[%run_scoped3A_22, %dma_wait3A_363, %dma_wait3A_364] : memref<2x80x128xf32, #tpu.memory_space<vmem>> -> memref<1x80x128xf32, #tpu.memory_space<vmem>>
      %dma_wait3A_366 = tpu.memref_squeeze %dma_wait3A_365 : memref<1x80x128xf32, #tpu.memory_space<vmem>> -> memref<80x128xf32, #tpu.memory_space<vmem>>
      tpu.wait_dma2 semaphore(%run_scoped3A_342 : memref<!tpu.dma_semaphore, #tpu.memory_space<semaphore_mem>>) src(%dma_wait3A_366 : memref<80x128xf32, #tpu.memory_space<vmem>>) dst(%dma_wait3A_362 : memref<80x128xf32, #tpu.memory_space<vmem_shared>>)
      tpu.yield
    }) : () -> ()
    %mul3A_23 = arith.constant 640 : i32
    %mul3A_24 = arith.muli %arg1, %mul3A_23 : i32
    %add3A_25 = arith.constant 240 : i32
    %add3A_26 = arith.addi %mul3A_24, %add3A_25 : i32
    %run_scoped3A_27 = arith.constant 0 : i32
    "tpu.region"() ({
      %run_scoped3A_342 = tpu.sem_alloc : memref<!tpu.dma_semaphore, #tpu.memory_space<semaphore_mem>>
      %dma_start3A_343 = arith.constant 0 : i32
      %dma_start3A_344 = arith.constant 0 : i32
      %dma_start3A_345 = tpu.memref_slice %arg7[%run_scoped3A_27, %dma_start3A_343, %dma_start3A_344] : memref<2x80x128xf32, #tpu.memory_space<vmem>> -> memref<1x80x128xf32, #tpu.memory_space<vmem>>
      %dma_start3A_346 = tpu.memref_squeeze %dma_start3A_345 : memref<1x80x128xf32, #tpu.memory_space<vmem>> -> memref<80x128xf32, #tpu.memory_space<vmem>>
      %dma_start3A_347 = arith.constant 0 : i32
      %dma_start3A_348 = tpu.memref_slice %arg8[%add3A_26, %dma_start3A_347] : memref<10240x128xf32, #tpu.memory_space<vmem_shared>> -> memref<80x128xf32, #tpu.memory_space<vmem_shared>>
      %dma_start3A_349 = arith.constant 0 : i32
      %dma_start3A_350 = tpu.memref_slice %arg8[%add3A_26, %dma_start3A_349] : memref<10240x128xf32, #tpu.memory_space<vmem_shared>> -> memref<80x128xf32, #tpu.memory_space<vmem_shared>>
      %dma_start3A_351 = arith.constant 0 : i32
      %dma_start3A_352 = arith.constant 0 : i32
      %dma_start3A_353 = tpu.memref_slice %arg7[%run_scoped3A_27, %dma_start3A_351, %dma_start3A_352] : memref<2x80x128xf32, #tpu.memory_space<vmem>> -> memref<1x80x128xf32, #tpu.memory_space<vmem>>
      %dma_start3A_354 = tpu.memref_squeeze %dma_start3A_353 : memref<1x80x128xf32, #tpu.memory_space<vmem>> -> memref<80x128xf32, #tpu.memory_space<vmem>>
      tpu.enqueue_dma source(%dma_start3A_354 : memref<80x128xf32, #tpu.memory_space<vmem>>) target(%dma_start3A_350 : memref<80x128xf32, #tpu.memory_space<vmem_shared>>) target_semaphore(%run_scoped3A_342 : memref<!tpu.dma_semaphore, #tpu.memory_space<semaphore_mem>>)
      %dma_wait3A_355 = arith.constant 0 : i32
      %dma_wait3A_356 = arith.constant 0 : i32
      %dma_wait3A_357 = tpu.memref_slice %arg7[%run_scoped3A_27, %dma_wait3A_355, %dma_wait3A_356] : memref<2x80x128xf32, #tpu.memory_space<vmem>> -> memref<1x80x128xf32, #tpu.memory_space<vmem>>
      %dma_wait3A_358 = tpu.memref_squeeze %dma_wait3A_357 : memref<1x80x128xf32, #tpu.memory_space<vmem>> -> memref<80x128xf32, #tpu.memory_space<vmem>>
      %dma_wait3A_359 = arith.constant 0 : i32
      %dma_wait3A_360 = tpu.memref_slice %arg8[%add3A_26, %dma_wait3A_359] : memref<10240x128xf32, #tpu.memory_space<vmem_shared>> -> memref<80x128xf32, #tpu.memory_space<vmem_shared>>
      %dma_wait3A_361 = arith.constant 0 : i32
      %dma_wait3A_362 = tpu.memref_slice %arg8[%add3A_26, %dma_wait3A_361] : memref<10240x128xf32, #tpu.memory_space<vmem_shared>> -> memref<80x128xf32, #tpu.memory_space<vmem_shared>>
      %dma_wait3A_363 = arith.constant 0 : i32
      %dma_wait3A_364 = arith.constant 0 : i32
      %dma_wait3A_365 = tpu.memref_slice %arg7[%run_scoped3A_27, %dma_wait3A_363, %dma_wait3A_364] : memref<2x80x128xf32, #tpu.memory_space<vmem>> -> memref<1x80x128xf32, #tpu.memory_space<vmem>>
      %dma_wait3A_366 = tpu.memref_squeeze %dma_wait3A_365 : memref<1x80x128xf32, #tpu.memory_space<vmem>> -> memref<80x128xf32, #tpu.memory_space<vmem>>
      tpu.wait_dma2 semaphore(%run_scoped3A_342 : memref<!tpu.dma_semaphore, #tpu.memory_space<semaphore_mem>>) src(%dma_wait3A_366 : memref<80x128xf32, #tpu.memory_space<vmem>>) dst(%dma_wait3A_362 : memref<80x128xf32, #tpu.memory_space<vmem_shared>>)
      tpu.yield
    }) : () -> ()
    %mul3A_28 = arith.constant 640 : i32
    %mul3A_29 = arith.muli %arg1, %mul3A_28 : i32
    %add3A_30 = arith.constant 320 : i32
    %add3A_31 = arith.addi %mul3A_29, %add3A_30 : i32
    %run_scoped3A_32 = arith.constant 0 : i32
    "tpu.region"() ({
      %run_scoped3A_342 = tpu.sem_alloc : memref<!tpu.dma_semaphore, #tpu.memory_space<semaphore_mem>>
      %dma_start3A_343 = arith.constant 0 : i32
      %dma_start3A_344 = arith.constant 0 : i32
      %dma_start3A_345 = tpu.memref_slice %arg7[%run_scoped3A_32, %dma_start3A_343, %dma_start3A_344] : memref<2x80x128xf32, #tpu.memory_space<vmem>> -> memref<1x80x128xf32, #tpu.memory_space<vmem>>
      %dma_start3A_346 = tpu.memref_squeeze %dma_start3A_345 : memref<1x80x128xf32, #tpu.memory_space<vmem>> -> memref<80x128xf32, #tpu.memory_space<vmem>>
      %dma_start3A_347 = arith.constant 0 : i32
      %dma_start3A_348 = tpu.memref_slice %arg8[%add3A_31, %dma_start3A_347] : memref<10240x128xf32, #tpu.memory_space<vmem_shared>> -> memref<80x128xf32, #tpu.memory_space<vmem_shared>>
      %dma_start3A_349 = arith.constant 0 : i32
      %dma_start3A_350 = tpu.memref_slice %arg8[%add3A_31, %dma_start3A_349] : memref<10240x128xf32, #tpu.memory_space<vmem_shared>> -> memref<80x128xf32, #tpu.memory_space<vmem_shared>>
      %dma_start3A_351 = arith.constant 0 : i32
      %dma_start3A_352 = arith.constant 0 : i32
      %dma_start3A_353 = tpu.memref_slice %arg7[%run_scoped3A_32, %dma_start3A_351, %dma_start3A_352] : memref<2x80x128xf32, #tpu.memory_space<vmem>> -> memref<1x80x128xf32, #tpu.memory_space<vmem>>
      %dma_start3A_354 = tpu.memref_squeeze %dma_start3A_353 : memref<1x80x128xf32, #tpu.memory_space<vmem>> -> memref<80x128xf32, #tpu.memory_space<vmem>>
      tpu.enqueue_dma source(%dma_start3A_354 : memref<80x128xf32, #tpu.memory_space<vmem>>) target(%dma_start3A_350 : memref<80x128xf32, #tpu.memory_space<vmem_shared>>) target_semaphore(%run_scoped3A_342 : memref<!tpu.dma_semaphore, #tpu.memory_space<semaphore_mem>>)
      %dma_wait3A_355 = arith.constant 0 : i32
      %dma_wait3A_356 = arith.constant 0 : i32
      %dma_wait3A_357 = tpu.memref_slice %arg7[%run_scoped3A_32, %dma_wait3A_355, %dma_wait3A_356] : memref<2x80x128xf32, #tpu.memory_space<vmem>> -> memref<1x80x128xf32, #tpu.memory_space<vmem>>
      %dma_wait3A_358 = tpu.memref_squeeze %dma_wait3A_357 : memref<1x80x128xf32, #tpu.memory_space<vmem>> -> memref<80x128xf32, #tpu.memory_space<vmem>>
      %dma_wait3A_359 = arith.constant 0 : i32
      %dma_wait3A_360 = tpu.memref_slice %arg8[%add3A_31, %dma_wait3A_359] : memref<10240x128xf32, #tpu.memory_space<vmem_shared>> -> memref<80x128xf32, #tpu.memory_space<vmem_shared>>
      %dma_wait3A_361 = arith.constant 0 : i32
      %dma_wait3A_362 = tpu.memref_slice %arg8[%add3A_31, %dma_wait3A_361] : memref<10240x128xf32, #tpu.memory_space<vmem_shared>> -> memref<80x128xf32, #tpu.memory_space<vmem_shared>>
      %dma_wait3A_363 = arith.constant 0 : i32
      %dma_wait3A_364 = arith.constant 0 : i32
      %dma_wait3A_365 = tpu.memref_slice %arg7[%run_scoped3A_32, %dma_wait3A_363, %dma_wait3A_364] : memref<2x80x128xf32, #tpu.memory_space<vmem>> -> memref<1x80x128xf32, #tpu.memory_space<vmem>>
      %dma_wait3A_366 = tpu.memref_squeeze %dma_wait3A_365 : memref<1x80x128xf32, #tpu.memory_space<vmem>> -> memref<80x128xf32, #tpu.memory_space<vmem>>
      tpu.wait_dma2 semaphore(%run_scoped3A_342 : memref<!tpu.dma_semaphore, #tpu.memory_space<semaphore_mem>>) src(%dma_wait3A_366 : memref<80x128xf32, #tpu.memory_space<vmem>>) dst(%dma_wait3A_362 : memref<80x128xf32, #tpu.memory_space<vmem_shared>>)
      tpu.yield
    }) : () -> ()
    %mul3A_33 = arith.constant 640 : i32
    %mul3A_34 = arith.muli %arg1, %mul3A_33 : i32
    %add3A_35 = arith.constant 400 : i32
    %add3A_36 = arith.addi %mul3A_34, %add3A_35 : i32
    %run_scoped3A_37 = arith.constant 0 : i32
    "tpu.region"() ({
      %run_scoped3A_342 = tpu.sem_alloc : memref<!tpu.dma_semaphore, #tpu.memory_space<semaphore_mem>>
      %dma_start3A_343 = arith.constant 0 : i32
      %dma_start3A_344 = arith.constant 0 : i32
      %dma_start3A_345 = tpu.memref_slice %arg7[%run_scoped3A_37, %dma_start3A_343, %dma_start3A_344] : memref<2x80x128xf32, #tpu.memory_space<vmem>> -> memref<1x80x128xf32, #tpu.memory_space<vmem>>
      %dma_start3A_346 = tpu.memref_squeeze %dma_start3A_345 : memref<1x80x128xf32, #tpu.memory_space<vmem>> -> memref<80x128xf32, #tpu.memory_space<vmem>>
      %dma_start3A_347 = arith.constant 0 : i32
      %dma_start3A_348 = tpu.memref_slice %arg8[%add3A_36, %dma_start3A_347] : memref<10240x128xf32, #tpu.memory_space<vmem_shared>> -> memref<80x128xf32, #tpu.memory_space<vmem_shared>>
      %dma_start3A_349 = arith.constant 0 : i32
      %dma_start3A_350 = tpu.memref_slice %arg8[%add3A_36, %dma_start3A_349] : memref<10240x128xf32, #tpu.memory_space<vmem_shared>> -> memref<80x128xf32, #tpu.memory_space<vmem_shared>>
      %dma_start3A_351 = arith.constant 0 : i32
      %dma_start3A_352 = arith.constant 0 : i32
      %dma_start3A_353 = tpu.memref_slice %arg7[%run_scoped3A_37, %dma_start3A_351, %dma_start3A_352] : memref<2x80x128xf32, #tpu.memory_space<vmem>> -> memref<1x80x128xf32, #tpu.memory_space<vmem>>
      %dma_start3A_354 = tpu.memref_squeeze %dma_start3A_353 : memref<1x80x128xf32, #tpu.memory_space<vmem>> -> memref<80x128xf32, #tpu.memory_space<vmem>>
      tpu.enqueue_dma source(%dma_start3A_354 : memref<80x128xf32, #tpu.memory_space<vmem>>) target(%dma_start3A_350 : memref<80x128xf32, #tpu.memory_space<vmem_shared>>) target_semaphore(%run_scoped3A_342 : memref<!tpu.dma_semaphore, #tpu.memory_space<semaphore_mem>>)
      %dma_wait3A_355 = arith.constant 0 : i32
      %dma_wait3A_356 = arith.constant 0 : i32
      %dma_wait3A_357 = tpu.memref_slice %arg7[%run_scoped3A_37, %dma_wait3A_355, %dma_wait3A_356] : memref<2x80x128xf32, #tpu.memory_space<vmem>> -> memref<1x80x128xf32, #tpu.memory_space<vmem>>
      %dma_wait3A_358 = tpu.memref_squeeze %dma_wait3A_357 : memref<1x80x128xf32, #tpu.memory_space<vmem>> -> memref<80x128xf32, #tpu.memory_space<vmem>>
      %dma_wait3A_359 = arith.constant 0 : i32
      %dma_wait3A_360 = tpu.memref_slice %arg8[%add3A_36, %dma_wait3A_359] : memref<10240x128xf32, #tpu.memory_space<vmem_shared>> -> memref<80x128xf32, #tpu.memory_space<vmem_shared>>
      %dma_wait3A_361 = arith.constant 0 : i32
      %dma_wait3A_362 = tpu.memref_slice %arg8[%add3A_36, %dma_wait3A_361] : memref<10240x128xf32, #tpu.memory_space<vmem_shared>> -> memref<80x128xf32, #tpu.memory_space<vmem_shared>>
      %dma_wait3A_363 = arith.constant 0 : i32
      %dma_wait3A_364 = arith.constant 0 : i32
      %dma_wait3A_365 = tpu.memref_slice %arg7[%run_scoped3A_37, %dma_wait3A_363, %dma_wait3A_364] : memref<2x80x128xf32, #tpu.memory_space<vmem>> -> memref<1x80x128xf32, #tpu.memory_space<vmem>>
      %dma_wait3A_366 = tpu.memref_squeeze %dma_wait3A_365 : memref<1x80x128xf32, #tpu.memory_space<vmem>> -> memref<80x128xf32, #tpu.memory_space<vmem>>
      tpu.wait_dma2 semaphore(%run_scoped3A_342 : memref<!tpu.dma_semaphore, #tpu.memory_space<semaphore_mem>>) src(%dma_wait3A_366 : memref<80x128xf32, #tpu.memory_space<vmem>>) dst(%dma_wait3A_362 : memref<80x128xf32, #tpu.memory_space<vmem_shared>>)
      tpu.yield
    }) : () -> ()
    %mul3A_38 = arith.constant 640 : i32
    %mul3A_39 = arith.muli %arg1, %mul3A_38 : i32
    %add3A_40 = arith.constant 480 : i32
    %add3A_41 = arith.addi %mul3A_39, %add3A_40 : i32
    %run_scoped3A_42 = arith.constant 0 : i32
    "tpu.region"() ({
      %run_scoped3A_342 = tpu.sem_alloc : memref<!tpu.dma_semaphore, #tpu.memory_space<semaphore_mem>>
      %dma_start3A_343 = arith.constant 0 : i32
      %dma_start3A_344 = arith.constant 0 : i32
      %dma_start3A_345 = tpu.memref_slice %arg7[%run_scoped3A_42, %dma_start3A_343, %dma_start3A_344] : memref<2x80x128xf32, #tpu.memory_space<vmem>> -> memref<1x80x128xf32, #tpu.memory_space<vmem>>
      %dma_start3A_346 = tpu.memref_squeeze %dma_start3A_345 : memref<1x80x128xf32, #tpu.memory_space<vmem>> -> memref<80x128xf32, #tpu.memory_space<vmem>>
      %dma_start3A_347 = arith.constant 0 : i32
      %dma_start3A_348 = tpu.memref_slice %arg8[%add3A_41, %dma_start3A_347] : memref<10240x128xf32, #tpu.memory_space<vmem_shared>> -> memref<80x128xf32, #tpu.memory_space<vmem_shared>>
      %dma_start3A_349 = arith.constant 0 : i32
      %dma_start3A_350 = tpu.memref_slice %arg8[%add3A_41, %dma_start3A_349] : memref<10240x128xf32, #tpu.memory_space<vmem_shared>> -> memref<80x128xf32, #tpu.memory_space<vmem_shared>>
      %dma_start3A_351 = arith.constant 0 : i32
      %dma_start3A_352 = arith.constant 0 : i32
      %dma_start3A_353 = tpu.memref_slice %arg7[%run_scoped3A_42, %dma_start3A_351, %dma_start3A_352] : memref<2x80x128xf32, #tpu.memory_space<vmem>> -> memref<1x80x128xf32, #tpu.memory_space<vmem>>
      %dma_start3A_354 = tpu.memref_squeeze %dma_start3A_353 : memref<1x80x128xf32, #tpu.memory_space<vmem>> -> memref<80x128xf32, #tpu.memory_space<vmem>>
      tpu.enqueue_dma source(%dma_start3A_354 : memref<80x128xf32, #tpu.memory_space<vmem>>) target(%dma_start3A_350 : memref<80x128xf32, #tpu.memory_space<vmem_shared>>) target_semaphore(%run_scoped3A_342 : memref<!tpu.dma_semaphore, #tpu.memory_space<semaphore_mem>>)
      %dma_wait3A_355 = arith.constant 0 : i32
      %dma_wait3A_356 = arith.constant 0 : i32
      %dma_wait3A_357 = tpu.memref_slice %arg7[%run_scoped3A_42, %dma_wait3A_355, %dma_wait3A_356] : memref<2x80x128xf32, #tpu.memory_space<vmem>> -> memref<1x80x128xf32, #tpu.memory_space<vmem>>
      %dma_wait3A_358 = tpu.memref_squeeze %dma_wait3A_357 : memref<1x80x128xf32, #tpu.memory_space<vmem>> -> memref<80x128xf32, #tpu.memory_space<vmem>>
      %dma_wait3A_359 = arith.constant 0 : i32
      %dma_wait3A_360 = tpu.memref_slice %arg8[%add3A_41, %dma_wait3A_359] : memref<10240x128xf32, #tpu.memory_space<vmem_shared>> -> memref<80x128xf32, #tpu.memory_space<vmem_shared>>
      %dma_wait3A_361 = arith.constant 0 : i32
      %dma_wait3A_362 = tpu.memref_slice %arg8[%add3A_41, %dma_wait3A_361] : memref<10240x128xf32, #tpu.memory_space<vmem_shared>> -> memref<80x128xf32, #tpu.memory_space<vmem_shared>>
      %dma_wait3A_363 = arith.constant 0 : i32
      %dma_wait3A_364 = arith.constant 0 : i32
      %dma_wait3A_365 = tpu.memref_slice %arg7[%run_scoped3A_42, %dma_wait3A_363, %dma_wait3A_364] : memref<2x80x128xf32, #tpu.memory_space<vmem>> -> memref<1x80x128xf32, #tpu.memory_space<vmem>>
      %dma_wait3A_366 = tpu.memref_squeeze %dma_wait3A_365 : memref<1x80x128xf32, #tpu.memory_space<vmem>> -> memref<80x128xf32, #tpu.memory_space<vmem>>
      tpu.wait_dma2 semaphore(%run_scoped3A_342 : memref<!tpu.dma_semaphore, #tpu.memory_space<semaphore_mem>>) src(%dma_wait3A_366 : memref<80x128xf32, #tpu.memory_space<vmem>>) dst(%dma_wait3A_362 : memref<80x128xf32, #tpu.memory_space<vmem_shared>>)
      tpu.yield
    }) : () -> ()
    %mul3A_43 = arith.constant 640 : i32
    %mul3A_44 = arith.muli %arg1, %mul3A_43 : i32
    %add3A_45 = arith.constant 560 : i32
    %add3A_46 = arith.addi %mul3A_44, %add3A_45 : i32
    %run_scoped3A_47 = arith.constant 0 : i32
    "tpu.region"() ({
      %run_scoped3A_342 = tpu.sem_alloc : memref<!tpu.dma_semaphore, #tpu.memory_space<semaphore_mem>>
      %dma_start3A_343 = arith.constant 0 : i32
      %dma_start3A_344 = arith.constant 0 : i32
      %dma_start3A_345 = tpu.memref_slice %arg7[%run_scoped3A_47, %dma_start3A_343, %dma_start3A_344] : memref<2x80x128xf32, #tpu.memory_space<vmem>> -> memref<1x80x128xf32, #tpu.memory_space<vmem>>
      %dma_start3A_346 = tpu.memref_squeeze %dma_start3A_345 : memref<1x80x128xf32, #tpu.memory_space<vmem>> -> memref<80x128xf32, #tpu.memory_space<vmem>>
      %dma_start3A_347 = arith.constant 0 : i32
      %dma_start3A_348 = tpu.memref_slice %arg8[%add3A_46, %dma_start3A_347] : memref<10240x128xf32, #tpu.memory_space<vmem_shared>> -> memref<80x128xf32, #tpu.memory_space<vmem_shared>>
      %dma_start3A_349 = arith.constant 0 : i32
      %dma_start3A_350 = tpu.memref_slice %arg8[%add3A_46, %dma_start3A_349] : memref<10240x128xf32, #tpu.memory_space<vmem_shared>> -> memref<80x128xf32, #tpu.memory_space<vmem_shared>>
      %dma_start3A_351 = arith.constant 0 : i32
      %dma_start3A_352 = arith.constant 0 : i32
      %dma_start3A_353 = tpu.memref_slice %arg7[%run_scoped3A_47, %dma_start3A_351, %dma_start3A_352] : memref<2x80x128xf32, #tpu.memory_space<vmem>> -> memref<1x80x128xf32, #tpu.memory_space<vmem>>
      %dma_start3A_354 = tpu.memref_squeeze %dma_start3A_353 : memref<1x80x128xf32, #tpu.memory_space<vmem>> -> memref<80x128xf32, #tpu.memory_space<vmem>>
      tpu.enqueue_dma source(%dma_start3A_354 : memref<80x128xf32, #tpu.memory_space<vmem>>) target(%dma_start3A_350 : memref<80x128xf32, #tpu.memory_space<vmem_shared>>) target_semaphore(%run_scoped3A_342 : memref<!tpu.dma_semaphore, #tpu.memory_space<semaphore_mem>>)
      %dma_wait3A_355 = arith.constant 0 : i32
      %dma_wait3A_356 = arith.constant 0 : i32
      %dma_wait3A_357 = tpu.memref_slice %arg7[%run_scoped3A_47, %dma_wait3A_355, %dma_wait3A_356] : memref<2x80x128xf32, #tpu.memory_space<vmem>> -> memref<1x80x128xf32, #tpu.memory_space<vmem>>
      %dma_wait3A_358 = tpu.memref_squeeze %dma_wait3A_357 : memref<1x80x128xf32, #tpu.memory_space<vmem>> -> memref<80x128xf32, #tpu.memory_space<vmem>>
      %dma_wait3A_359 = arith.constant 0 : i32
      %dma_wait3A_360 = tpu.memref_slice %arg8[%add3A_46, %dma_wait3A_359] : memref<10240x128xf32, #tpu.memory_space<vmem_shared>> -> memref<80x128xf32, #tpu.memory_space<vmem_shared>>
      %dma_wait3A_361 = arith.constant 0 : i32
      %dma_wait3A_362 = tpu.memref_slice %arg8[%add3A_46, %dma_wait3A_361] : memref<10240x128xf32, #tpu.memory_space<vmem_shared>> -> memref<80x128xf32, #tpu.memory_space<vmem_shared>>
      %dma_wait3A_363 = arith.constant 0 : i32
      %dma_wait3A_364 = arith.constant 0 : i32
      %dma_wait3A_365 = tpu.memref_slice %arg7[%run_scoped3A_47, %dma_wait3A_363, %dma_wait3A_364] : memref<2x80x128xf32, #tpu.memory_space<vmem>> -> memref<1x80x128xf32, #tpu.memory_space<vmem>>
      %dma_wait3A_366 = tpu.memref_squeeze %dma_wait3A_365 : memref<1x80x128xf32, #tpu.memory_space<vmem>> -> memref<80x128xf32, #tpu.memory_space<vmem>>
      tpu.wait_dma2 semaphore(%run_scoped3A_342 : memref<!tpu.dma_semaphore, #tpu.memory_space<semaphore_mem>>) src(%dma_wait3A_366 : memref<80x128xf32, #tpu.memory_space<vmem>>) dst(%dma_wait3A_362 : memref<80x128xf32, #tpu.memory_space<vmem_shared>>)
      tpu.yield
    }) : () -> ()
    %barrier3A = arith.constant 0 : index
    tpu.barrier barrier_id(%barrier3A)
    %get3A = arith.constant 0 : i32
    %get3A_48 = arith.index_cast %get3A : i32 to index
    %get3A_49 = arith.constant 0 : index
    %get3A_50 = tpu.vector_load %arg5[%get3A_48, %get3A_49] {strides = array<i32>} : memref<128x80xi32, #tpu.memory_space<vmem>>, vector<1x16xi32>,
    %get3A_51 = vector.shape_cast %get3A_50 : vector<1x16xi32> to vector<16xi32>
    %and3A = arith.constant 65535 : i32
    %and3A_52 = vector.broadcast %and3A : i32 to vector<16xi32>
    %and3A_53 = arith.andi %get3A_51, %and3A_52 : vector<16xi32>
    %swap3A = arith.constant 0 : i32
    %swap3A_54 = arith.index_cast %swap3A : i32 to index
    %swap3A_55 = arith.constant 0 : index
    %swap3A_56 = tpu.vector_load %arg6[%swap3A_54, %swap3A_55] {strides = array<i32>} : memref<4x80xi32, #tpu.memory_space<vmem>>, vector<1x16xi32>,
    %swap3A_57 = vector.shape_cast %swap3A_56 : vector<1x16xi32> to vector<16xi32>
    %swap3A_58 = vector.shape_cast %and3A_53 : vector<16xi32> to vector<1x16xi32>
    tpu.vector_store %arg6[%swap3A_54, %swap3A_55], %swap3A_58 {strides = array<i32>} : memref<4x80xi32, #tpu.memory_space<vmem>>, vector<1x16xi32>,
    %shift_right_logical3A = arith.constant 16 : i32
    %shift_right_logical3A_59 = vector.broadcast %shift_right_logical3A : i32 to vector<16xi32>
    %shift_right_logical3A_60 = arith.shrui %get3A_51, %shift_right_logical3A_59 : vector<16xi32>
    %swap3A_61 = arith.constant 2 : i32
    %swap3A_62 = arith.index_cast %swap3A_61 : i32 to index
    %swap3A_63 = arith.constant 0 : index
    %swap3A_64 = tpu.vector_load %arg6[%swap3A_62, %swap3A_63] {strides = array<i32>} : memref<4x80xi32, #tpu.memory_space<vmem>>, vector<1x16xi32>,
    %swap3A_65 = vector.shape_cast %swap3A_64 : vector<1x16xi32> to vector<16xi32>
    %swap3A_66 = vector.shape_cast %shift_right_logical3A_60 : vector<16xi32> to vector<1x16xi32>
    tpu.vector_store %arg6[%swap3A_62, %swap3A_63], %swap3A_66 {strides = array<i32>} : memref<4x80xi32, #tpu.memory_space<vmem>>, vector<1x16xi32>,
    %get3A_67 = arith.constant 0 : i32
    %get3A_68 = arith.index_cast %get3A_67 : i32 to index
    %get3A_69 = arith.constant 16 : index
    %get3A_70 = tpu.vector_load %arg5[%get3A_68, %get3A_69] {strides = array<i32>} : memref<128x80xi32, #tpu.memory_space<vmem>>, vector<1x16xi32>,
    %get3A_71 = vector.shape_cast %get3A_70 : vector<1x16xi32> to vector<16xi32>
    %and3A_72 = arith.constant 65535 : i32
    %and3A_73 = vector.broadcast %and3A_72 : i32 to vector<16xi32>
    %and3A_74 = arith.andi %get3A_71, %and3A_73 : vector<16xi32>
    %swap3A_75 = arith.constant 0 : i32
    %swap3A_76 = arith.index_cast %swap3A_75 : i32 to index
    %swap3A_77 = arith.constant 16 : index
    %swap3A_78 = tpu.vector_load %arg6[%swap3A_76, %swap3A_77] {strides = array<i32>} : memref<4x80xi32, #tpu.memory_space<vmem>>, vector<1x16xi32>,
    %swap3A_79 = vector.shape_cast %swap3A_78 : vector<1x16xi32> to vector<16xi32>
    %swap3A_80 = vector.shape_cast %and3A_74 : vector<16xi32> to vector<1x16xi32>
    tpu.vector_store %arg6[%swap3A_76, %swap3A_77], %swap3A_80 {strides = array<i32>} : memref<4x80xi32, #tpu.memory_space<vmem>>, vector<1x16xi32>,
    %shift_right_logical3A_81 = arith.constant 16 : i32
    %shift_right_logical3A_82 = vector.broadcast %shift_right_logical3A_81 : i32 to vector<16xi32>
    %shift_right_logical3A_83 = arith.shrui %get3A_71, %shift_right_logical3A_82 : vector<16xi32>
    %swap3A_84 = arith.constant 2 : i32
    %swap3A_85 = arith.index_cast %swap3A_84 : i32 to index
    %swap3A_86 = arith.constant 16 : index
    %swap3A_87 = tpu.vector_load %arg6[%swap3A_85, %swap3A_86] {strides = array<i32>} : memref<4x80xi32, #tpu.memory_space<vmem>>, vector<1x16xi32>,
    %swap3A_88 = vector.shape_cast %swap3A_87 : vector<1x16xi32> to vector<16xi32>
    %swap3A_89 = vector.shape_cast %shift_right_logical3A_83 : vector<16xi32> to vector<1x16xi32>
    tpu.vector_store %arg6[%swap3A_85, %swap3A_86], %swap3A_89 {strides = array<i32>} : memref<4x80xi32, #tpu.memory_space<vmem>>, vector<1x16xi32>,
    %get3A_90 = arith.constant 0 : i32
    %get3A_91 = arith.index_cast %get3A_90 : i32 to index
    %get3A_92 = arith.constant 32 : index
    %get3A_93 = tpu.vector_load %arg5[%get3A_91, %get3A_92] {strides = array<i32>} : memref<128x80xi32, #tpu.memory_space<vmem>>, vector<1x16xi32>,
    %get3A_94 = vector.shape_cast %get3A_93 : vector<1x16xi32> to vector<16xi32>
    %and3A_95 = arith.constant 65535 : i32
    %and3A_96 = vector.broadcast %and3A_95 : i32 to vector<16xi32>
    %and3A_97 = arith.andi %get3A_94, %and3A_96 : vector<16xi32>
    %swap3A_98 = arith.constant 0 : i32
    %swap3A_99 = arith.index_cast %swap3A_98 : i32 to index
    %swap3A_100 = arith.constant 32 : index
    %swap3A_101 = tpu.vector_load %arg6[%swap3A_99, %swap3A_100] {strides = array<i32>} : memref<4x80xi32, #tpu.memory_space<vmem>>, vector<1x16xi32>,
    %swap3A_102 = vector.shape_cast %swap3A_101 : vector<1x16xi32> to vector<16xi32>
    %swap3A_103 = vector.shape_cast %and3A_97 : vector<16xi32> to vector<1x16xi32>
    tpu.vector_store %arg6[%swap3A_99, %swap3A_100], %swap3A_103 {strides = array<i32>} : memref<4x80xi32, #tpu.memory_space<vmem>>, vector<1x16xi32>,
    %shift_right_logical3A_104 = arith.constant 16 : i32
    %shift_right_logical3A_105 = vector.broadcast %shift_right_logical3A_104 : i32 to vector<16xi32>
    %shift_right_logical3A_106 = arith.shrui %get3A_94, %shift_right_logical3A_105 : vector<16xi32>
    %swap3A_107 = arith.constant 2 : i32
    %swap3A_108 = arith.index_cast %swap3A_107 : i32 to index
    %swap3A_109 = arith.constant 32 : index
    %swap3A_110 = tpu.vector_load %arg6[%swap3A_108, %swap3A_109] {strides = array<i32>} : memref<4x80xi32, #tpu.memory_space<vmem>>, vector<1x16xi32>,
    %swap3A_111 = vector.shape_cast %swap3A_110 : vector<1x16xi32> to vector<16xi32>
    %swap3A_112 = vector.shape_cast %shift_right_logical3A_106 : vector<16xi32> to vector<1x16xi32>
    tpu.vector_store %arg6[%swap3A_108, %swap3A_109], %swap3A_112 {strides = array<i32>} : memref<4x80xi32, #tpu.memory_space<vmem>>, vector<1x16xi32>,
    %get3A_113 = arith.constant 0 : i32
    %get3A_114 = arith.index_cast %get3A_113 : i32 to index
    %get3A_115 = arith.constant 48 : index
    %get3A_116 = tpu.vector_load %arg5[%get3A_114, %get3A_115] {strides = array<i32>} : memref<128x80xi32, #tpu.memory_space<vmem>>, vector<1x16xi32>,
    %get3A_117 = vector.shape_cast %get3A_116 : vector<1x16xi32> to vector<16xi32>
    %and3A_118 = arith.constant 65535 : i32
    %and3A_119 = vector.broadcast %and3A_118 : i32 to vector<16xi32>
    %and3A_120 = arith.andi %get3A_117, %and3A_119 : vector<16xi32>
    %swap3A_121 = arith.constant 0 : i32
    %swap3A_122 = arith.index_cast %swap3A_121 : i32 to index
    %swap3A_123 = arith.constant 48 : index
    %swap3A_124 = tpu.vector_load %arg6[%swap3A_122, %swap3A_123] {strides = array<i32>} : memref<4x80xi32, #tpu.memory_space<vmem>>, vector<1x16xi32>,
    %swap3A_125 = vector.shape_cast %swap3A_124 : vector<1x16xi32> to vector<16xi32>
    %swap3A_126 = vector.shape_cast %and3A_120 : vector<16xi32> to vector<1x16xi32>
    tpu.vector_store %arg6[%swap3A_122, %swap3A_123], %swap3A_126 {strides = array<i32>} : memref<4x80xi32, #tpu.memory_space<vmem>>, vector<1x16xi32>,
    %shift_right_logical3A_127 = arith.constant 16 : i32
    %shift_right_logical3A_128 = vector.broadcast %shift_right_logical3A_127 : i32 to vector<16xi32>
    %shift_right_logical3A_129 = arith.shrui %get3A_117, %shift_right_logical3A_128 : vector<16xi32>
    %swap3A_130 = arith.constant 2 : i32
    %swap3A_131 = arith.index_cast %swap3A_130 : i32 to index
    %swap3A_132 = arith.constant 48 : index
    %swap3A_133 = tpu.vector_load %arg6[%swap3A_131, %swap3A_132] {strides = array<i32>} : memref<4x80xi32, #tpu.memory_space<vmem>>, vector<1x16xi32>,
    %swap3A_134 = vector.shape_cast %swap3A_133 : vector<1x16xi32> to vector<16xi32>
    %swap3A_135 = vector.shape_cast %shift_right_logical3A_129 : vector<16xi32> to vector<1x16xi32>
    tpu.vector_store %arg6[%swap3A_131, %swap3A_132], %swap3A_135 {strides = array<i32>} : memref<4x80xi32, #tpu.memory_space<vmem>>, vector<1x16xi32>,
    %get3A_136 = arith.constant 0 : i32
    %get3A_137 = arith.index_cast %get3A_136 : i32 to index
    %get3A_138 = arith.constant 64 : index
    %get3A_139 = tpu.vector_load %arg5[%get3A_137, %get3A_138] {strides = array<i32>} : memref<128x80xi32, #tpu.memory_space<vmem>>, vector<1x16xi32>,
    %get3A_140 = vector.shape_cast %get3A_139 : vector<1x16xi32> to vector<16xi32>
    %and3A_141 = arith.constant 65535 : i32
    %and3A_142 = vector.broadcast %and3A_141 : i32 to vector<16xi32>
    %and3A_143 = arith.andi %get3A_140, %and3A_142 : vector<16xi32>
    %swap3A_144 = arith.constant 0 : i32
    %swap3A_145 = arith.index_cast %swap3A_144 : i32 to index
    %swap3A_146 = arith.constant 64 : index
    %swap3A_147 = tpu.vector_load %arg6[%swap3A_145, %swap3A_146] {strides = array<i32>} : memref<4x80xi32, #tpu.memory_space<vmem>>, vector<1x16xi32>,
    %swap3A_148 = vector.shape_cast %swap3A_147 : vector<1x16xi32> to vector<16xi32>
    %swap3A_149 = vector.shape_cast %and3A_143 : vector<16xi32> to vector<1x16xi32>
    tpu.vector_store %arg6[%swap3A_145, %swap3A_146], %swap3A_149 {strides = array<i32>} : memref<4x80xi32, #tpu.memory_space<vmem>>, vector<1x16xi32>,
    %shift_right_logical3A_150 = arith.constant 16 : i32
    %shift_right_logical3A_151 = vector.broadcast %shift_right_logical3A_150 : i32 to vector<16xi32>
    %shift_right_logical3A_152 = arith.shrui %get3A_140, %shift_right_logical3A_151 : vector<16xi32>
    %swap3A_153 = arith.constant 2 : i32
    %swap3A_154 = arith.index_cast %swap3A_153 : i32 to index
    %swap3A_155 = arith.constant 64 : index
    %swap3A_156 = tpu.vector_load %arg6[%swap3A_154, %swap3A_155] {strides = array<i32>} : memref<4x80xi32, #tpu.memory_space<vmem>>, vector<1x16xi32>,
    %swap3A_157 = vector.shape_cast %swap3A_156 : vector<1x16xi32> to vector<16xi32>
    %swap3A_158 = vector.shape_cast %shift_right_logical3A_152 : vector<16xi32> to vector<1x16xi32>
    tpu.vector_store %arg6[%swap3A_154, %swap3A_155], %swap3A_158 {strides = array<i32>} : memref<4x80xi32, #tpu.memory_space<vmem>>, vector<1x16xi32>,
    %dma_start3A = arith.constant 0 : i32
    %dma_start3A_159 = arith.constant 0 : i32
    %dma_start3A_160 = arith.constant 0 : i32
    %dma_start3A_161 = arith.constant 0 : i32
    %dma_start3A_162 = arith.constant 0 : i32
    %dma_start3A_163 = tpu.memref_slice %arg7[%dma_start3A_159, %dma_start3A_161, %dma_start3A_162] : memref<2x80x128xf32, #tpu.memory_space<vmem>> -> memref<1x80x128xf32, #tpu.memory_space<vmem>>
    %dma_start3A_164 = tpu.memref_squeeze %dma_start3A_163 : memref<1x80x128xf32, #tpu.memory_space<vmem>> -> memref<80x128xf32, #tpu.memory_space<vmem>>
    %dma_start3A_165 = arith.constant 0 : i32
    %dma_start3A_166 = tpu.memref_slice %arg6[%dma_start3A, %dma_start3A_165] : memref<4x80xi32, #tpu.memory_space<vmem>> -> memref<1x80xi32, #tpu.memory_space<vmem>>
    %dma_start3A_167 = tpu.memref_squeeze %dma_start3A_166 : memref<1x80xi32, #tpu.memory_space<vmem>> -> memref<80xi32, #tpu.memory_space<vmem>>
    %dma_start3A_168 = arith.constant 0 : i32
    %dma_start3A_169 = arith.constant 0 : i32
    %dma_start3A_170 = tpu.memref_slice %arg2[%dma_start3A_168, %dma_start3A_169] : memref<10000x128xf32, #tpu.memory_space<hbm>> -> memref<10000x128xf32, #tpu.memory_space<hbm>>
    %dma_start3A_171 = tpu.memref_slice %arg9[%dma_start3A_160] : memref<2x!tpu.dma_semaphore, #tpu.memory_space<semaphore_mem>> -> memref<1x!tpu.dma_semaphore, #tpu.memory_space<semaphore_mem>>
    %dma_start3A_172 = tpu.memref_squeeze %dma_start3A_171 : memref<1x!tpu.dma_semaphore, #tpu.memory_space<semaphore_mem>> -> memref<!tpu.dma_semaphore, #tpu.memory_space<semaphore_mem>>
    tpu.enqueue_indirect_dma source(%dma_start3A_170 : memref<10000x128xf32, #tpu.memory_space<hbm>>) target(%dma_start3A_164 : memref<80x128xf32, #tpu.memory_space<vmem>>) offsets(%dma_start3A_167 : memref<80xi32, #tpu.memory_space<vmem>>) semaphore(%dma_start3A_172 : memref<!tpu.dma_semaphore, #tpu.memory_space<semaphore_mem>>)
    %get3A_173 = arith.constant 1 : i32
    %get3A_174 = arith.index_cast %get3A_173 : i32 to index
    %get3A_175 = arith.constant 0 : index
    %get3A_176 = tpu.vector_load %arg5[%get3A_174, %get3A_175] {strides = array<i32>} : memref<128x80xi32, #tpu.memory_space<vmem>>, vector<1x16xi32>,
    %get3A_177 = vector.shape_cast %get3A_176 : vector<1x16xi32> to vector<16xi32>
    %and3A_178 = arith.constant 65535 : i32
    %and3A_179 = vector.broadcast %and3A_178 : i32 to vector<16xi32>
    %and3A_180 = arith.andi %get3A_177, %and3A_179 : vector<16xi32>
    %swap3A_181 = arith.constant 1 : i32
    %swap3A_182 = arith.index_cast %swap3A_181 : i32 to index
    %swap3A_183 = arith.constant 0 : index
    %swap3A_184 = tpu.vector_load %arg6[%swap3A_182, %swap3A_183] {strides = array<i32>} : memref<4x80xi32, #tpu.memory_space<vmem>>, vector<1x16xi32>,
    %swap3A_185 = vector.shape_cast %swap3A_184 : vector<1x16xi32> to vector<16xi32>
    %swap3A_186 = vector.shape_cast %and3A_180 : vector<16xi32> to vector<1x16xi32>
    tpu.vector_store %arg6[%swap3A_182, %swap3A_183], %swap3A_186 {strides = array<i32>} : memref<4x80xi32, #tpu.memory_space<vmem>>, vector<1x16xi32>,
    %shift_right_logical3A_187 = arith.constant 16 : i32
    %shift_right_logical3A_188 = vector.broadcast %shift_right_logical3A_187 : i32 to vector<16xi32>
    %shift_right_logical3A_189 = arith.shrui %get3A_177, %shift_right_logical3A_188 : vector<16xi32>
    %swap3A_190 = arith.constant 3 : i32
    %swap3A_191 = arith.index_cast %swap3A_190 : i32 to index
    %swap3A_192 = arith.constant 0 : index
    %swap3A_193 = tpu.vector_load %arg6[%swap3A_191, %swap3A_192] {strides = array<i32>} : memref<4x80xi32, #tpu.memory_space<vmem>>, vector<1x16xi32>,
    %swap3A_194 = vector.shape_cast %swap3A_193 : vector<1x16xi32> to vector<16xi32>
    %swap3A_195 = vector.shape_cast %shift_right_logical3A_189 : vector<16xi32> to vector<1x16xi32>
    tpu.vector_store %arg6[%swap3A_191, %swap3A_192], %swap3A_195 {strides = array<i32>} : memref<4x80xi32, #tpu.memory_space<vmem>>, vector<1x16xi32>,
    %get3A_196 = arith.constant 1 : i32
    %get3A_197 = arith.index_cast %get3A_196 : i32 to index
    %get3A_198 = arith.constant 16 : index
    %get3A_199 = tpu.vector_load %arg5[%get3A_197, %get3A_198] {strides = array<i32>} : memref<128x80xi32, #tpu.memory_space<vmem>>, vector<1x16xi32>,
    %get3A_200 = vector.shape_cast %get3A_199 : vector<1x16xi32> to vector<16xi32>
    %and3A_201 = arith.constant 65535 : i32
    %and3A_202 = vector.broadcast %and3A_201 : i32 to vector<16xi32>
    %and3A_203 = arith.andi %get3A_200, %and3A_202 : vector<16xi32>
    %swap3A_204 = arith.constant 1 : i32
    %swap3A_205 = arith.index_cast %swap3A_204 : i32 to index
    %swap3A_206 = arith.constant 16 : index
    %swap3A_207 = tpu.vector_load %arg6[%swap3A_205, %swap3A_206] {strides = array<i32>} : memref<4x80xi32, #tpu.memory_space<vmem>>, vector<1x16xi32>,
    %swap3A_208 = vector.shape_cast %swap3A_207 : vector<1x16xi32> to vector<16xi32>
    %swap3A_209 = vector.shape_cast %and3A_203 : vector<16xi32> to vector<1x16xi32>
    tpu.vector_store %arg6[%swap3A_205, %swap3A_206], %swap3A_209 {strides = array<i32>} : memref<4x80xi32, #tpu.memory_space<vmem>>, vector<1x16xi32>,
    %shift_right_logical3A_210 = arith.constant 16 : i32
    %shift_right_logical3A_211 = vector.broadcast %shift_right_logical3A_210 : i32 to vector<16xi32>
    %shift_right_logical3A_212 = arith.shrui %get3A_200, %shift_right_logical3A_211 : vector<16xi32>
    %swap3A_213 = arith.constant 3 : i32
    %swap3A_214 = arith.index_cast %swap3A_213 : i32 to index
    %swap3A_215 = arith.constant 16 : index
    %swap3A_216 = tpu.vector_load %arg6[%swap3A_214, %swap3A_215] {strides = array<i32>} : memref<4x80xi32, #tpu.memory_space<vmem>>, vector<1x16xi32>,
    %swap3A_217 = vector.shape_cast %swap3A_216 : vector<1x16xi32> to vector<16xi32>
    %swap3A_218 = vector.shape_cast %shift_right_logical3A_212 : vector<16xi32> to vector<1x16xi32>
    tpu.vector_store %arg6[%swap3A_214, %swap3A_215], %swap3A_218 {strides = array<i32>} : memref<4x80xi32, #tpu.memory_space<vmem>>, vector<1x16xi32>,
    %get3A_219 = arith.constant 1 : i32
    %get3A_220 = arith.index_cast %get3A_219 : i32 to index
    %get3A_221 = arith.constant 32 : index
    %get3A_222 = tpu.vector_load %arg5[%get3A_220, %get3A_221] {strides = array<i32>} : memref<128x80xi32, #tpu.memory_space<vmem>>, vector<1x16xi32>,
    %get3A_223 = vector.shape_cast %get3A_222 : vector<1x16xi32> to vector<16xi32>
    %and3A_224 = arith.constant 65535 : i32
    %and3A_225 = vector.broadcast %and3A_224 : i32 to vector<16xi32>
    %and3A_226 = arith.andi %get3A_223, %and3A_225 : vector<16xi32>
    %swap3A_227 = arith.constant 1 : i32
    %swap3A_228 = arith.index_cast %swap3A_227 : i32 to index
    %swap3A_229 = arith.constant 32 : index
    %swap3A_230 = tpu.vector_load %arg6[%swap3A_228, %swap3A_229] {strides = array<i32>} : memref<4x80xi32, #tpu.memory_space<vmem>>, vector<1x16xi32>,
    %swap3A_231 = vector.shape_cast %swap3A_230 : vector<1x16xi32> to vector<16xi32>
    %swap3A_232 = vector.shape_cast %and3A_226 : vector<16xi32> to vector<1x16xi32>
    tpu.vector_store %arg6[%swap3A_228, %swap3A_229], %swap3A_232 {strides = array<i32>} : memref<4x80xi32, #tpu.memory_space<vmem>>, vector<1x16xi32>,
    %shift_right_logical3A_233 = arith.constant 16 : i32
    %shift_right_logical3A_234 = vector.broadcast %shift_right_logical3A_233 : i32 to vector<16xi32>
    %shift_right_logical3A_235 = arith.shrui %get3A_223, %shift_right_logical3A_234 : vector<16xi32>
    %swap3A_236 = arith.constant 3 : i32
    %swap3A_237 = arith.index_cast %swap3A_236 : i32 to index
    %swap3A_238 = arith.constant 32 : index
    %swap3A_239 = tpu.vector_load %arg6[%swap3A_237, %swap3A_238] {strides = array<i32>} : memref<4x80xi32, #tpu.memory_space<vmem>>, vector<1x16xi32>,
    %swap3A_240 = vector.shape_cast %swap3A_239 : vector<1x16xi32> to vector<16xi32>
    %swap3A_241 = vector.shape_cast %shift_right_logical3A_235 : vector<16xi32> to vector<1x16xi32>
    tpu.vector_store %arg6[%swap3A_237, %swap3A_238], %swap3A_241 {strides = array<i32>} : memref<4x80xi32, #tpu.memory_space<vmem>>, vector<1x16xi32>,
    %get3A_242 = arith.constant 1 : i32
    %get3A_243 = arith.index_cast %get3A_242 : i32 to index
    %get3A_244 = arith.constant 48 : index
    %get3A_245 = tpu.vector_load %arg5[%get3A_243, %get3A_244] {strides = array<i32>} : memref<128x80xi32, #tpu.memory_space<vmem>>, vector<1x16xi32>,
    %get3A_246 = vector.shape_cast %get3A_245 : vector<1x16xi32> to vector<16xi32>
    %and3A_247 = arith.constant 65535 : i32
    %and3A_248 = vector.broadcast %and3A_247 : i32 to vector<16xi32>
    %and3A_249 = arith.andi %get3A_246, %and3A_248 : vector<16xi32>
    %swap3A_250 = arith.constant 1 : i32
    %swap3A_251 = arith.index_cast %swap3A_250 : i32 to index
    %swap3A_252 = arith.constant 48 : index
    %swap3A_253 = tpu.vector_load %arg6[%swap3A_251, %swap3A_252] {strides = array<i32>} : memref<4x80xi32, #tpu.memory_space<vmem>>, vector<1x16xi32>,
    %swap3A_254 = vector.shape_cast %swap3A_253 : vector<1x16xi32> to vector<16xi32>
    %swap3A_255 = vector.shape_cast %and3A_249 : vector<16xi32> to vector<1x16xi32>
    tpu.vector_store %arg6[%swap3A_251, %swap3A_252], %swap3A_255 {strides = array<i32>} : memref<4x80xi32, #tpu.memory_space<vmem>>, vector<1x16xi32>,
    %shift_right_logical3A_256 = arith.constant 16 : i32
    %shift_right_logical3A_257 = vector.broadcast %shift_right_logical3A_256 : i32 to vector<16xi32>
    %shift_right_logical3A_258 = arith.shrui %get3A_246, %shift_right_logical3A_257 : vector<16xi32>
    %swap3A_259 = arith.constant 3 : i32
    %swap3A_260 = arith.index_cast %swap3A_259 : i32 to index
    %swap3A_261 = arith.constant 48 : index
    %swap3A_262 = tpu.vector_load %arg6[%swap3A_260, %swap3A_261] {strides = array<i32>} : memref<4x80xi32, #tpu.memory_space<vmem>>, vector<1x16xi32>,
    %swap3A_263 = vector.shape_cast %swap3A_262 : vector<1x16xi32> to vector<16xi32>
    %swap3A_264 = vector.shape_cast %shift_right_logical3A_258 : vector<16xi32> to vector<1x16xi32>
    tpu.vector_store %arg6[%swap3A_260, %swap3A_261], %swap3A_264 {strides = array<i32>} : memref<4x80xi32, #tpu.memory_space<vmem>>, vector<1x16xi32>,
    %get3A_265 = arith.constant 1 : i32
    %get3A_266 = arith.index_cast %get3A_265 : i32 to index
    %get3A_267 = arith.constant 64 : index
    %get3A_268 = tpu.vector_load %arg5[%get3A_266, %get3A_267] {strides = array<i32>} : memref<128x80xi32, #tpu.memory_space<vmem>>, vector<1x16xi32>,
    %get3A_269 = vector.shape_cast %get3A_268 : vector<1x16xi32> to vector<16xi32>
    %and3A_270 = arith.constant 65535 : i32
    %and3A_271 = vector.broadcast %and3A_270 : i32 to vector<16xi32>
    %and3A_272 = arith.andi %get3A_269, %and3A_271 : vector<16xi32>
    %swap3A_273 = arith.constant 1 : i32
    %swap3A_274 = arith.index_cast %swap3A_273 : i32 to index
    %swap3A_275 = arith.constant 64 : index
    %swap3A_276 = tpu.vector_load %arg6[%swap3A_274, %swap3A_275] {strides = array<i32>} : memref<4x80xi32, #tpu.memory_space<vmem>>, vector<1x16xi32>,
    %swap3A_277 = vector.shape_cast %swap3A_276 : vector<1x16xi32> to vector<16xi32>
    %swap3A_278 = vector.shape_cast %and3A_272 : vector<16xi32> to vector<1x16xi32>
    tpu.vector_store %arg6[%swap3A_274, %swap3A_275], %swap3A_278 {strides = array<i32>} : memref<4x80xi32, #tpu.memory_space<vmem>>, vector<1x16xi32>,
    %shift_right_logical3A_279 = arith.constant 16 : i32
    %shift_right_logical3A_280 = vector.broadcast %shift_right_logical3A_279 : i32 to vector<16xi32>
    %shift_right_logical3A_281 = arith.shrui %get3A_269, %shift_right_logical3A_280 : vector<16xi32>
    %swap3A_282 = arith.constant 3 : i32
    %swap3A_283 = arith.index_cast %swap3A_282 : i32 to index
    %swap3A_284 = arith.constant 64 : index
    %swap3A_285 = tpu.vector_load %arg6[%swap3A_283, %swap3A_284] {strides = array<i32>} : memref<4x80xi32, #tpu.memory_space<vmem>>, vector<1x16xi32>,
    %swap3A_286 = vector.shape_cast %swap3A_285 : vector<1x16xi32> to vector<16xi32>
    %swap3A_287 = vector.shape_cast %shift_right_logical3A_281 : vector<16xi32> to vector<1x16xi32>
    tpu.vector_store %arg6[%swap3A_283, %swap3A_284], %swap3A_287 {strides = array<i32>} : memref<4x80xi32, #tpu.memory_space<vmem>>, vector<1x16xi32>,
    %dma_start3A_288 = arith.constant 1 : i32
    %dma_start3A_289 = arith.constant 1 : i32
    %dma_start3A_290 = arith.constant 1 : i32
    %dma_start3A_291 = arith.constant 0 : i32
    %dma_start3A_292 = arith.constant 0 : i32
    %dma_start3A_293 = tpu.memref_slice %arg7[%dma_start3A_289, %dma_start3A_291, %dma_start3A_292] : memref<2x80x128xf32, #tpu.memory_space<vmem>> -> memref<1x80x128xf32, #tpu.memory_space<vmem>>
    %dma_start3A_294 = tpu.memref_squeeze %dma_start3A_293 : memref<1x80x128xf32, #tpu.memory_space<vmem>> -> memref<80x128xf32, #tpu.memory_space<vmem>>
    %dma_start3A_295 = arith.constant 0 : i32
    %dma_start3A_296 = tpu.memref_slice %arg6[%dma_start3A_288, %dma_start3A_295] : memref<4x80xi32, #tpu.memory_space<vmem>> -> memref<1x80xi32, #tpu.memory_space<vmem>>
    %dma_start3A_297 = tpu.memref_squeeze %dma_start3A_296 : memref<1x80xi32, #tpu.memory_space<vmem>> -> memref<80xi32, #tpu.memory_space<vmem>>
    %dma_start3A_298 = arith.constant 0 : i32
    %dma_start3A_299 = arith.constant 0 : i32
    %dma_start3A_300 = tpu.memref_slice %arg2[%dma_start3A_298, %dma_start3A_299] : memref<10000x128xf32, #tpu.memory_space<hbm>> -> memref<10000x128xf32, #tpu.memory_space<hbm>>
    %dma_start3A_301 = tpu.memref_slice %arg9[%dma_start3A_290] : memref<2x!tpu.dma_semaphore, #tpu.memory_space<semaphore_mem>> -> memref<1x!tpu.dma_semaphore, #tpu.memory_space<semaphore_mem>>
    %dma_start3A_302 = tpu.memref_squeeze %dma_start3A_301 : memref<1x!tpu.dma_semaphore, #tpu.memory_space<semaphore_mem>> -> memref<!tpu.dma_semaphore, #tpu.memory_space<semaphore_mem>>
    tpu.enqueue_indirect_dma source(%dma_start3A_300 : memref<10000x128xf32, #tpu.memory_space<hbm>>) target(%dma_start3A_294 : memref<80x128xf32, #tpu.memory_space<vmem>>) offsets(%dma_start3A_297 : memref<80xi32, #tpu.memory_space<vmem>>) semaphore(%dma_start3A_302 : memref<!tpu.dma_semaphore, #tpu.memory_space<semaphore_mem>>)
    %scan3A_303 = arith.constant 0 : i32
    %scan3A_304 = arith.constant 0 : i32
    %scan3A_305 = arith.constant 64 : i32
    %scan3A_306 = arith.addi %scan3A_304, %scan3A_305 : i32
    %scan3A_307 = arith.constant 1 : i32
    %scan3A_308 = scf.for %scan3A_342 = %scan3A_304 to %scan3A_306 step %scan3A_307 iter_args(%scan3A_343 = %scan3A_303) -> (i32)  : i32 {
      %mul3A_344 = arith.constant 2 : i32
      %mul3A_345 = arith.muli %scan3A_342, %mul3A_344 : i32
      %dma_wait3A_346 = arith.constant 0 : i32
      %dma_wait3A_347 = arith.constant 0 : i32
      %dma_wait3A_348 = arith.constant 0 : i32
      %dma_wait3A_349 = arith.constant 0 : i32
      %dma_wait3A_350 = arith.constant 0 : i32
      %dma_wait3A_351 = tpu.memref_slice %arg7[%dma_wait3A_347, %dma_wait3A_349, %dma_wait3A_350] : memref<2x80x128xf32, #tpu.memory_space<vmem>> -> memref<1x80x128xf32, #tpu.memory_space<vmem>>
      %dma_wait3A_352 = tpu.memref_squeeze %dma_wait3A_351 : memref<1x80x128xf32, #tpu.memory_space<vmem>> -> memref<80x128xf32, #tpu.memory_space<vmem>>
      %dma_wait3A_353 = arith.constant 0 : i32
      %dma_wait3A_354 = tpu.memref_slice %arg6[%dma_wait3A_346, %dma_wait3A_353] : memref<4x80xi32, #tpu.memory_space<vmem>> -> memref<1x80xi32, #tpu.memory_space<vmem>>
      %dma_wait3A_355 = tpu.memref_squeeze %dma_wait3A_354 : memref<1x80xi32, #tpu.memory_space<vmem>> -> memref<80xi32, #tpu.memory_space<vmem>>
      %dma_wait3A_356 = arith.constant 0 : i32
      %dma_wait3A_357 = arith.constant 0 : i32
      %dma_wait3A_358 = tpu.memref_slice %arg2[%dma_wait3A_356, %dma_wait3A_357] : memref<10000x128xf32, #tpu.memory_space<hbm>> -> memref<10000x128xf32, #tpu.memory_space<hbm>>
      %dma_wait3A_359 = tpu.memref_slice %arg9[%dma_wait3A_348] : memref<2x!tpu.dma_semaphore, #tpu.memory_space<semaphore_mem>> -> memref<1x!tpu.dma_semaphore, #tpu.memory_space<semaphore_mem>>
      %dma_wait3A_360 = tpu.memref_squeeze %dma_wait3A_359 : memref<1x!tpu.dma_semaphore, #tpu.memory_space<semaphore_mem>> -> memref<!tpu.dma_semaphore, #tpu.memory_space<semaphore_mem>>
      tpu.wait_indirect_dma semaphore(%dma_wait3A_360 : memref<!tpu.dma_semaphore, #tpu.memory_space<semaphore_mem>>) src(%dma_wait3A_358 : memref<10000x128xf32, #tpu.memory_space<hbm>>) dst(%dma_wait3A_352 : memref<80x128xf32, #tpu.memory_space<vmem>>)
      %dma_start3A_361 = arith.constant 0 : i32
      %dma_start3A_362 = arith.constant 2 : i32
      %dma_start3A_363 = arith.constant 0 : i32
      %dma_start3A_364 = arith.constant 0 : i32
      %dma_start3A_365 = arith.constant 0 : i32
      %dma_start3A_366 = tpu.memref_slice %arg7[%dma_start3A_361, %dma_start3A_364, %dma_start3A_365] : memref<2x80x128xf32, #tpu.memory_space<vmem>> -> memref<1x80x128xf32, #tpu.memory_space<vmem>>
      %dma_start3A_367 = tpu.memref_squeeze %dma_start3A_366 : memref<1x80x128xf32, #tpu.memory_space<vmem>> -> memref<80x128xf32, #tpu.memory_space<vmem>>
      %dma_start3A_368 = arith.constant 0 : i32
      %dma_start3A_369 = tpu.memref_slice %arg6[%dma_start3A_362, %dma_start3A_368] : memref<4x80xi32, #tpu.memory_space<vmem>> -> memref<1x80xi32, #tpu.memory_space<vmem>>
      %dma_start3A_370 = tpu.memref_squeeze %dma_start3A_369 : memref<1x80xi32, #tpu.memory_space<vmem>> -> memref<80xi32, #tpu.memory_space<vmem>>
      %dma_start3A_371 = arith.constant 0 : i32
      %dma_start3A_372 = arith.constant 0 : i32
      %dma_start3A_373 = tpu.memref_slice %arg8[%dma_start3A_371, %dma_start3A_372] : memref<10240x128xf32, #tpu.memory_space<vmem_shared>> -> memref<10240x128xf32, #tpu.memory_space<vmem_shared>>
      %dma_start3A_374 = tpu.memref_slice %arg10[%dma_start3A_363] : memref<2x!tpu.dma_semaphore, #tpu.memory_space<semaphore_mem>> -> memref<1x!tpu.dma_semaphore, #tpu.memory_space<semaphore_mem>>
      %dma_start3A_375 = tpu.memref_squeeze %dma_start3A_374 : memref<1x!tpu.dma_semaphore, #tpu.memory_space<semaphore_mem>> -> memref<!tpu.dma_semaphore, #tpu.memory_space<semaphore_mem>>
      tpu.enqueue_indirect_dma source(%dma_start3A_367 : memref<80x128xf32, #tpu.memory_space<vmem>>) target(%dma_start3A_373 : memref<10240x128xf32, #tpu.memory_space<vmem_shared>>) offsets(%dma_start3A_370 : memref<80xi32, #tpu.memory_space<vmem>>) semaphore(%dma_start3A_375 : memref<!tpu.dma_semaphore, #tpu.memory_space<semaphore_mem>>) {add = true}
      %dma_wait3A_376 = arith.constant 1 : i32
      %dma_wait3A_377 = arith.constant 1 : i32
      %dma_wait3A_378 = arith.constant 1 : i32
      %dma_wait3A_379 = arith.constant 0 : i32
      %dma_wait3A_380 = arith.constant 0 : i32
      %dma_wait3A_381 = tpu.memref_slice %arg7[%dma_wait3A_377, %dma_wait3A_379, %dma_wait3A_380] : memref<2x80x128xf32, #tpu.memory_space<vmem>> -> memref<1x80x128xf32, #tpu.memory_space<vmem>>
      %dma_wait3A_382 = tpu.memref_squeeze %dma_wait3A_381 : memref<1x80x128xf32, #tpu.memory_space<vmem>> -> memref<80x128xf32, #tpu.memory_space<vmem>>
      %dma_wait3A_383 = arith.constant 0 : i32
      %dma_wait3A_384 = tpu.memref_slice %arg6[%dma_wait3A_376, %dma_wait3A_383] : memref<4x80xi32, #tpu.memory_space<vmem>> -> memref<1x80xi32, #tpu.memory_space<vmem>>
      %dma_wait3A_385 = tpu.memref_squeeze %dma_wait3A_384 : memref<1x80xi32, #tpu.memory_space<vmem>> -> memref<80xi32, #tpu.memory_space<vmem>>
      %dma_wait3A_386 = arith.constant 0 : i32
      %dma_wait3A_387 = arith.constant 0 : i32
      %dma_wait3A_388 = tpu.memref_slice %arg2[%dma_wait3A_386, %dma_wait3A_387] : memref<10000x128xf32, #tpu.memory_space<hbm>> -> memref<10000x128xf32, #tpu.memory_space<hbm>>
      %dma_wait3A_389 = tpu.memref_slice %arg9[%dma_wait3A_378] : memref<2x!tpu.dma_semaphore, #tpu.memory_space<semaphore_mem>> -> memref<1x!tpu.dma_semaphore, #tpu.memory_space<semaphore_mem>>
      %dma_wait3A_390 = tpu.memref_squeeze %dma_wait3A_389 : memref<1x!tpu.dma_semaphore, #tpu.memory_space<semaphore_mem>> -> memref<!tpu.dma_semaphore, #tpu.memory_space<semaphore_mem>>
      tpu.wait_indirect_dma semaphore(%dma_wait3A_390 : memref<!tpu.dma_semaphore, #tpu.memory_space<semaphore_mem>>) src(%dma_wait3A_388 : memref<10000x128xf32, #tpu.memory_space<hbm>>) dst(%dma_wait3A_382 : memref<80x128xf32, #tpu.memory_space<vmem>>)
      %dma_start3A_391 = arith.constant 1 : i32
      %dma_start3A_392 = arith.constant 3 : i32
      %dma_start3A_393 = arith.constant 1 : i32
      %dma_start3A_394 = arith.constant 0 : i32
      %dma_start3A_395 = arith.constant 0 : i32
      %dma_start3A_396 = tpu.memref_slice %arg7[%dma_start3A_391, %dma_start3A_394, %dma_start3A_395] : memref<2x80x128xf32, #tpu.memory_space<vmem>> -> memref<1x80x128xf32, #tpu.memory_space<vmem>>
      %dma_start3A_397 = tpu.memref_squeeze %dma_start3A_396 : memref<1x80x128xf32, #tpu.memory_space<vmem>> -> memref<80x128xf32, #tpu.memory_space<vmem>>
      %dma_start3A_398 = arith.constant 0 : i32
      %dma_start3A_399 = tpu.memref_slice %arg6[%dma_start3A_392, %dma_start3A_398] : memref<4x80xi32, #tpu.memory_space<vmem>> -> memref<1x80xi32, #tpu.memory_space<vmem>>
      %dma_start3A_400 = tpu.memref_squeeze %dma_start3A_399 : memref<1x80xi32, #tpu.memory_space<vmem>> -> memref<80xi32, #tpu.memory_space<vmem>>
      %dma_start3A_401 = arith.constant 0 : i32
      %dma_start3A_402 = arith.constant 0 : i32
      %dma_start3A_403 = tpu.memref_slice %arg8[%dma_start3A_401, %dma_start3A_402] : memref<10240x128xf32, #tpu.memory_space<vmem_shared>> -> memref<10240x128xf32, #tpu.memory_space<vmem_shared>>
      %dma_start3A_404 = tpu.memref_slice %arg10[%dma_start3A_393] : memref<2x!tpu.dma_semaphore, #tpu.memory_space<semaphore_mem>> -> memref<1x!tpu.dma_semaphore, #tpu.memory_space<semaphore_mem>>
      %dma_start3A_405 = tpu.memref_squeeze %dma_start3A_404 : memref<1x!tpu.dma_semaphore, #tpu.memory_space<semaphore_mem>> -> memref<!tpu.dma_semaphore, #tpu.memory_space<semaphore_mem>>
      tpu.enqueue_indirect_dma source(%dma_start3A_397 : memref<80x128xf32, #tpu.memory_space<vmem>>) target(%dma_start3A_403 : memref<10240x128xf32, #tpu.memory_space<vmem_shared>>) offsets(%dma_start3A_400 : memref<80xi32, #tpu.memory_space<vmem>>) semaphore(%dma_start3A_405 : memref<!tpu.dma_semaphore, #tpu.memory_space<semaphore_mem>>) {add = true}
      %add3A_406 = arith.constant 1 : i32
      %add3A_407 = arith.addi %scan3A_342, %add3A_406 : i32
      %lt3A_408 = arith.constant 64 : i32
      %lt3A_409 = arith.cmpi slt, %add3A_407, %lt3A_408 : i32
      %convert_element_type3A_410 = arith.extui %lt3A_409 : i1 to i32
      %cond3A_411 = arith.constant 0 : i32
      %cond3A_412 = arith.cmpi ne, %convert_element_type3A_410, %cond3A_411 : i32
      scf.if %cond3A_412 {
        %dma_wait3A_414 = arith.constant 0 : i32
        %dma_wait3A_415 = arith.constant 2 : i32
        %dma_wait3A_416 = arith.constant 0 : i32
        %dma_wait3A_417 = arith.constant 0 : i32
        %dma_wait3A_418 = arith.constant 0 : i32
        %dma_wait3A_419 = tpu.memref_slice %arg7[%dma_wait3A_414, %dma_wait3A_417, %dma_wait3A_418] : memref<2x80x128xf32, #tpu.memory_space<vmem>> -> memref<1x80x128xf32, #tpu.memory_space<vmem>>
        %dma_wait3A_420 = tpu.memref_squeeze %dma_wait3A_419 : memref<1x80x128xf32, #tpu.memory_space<vmem>> -> memref<80x128xf32, #tpu.memory_space<vmem>>
        %dma_wait3A_421 = arith.constant 0 : i32
        %dma_wait3A_422 = tpu.memref_slice %arg6[%dma_wait3A_415, %dma_wait3A_421] : memref<4x80xi32, #tpu.memory_space<vmem>> -> memref<1x80xi32, #tpu.memory_space<vmem>>
        %dma_wait3A_423 = tpu.memref_squeeze %dma_wait3A_422 : memref<1x80xi32, #tpu.memory_space<vmem>> -> memref<80xi32, #tpu.memory_space<vmem>>
        %dma_wait3A_424 = arith.constant 0 : i32
        %dma_wait3A_425 = arith.constant 0 : i32
        %dma_wait3A_426 = tpu.memref_slice %arg8[%dma_wait3A_424, %dma_wait3A_425] : memref<10240x128xf32, #tpu.memory_space<vmem_shared>> -> memref<10240x128xf32, #tpu.memory_space<vmem_shared>>
        %dma_wait3A_427 = tpu.memref_slice %arg10[%dma_wait3A_416] : memref<2x!tpu.dma_semaphore, #tpu.memory_space<semaphore_mem>> -> memref<1x!tpu.dma_semaphore, #tpu.memory_space<semaphore_mem>>
        %dma_wait3A_428 = tpu.memref_squeeze %dma_wait3A_427 : memref<1x!tpu.dma_semaphore, #tpu.memory_space<semaphore_mem>> -> memref<!tpu.dma_semaphore, #tpu.memory_space<semaphore_mem>>
        tpu.wait_indirect_dma semaphore(%dma_wait3A_428 : memref<!tpu.dma_semaphore, #tpu.memory_space<semaphore_mem>>) src(%dma_wait3A_420 : memref<80x128xf32, #tpu.memory_space<vmem>>) dst(%dma_wait3A_426 : memref<10240x128xf32, #tpu.memory_space<vmem_shared>>)
        %add3A_429 = arith.constant 2 : i32
        %add3A_430 = arith.addi %mul3A_345, %add3A_429 : i32
        %add3A_431 = arith.constant 0 : i32
        %add3A_432 = arith.addi %add3A_430, %add3A_431 : i32
        %get3A_433 = arith.index_cast %add3A_432 : i32 to index
        %get3A_434 = arith.constant 0 : index
        %get3A_435 = tpu.vector_load %arg5[%get3A_433, %get3A_434] {strides = array<i32>} : memref<128x80xi32, #tpu.memory_space<vmem>>, vector<1x16xi32>,
        %get3A_436 = vector.shape_cast %get3A_435 : vector<1x16xi32> to vector<16xi32>
        %and3A_437 = arith.constant 65535 : i32
        %and3A_438 = vector.broadcast %and3A_437 : i32 to vector<16xi32>
        %and3A_439 = arith.andi %get3A_436, %and3A_438 : vector<16xi32>
        %swap3A_440 = arith.constant 0 : i32
        %swap3A_441 = arith.index_cast %swap3A_440 : i32 to index
        %swap3A_442 = arith.constant 0 : index
        %swap3A_443 = tpu.vector_load %arg6[%swap3A_441, %swap3A_442] {strides = array<i32>} : memref<4x80xi32, #tpu.memory_space<vmem>>, vector<1x16xi32>,
        %swap3A_444 = vector.shape_cast %swap3A_443 : vector<1x16xi32> to vector<16xi32>
        %swap3A_445 = vector.shape_cast %and3A_439 : vector<16xi32> to vector<1x16xi32>
        tpu.vector_store %arg6[%swap3A_441, %swap3A_442], %swap3A_445 {strides = array<i32>} : memref<4x80xi32, #tpu.memory_space<vmem>>, vector<1x16xi32>,
        %shift_right_logical3A_446 = arith.constant 16 : i32
        %shift_right_logical3A_447 = vector.broadcast %shift_right_logical3A_446 : i32 to vector<16xi32>
        %shift_right_logical3A_448 = arith.shrui %get3A_436, %shift_right_logical3A_447 : vector<16xi32>
        %swap3A_449 = arith.constant 2 : i32
        %swap3A_450 = arith.index_cast %swap3A_449 : i32 to index
        %swap3A_451 = arith.constant 0 : index
        %swap3A_452 = tpu.vector_load %arg6[%swap3A_450, %swap3A_451] {strides = array<i32>} : memref<4x80xi32, #tpu.memory_space<vmem>>, vector<1x16xi32>,
        %swap3A_453 = vector.shape_cast %swap3A_452 : vector<1x16xi32> to vector<16xi32>
        %swap3A_454 = vector.shape_cast %shift_right_logical3A_448 : vector<16xi32> to vector<1x16xi32>
        tpu.vector_store %arg6[%swap3A_450, %swap3A_451], %swap3A_454 {strides = array<i32>} : memref<4x80xi32, #tpu.memory_space<vmem>>, vector<1x16xi32>,
        %get3A_455 = arith.index_cast %add3A_432 : i32 to index
        %get3A_456 = arith.constant 16 : index
        %get3A_457 = tpu.vector_load %arg5[%get3A_455, %get3A_456] {strides = array<i32>} : memref<128x80xi32, #tpu.memory_space<vmem>>, vector<1x16xi32>,
        %get3A_458 = vector.shape_cast %get3A_457 : vector<1x16xi32> to vector<16xi32>
        %and3A_459 = arith.constant 65535 : i32
        %and3A_460 = vector.broadcast %and3A_459 : i32 to vector<16xi32>
        %and3A_461 = arith.andi %get3A_458, %and3A_460 : vector<16xi32>
        %swap3A_462 = arith.constant 0 : i32
        %swap3A_463 = arith.index_cast %swap3A_462 : i32 to index
        %swap3A_464 = arith.constant 16 : index
        %swap3A_465 = tpu.vector_load %arg6[%swap3A_463, %swap3A_464] {strides = array<i32>} : memref<4x80xi32, #tpu.memory_space<vmem>>, vector<1x16xi32>,
        %swap3A_466 = vector.shape_cast %swap3A_465 : vector<1x16xi32> to vector<16xi32>
        %swap3A_467 = vector.shape_cast %and3A_461 : vector<16xi32> to vector<1x16xi32>
        tpu.vector_store %arg6[%swap3A_463, %swap3A_464], %swap3A_467 {strides = array<i32>} : memref<4x80xi32, #tpu.memory_space<vmem>>, vector<1x16xi32>,
        %shift_right_logical3A_468 = arith.constant 16 : i32
        %shift_right_logical3A_469 = vector.broadcast %shift_right_logical3A_468 : i32 to vector<16xi32>
        %shift_right_logical3A_470 = arith.shrui %get3A_458, %shift_right_logical3A_469 : vector<16xi32>
        %swap3A_471 = arith.constant 2 : i32
        %swap3A_472 = arith.index_cast %swap3A_471 : i32 to index
        %swap3A_473 = arith.constant 16 : index
        %swap3A_474 = tpu.vector_load %arg6[%swap3A_472, %swap3A_473] {strides = array<i32>} : memref<4x80xi32, #tpu.memory_space<vmem>>, vector<1x16xi32>,
        %swap3A_475 = vector.shape_cast %swap3A_474 : vector<1x16xi32> to vector<16xi32>
        %swap3A_476 = vector.shape_cast %shift_right_logical3A_470 : vector<16xi32> to vector<1x16xi32>
        tpu.vector_store %arg6[%swap3A_472, %swap3A_473], %swap3A_476 {strides = array<i32>} : memref<4x80xi32, #tpu.memory_space<vmem>>, vector<1x16xi32>,
        %get3A_477 = arith.index_cast %add3A_432 : i32 to index
        %get3A_478 = arith.constant 32 : index
        %get3A_479 = tpu.vector_load %arg5[%get3A_477, %get3A_478] {strides = array<i32>} : memref<128x80xi32, #tpu.memory_space<vmem>>, vector<1x16xi32>,
        %get3A_480 = vector.shape_cast %get3A_479 : vector<1x16xi32> to vector<16xi32>
        %and3A_481 = arith.constant 65535 : i32
        %and3A_482 = vector.broadcast %and3A_481 : i32 to vector<16xi32>
        %and3A_483 = arith.andi %get3A_480, %and3A_482 : vector<16xi32>
        %swap3A_484 = arith.constant 0 : i32
        %swap3A_485 = arith.index_cast %swap3A_484 : i32 to index
        %swap3A_486 = arith.constant 32 : index
        %swap3A_487 = tpu.vector_load %arg6[%swap3A_485, %swap3A_486] {strides = array<i32>} : memref<4x80xi32, #tpu.memory_space<vmem>>, vector<1x16xi32>,
        %swap3A_488 = vector.shape_cast %swap3A_487 : vector<1x16xi32> to vector<16xi32>
        %swap3A_489 = vector.shape_cast %and3A_483 : vector<16xi32> to vector<1x16xi32>
        tpu.vector_store %arg6[%swap3A_485, %swap3A_486], %swap3A_489 {strides = array<i32>} : memref<4x80xi32, #tpu.memory_space<vmem>>, vector<1x16xi32>,
        %shift_right_logical3A_490 = arith.constant 16 : i32
        %shift_right_logical3A_491 = vector.broadcast %shift_right_logical3A_490 : i32 to vector<16xi32>
        %shift_right_logical3A_492 = arith.shrui %get3A_480, %shift_right_logical3A_491 : vector<16xi32>
        %swap3A_493 = arith.constant 2 : i32
        %swap3A_494 = arith.index_cast %swap3A_493 : i32 to index
        %swap3A_495 = arith.constant 32 : index
        %swap3A_496 = tpu.vector_load %arg6[%swap3A_494, %swap3A_495] {strides = array<i32>} : memref<4x80xi32, #tpu.memory_space<vmem>>, vector<1x16xi32>,
        %swap3A_497 = vector.shape_cast %swap3A_496 : vector<1x16xi32> to vector<16xi32>
        %swap3A_498 = vector.shape_cast %shift_right_logical3A_492 : vector<16xi32> to vector<1x16xi32>
        tpu.vector_store %arg6[%swap3A_494, %swap3A_495], %swap3A_498 {strides = array<i32>} : memref<4x80xi32, #tpu.memory_space<vmem>>, vector<1x16xi32>,
        %get3A_499 = arith.index_cast %add3A_432 : i32 to index
        %get3A_500 = arith.constant 48 : index
        %get3A_501 = tpu.vector_load %arg5[%get3A_499, %get3A_500] {strides = array<i32>} : memref<128x80xi32, #tpu.memory_space<vmem>>, vector<1x16xi32>,
        %get3A_502 = vector.shape_cast %get3A_501 : vector<1x16xi32> to vector<16xi32>
        %and3A_503 = arith.constant 65535 : i32
        %and3A_504 = vector.broadcast %and3A_503 : i32 to vector<16xi32>
        %and3A_505 = arith.andi %get3A_502, %and3A_504 : vector<16xi32>
        %swap3A_506 = arith.constant 0 : i32
        %swap3A_507 = arith.index_cast %swap3A_506 : i32 to index
        %swap3A_508 = arith.constant 48 : index
        %swap3A_509 = tpu.vector_load %arg6[%swap3A_507, %swap3A_508] {strides = array<i32>} : memref<4x80xi32, #tpu.memory_space<vmem>>, vector<1x16xi32>,
        %swap3A_510 = vector.shape_cast %swap3A_509 : vector<1x16xi32> to vector<16xi32>
        %swap3A_511 = vector.shape_cast %and3A_505 : vector<16xi32> to vector<1x16xi32>
        tpu.vector_store %arg6[%swap3A_507, %swap3A_508], %swap3A_511 {strides = array<i32>} : memref<4x80xi32, #tpu.memory_space<vmem>>, vector<1x16xi32>,
        %shift_right_logical3A_512 = arith.constant 16 : i32
        %shift_right_logical3A_513 = vector.broadcast %shift_right_logical3A_512 : i32 to vector<16xi32>
        %shift_right_logical3A_514 = arith.shrui %get3A_502, %shift_right_logical3A_513 : vector<16xi32>
        %swap3A_515 = arith.constant 2 : i32
        %swap3A_516 = arith.index_cast %swap3A_515 : i32 to index
        %swap3A_517 = arith.constant 48 : index
        %swap3A_518 = tpu.vector_load %arg6[%swap3A_516, %swap3A_517] {strides = array<i32>} : memref<4x80xi32, #tpu.memory_space<vmem>>, vector<1x16xi32>,
        %swap3A_519 = vector.shape_cast %swap3A_518 : vector<1x16xi32> to vector<16xi32>
        %swap3A_520 = vector.shape_cast %shift_right_logical3A_514 : vector<16xi32> to vector<1x16xi32>
        tpu.vector_store %arg6[%swap3A_516, %swap3A_517], %swap3A_520 {strides = array<i32>} : memref<4x80xi32, #tpu.memory_space<vmem>>, vector<1x16xi32>,
        %get3A_521 = arith.index_cast %add3A_432 : i32 to index
        %get3A_522 = arith.constant 64 : index
        %get3A_523 = tpu.vector_load %arg5[%get3A_521, %get3A_522] {strides = array<i32>} : memref<128x80xi32, #tpu.memory_space<vmem>>, vector<1x16xi32>,
        %get3A_524 = vector.shape_cast %get3A_523 : vector<1x16xi32> to vector<16xi32>
        %and3A_525 = arith.constant 65535 : i32
        %and3A_526 = vector.broadcast %and3A_525 : i32 to vector<16xi32>
        %and3A_527 = arith.andi %get3A_524, %and3A_526 : vector<16xi32>
        %swap3A_528 = arith.constant 0 : i32
        %swap3A_529 = arith.index_cast %swap3A_528 : i32 to index
        %swap3A_530 = arith.constant 64 : index
        %swap3A_531 = tpu.vector_load %arg6[%swap3A_529, %swap3A_530] {strides = array<i32>} : memref<4x80xi32, #tpu.memory_space<vmem>>, vector<1x16xi32>,
        %swap3A_532 = vector.shape_cast %swap3A_531 : vector<1x16xi32> to vector<16xi32>
        %swap3A_533 = vector.shape_cast %and3A_527 : vector<16xi32> to vector<1x16xi32>
        tpu.vector_store %arg6[%swap3A_529, %swap3A_530], %swap3A_533 {strides = array<i32>} : memref<4x80xi32, #tpu.memory_space<vmem>>, vector<1x16xi32>,
        %shift_right_logical3A_534 = arith.constant 16 : i32
        %shift_right_logical3A_535 = vector.broadcast %shift_right_logical3A_534 : i32 to vector<16xi32>
        %shift_right_logical3A_536 = arith.shrui %get3A_524, %shift_right_logical3A_535 : vector<16xi32>
        %swap3A_537 = arith.constant 2 : i32
        %swap3A_538 = arith.index_cast %swap3A_537 : i32 to index
        %swap3A_539 = arith.constant 64 : index
        %swap3A_540 = tpu.vector_load %arg6[%swap3A_538, %swap3A_539] {strides = array<i32>} : memref<4x80xi32, #tpu.memory_space<vmem>>, vector<1x16xi32>,
        %swap3A_541 = vector.shape_cast %swap3A_540 : vector<1x16xi32> to vector<16xi32>
        %swap3A_542 = vector.shape_cast %shift_right_logical3A_536 : vector<16xi32> to vector<1x16xi32>
        tpu.vector_store %arg6[%swap3A_538, %swap3A_539], %swap3A_542 {strides = array<i32>} : memref<4x80xi32, #tpu.memory_space<vmem>>, vector<1x16xi32>,
        %dma_start3A_543 = arith.constant 0 : i32
        %dma_start3A_544 = arith.constant 0 : i32
        %dma_start3A_545 = arith.constant 0 : i32
        %dma_start3A_546 = arith.constant 0 : i32
        %dma_start3A_547 = arith.constant 0 : i32
        %dma_start3A_548 = tpu.memref_slice %arg7[%dma_start3A_544, %dma_start3A_546, %dma_start3A_547] : memref<2x80x128xf32, #tpu.memory_space<vmem>> -> memref<1x80x128xf32, #tpu.memory_space<vmem>>
        %dma_start3A_549 = tpu.memref_squeeze %dma_start3A_548 : memref<1x80x128xf32, #tpu.memory_space<vmem>> -> memref<80x128xf32, #tpu.memory_space<vmem>>
        %dma_start3A_550 = arith.constant 0 : i32
        %dma_start3A_551 = tpu.memref_slice %arg6[%dma_start3A_543, %dma_start3A_550] : memref<4x80xi32, #tpu.memory_space<vmem>> -> memref<1x80xi32, #tpu.memory_space<vmem>>
        %dma_start3A_552 = tpu.memref_squeeze %dma_start3A_551 : memref<1x80xi32, #tpu.memory_space<vmem>> -> memref<80xi32, #tpu.memory_space<vmem>>
        %dma_start3A_553 = arith.constant 0 : i32
        %dma_start3A_554 = arith.constant 0 : i32
        %dma_start3A_555 = tpu.memref_slice %arg2[%dma_start3A_553, %dma_start3A_554] : memref<10000x128xf32, #tpu.memory_space<hbm>> -> memref<10000x128xf32, #tpu.memory_space<hbm>>
        %dma_start3A_556 = tpu.memref_slice %arg9[%dma_start3A_545] : memref<2x!tpu.dma_semaphore, #tpu.memory_space<semaphore_mem>> -> memref<1x!tpu.dma_semaphore, #tpu.memory_space<semaphore_mem>>
        %dma_start3A_557 = tpu.memref_squeeze %dma_start3A_556 : memref<1x!tpu.dma_semaphore, #tpu.memory_space<semaphore_mem>> -> memref<!tpu.dma_semaphore, #tpu.memory_space<semaphore_mem>>
        tpu.enqueue_indirect_dma source(%dma_start3A_555 : memref<10000x128xf32, #tpu.memory_space<hbm>>) target(%dma_start3A_549 : memref<80x128xf32, #tpu.memory_space<vmem>>) offsets(%dma_start3A_552 : memref<80xi32, #tpu.memory_space<vmem>>) semaphore(%dma_start3A_557 : memref<!tpu.dma_semaphore, #tpu.memory_space<semaphore_mem>>)
        %dma_wait3A_558 = arith.constant 1 : i32
        %dma_wait3A_559 = arith.constant 3 : i32
        %dma_wait3A_560 = arith.constant 1 : i32
        %dma_wait3A_561 = arith.constant 0 : i32
        %dma_wait3A_562 = arith.constant 0 : i32
        %dma_wait3A_563 = tpu.memref_slice %arg7[%dma_wait3A_558, %dma_wait3A_561, %dma_wait3A_562] : memref<2x80x128xf32, #tpu.memory_space<vmem>> -> memref<1x80x128xf32, #tpu.memory_space<vmem>>
        %dma_wait3A_564 = tpu.memref_squeeze %dma_wait3A_563 : memref<1x80x128xf32, #tpu.memory_space<vmem>> -> memref<80x128xf32, #tpu.memory_space<vmem>>
        %dma_wait3A_565 = arith.constant 0 : i32
        %dma_wait3A_566 = tpu.memref_slice %arg6[%dma_wait3A_559, %dma_wait3A_565] : memref<4x80xi32, #tpu.memory_space<vmem>> -> memref<1x80xi32, #tpu.memory_space<vmem>>
        %dma_wait3A_567 = tpu.memref_squeeze %dma_wait3A_566 : memref<1x80xi32, #tpu.memory_space<vmem>> -> memref<80xi32, #tpu.memory_space<vmem>>
        %dma_wait3A_568 = arith.constant 0 : i32
        %dma_wait3A_569 = arith.constant 0 : i32
        %dma_wait3A_570 = tpu.memref_slice %arg8[%dma_wait3A_568, %dma_wait3A_569] : memref<10240x128xf32, #tpu.memory_space<vmem_shared>> -> memref<10240x128xf32, #tpu.memory_space<vmem_shared>>
        %dma_wait3A_571 = tpu.memref_slice %arg10[%dma_wait3A_560] : memref<2x!tpu.dma_semaphore, #tpu.memory_space<semaphore_mem>> -> memref<1x!tpu.dma_semaphore, #tpu.memory_space<semaphore_mem>>
        %dma_wait3A_572 = tpu.memref_squeeze %dma_wait3A_571 : memref<1x!tpu.dma_semaphore, #tpu.memory_space<semaphore_mem>> -> memref<!tpu.dma_semaphore, #tpu.memory_space<semaphore_mem>>
        tpu.wait_indirect_dma semaphore(%dma_wait3A_572 : memref<!tpu.dma_semaphore, #tpu.memory_space<semaphore_mem>>) src(%dma_wait3A_564 : memref<80x128xf32, #tpu.memory_space<vmem>>) dst(%dma_wait3A_570 : memref<10240x128xf32, #tpu.memory_space<vmem_shared>>)
        %add3A_573 = arith.constant 2 : i32
        %add3A_574 = arith.addi %mul3A_345, %add3A_573 : i32
        %add3A_575 = arith.constant 1 : i32
        %add3A_576 = arith.addi %add3A_574, %add3A_575 : i32
        %get3A_577 = arith.index_cast %add3A_576 : i32 to index
        %get3A_578 = arith.constant 0 : index
        %get3A_579 = tpu.vector_load %arg5[%get3A_577, %get3A_578] {strides = array<i32>} : memref<128x80xi32, #tpu.memory_space<vmem>>, vector<1x16xi32>,
        %get3A_580 = vector.shape_cast %get3A_579 : vector<1x16xi32> to vector<16xi32>
        %and3A_581 = arith.constant 65535 : i32
        %and3A_582 = vector.broadcast %and3A_581 : i32 to vector<16xi32>
        %and3A_583 = arith.andi %get3A_580, %and3A_582 : vector<16xi32>
        %swap3A_584 = arith.constant 1 : i32
        %swap3A_585 = arith.index_cast %swap3A_584 : i32 to index
        %swap3A_586 = arith.constant 0 : index
        %swap3A_587 = tpu.vector_load %arg6[%swap3A_585, %swap3A_586] {strides = array<i32>} : memref<4x80xi32, #tpu.memory_space<vmem>>, vector<1x16xi32>,
        %swap3A_588 = vector.shape_cast %swap3A_587 : vector<1x16xi32> to vector<16xi32>
        %swap3A_589 = vector.shape_cast %and3A_583 : vector<16xi32> to vector<1x16xi32>
        tpu.vector_store %arg6[%swap3A_585, %swap3A_586], %swap3A_589 {strides = array<i32>} : memref<4x80xi32, #tpu.memory_space<vmem>>, vector<1x16xi32>,
        %shift_right_logical3A_590 = arith.constant 16 : i32
        %shift_right_logical3A_591 = vector.broadcast %shift_right_logical3A_590 : i32 to vector<16xi32>
        %shift_right_logical3A_592 = arith.shrui %get3A_580, %shift_right_logical3A_591 : vector<16xi32>
        %swap3A_593 = arith.constant 3 : i32
        %swap3A_594 = arith.index_cast %swap3A_593 : i32 to index
        %swap3A_595 = arith.constant 0 : index
        %swap3A_596 = tpu.vector_load %arg6[%swap3A_594, %swap3A_595] {strides = array<i32>} : memref<4x80xi32, #tpu.memory_space<vmem>>, vector<1x16xi32>,
        %swap3A_597 = vector.shape_cast %swap3A_596 : vector<1x16xi32> to vector<16xi32>
        %swap3A_598 = vector.shape_cast %shift_right_logical3A_592 : vector<16xi32> to vector<1x16xi32>
        tpu.vector_store %arg6[%swap3A_594, %swap3A_595], %swap3A_598 {strides = array<i32>} : memref<4x80xi32, #tpu.memory_space<vmem>>, vector<1x16xi32>,
        %get3A_599 = arith.index_cast %add3A_576 : i32 to index
        %get3A_600 = arith.constant 16 : index
        %get3A_601 = tpu.vector_load %arg5[%get3A_599, %get3A_600] {strides = array<i32>} : memref<128x80xi32, #tpu.memory_space<vmem>>, vector<1x16xi32>,
        %get3A_602 = vector.shape_cast %get3A_601 : vector<1x16xi32> to vector<16xi32>
        %and3A_603 = arith.constant 65535 : i32
        %and3A_604 = vector.broadcast %and3A_603 : i32 to vector<16xi32>
        %and3A_605 = arith.andi %get3A_602, %and3A_604 : vector<16xi32>
        %swap3A_606 = arith.constant 1 : i32
        %swap3A_607 = arith.index_cast %swap3A_606 : i32 to index
        %swap3A_608 = arith.constant 16 : index
        %swap3A_609 = tpu.vector_load %arg6[%swap3A_607, %swap3A_608] {strides = array<i32>} : memref<4x80xi32, #tpu.memory_space<vmem>>, vector<1x16xi32>,
        %swap3A_610 = vector.shape_cast %swap3A_609 : vector<1x16xi32> to vector<16xi32>
        %swap3A_611 = vector.shape_cast %and3A_605 : vector<16xi32> to vector<1x16xi32>
        tpu.vector_store %arg6[%swap3A_607, %swap3A_608], %swap3A_611 {strides = array<i32>} : memref<4x80xi32, #tpu.memory_space<vmem>>, vector<1x16xi32>,
        %shift_right_logical3A_612 = arith.constant 16 : i32
        %shift_right_logical3A_613 = vector.broadcast %shift_right_logical3A_612 : i32 to vector<16xi32>
        %shift_right_logical3A_614 = arith.shrui %get3A_602, %shift_right_logical3A_613 : vector<16xi32>
        %swap3A_615 = arith.constant 3 : i32
        %swap3A_616 = arith.index_cast %swap3A_615 : i32 to index
        %swap3A_617 = arith.constant 16 : index
        %swap3A_618 = tpu.vector_load %arg6[%swap3A_616, %swap3A_617] {strides = array<i32>} : memref<4x80xi32, #tpu.memory_space<vmem>>, vector<1x16xi32>,
        %swap3A_619 = vector.shape_cast %swap3A_618 : vector<1x16xi32> to vector<16xi32>
        %swap3A_620 = vector.shape_cast %shift_right_logical3A_614 : vector<16xi32> to vector<1x16xi32>
        tpu.vector_store %arg6[%swap3A_616, %swap3A_617], %swap3A_620 {strides = array<i32>} : memref<4x80xi32, #tpu.memory_space<vmem>>, vector<1x16xi32>,
        %get3A_621 = arith.index_cast %add3A_576 : i32 to index
        %get3A_622 = arith.constant 32 : index
        %get3A_623 = tpu.vector_load %arg5[%get3A_621, %get3A_622] {strides = array<i32>} : memref<128x80xi32, #tpu.memory_space<vmem>>, vector<1x16xi32>,
        %get3A_624 = vector.shape_cast %get3A_623 : vector<1x16xi32> to vector<16xi32>
        %and3A_625 = arith.constant 65535 : i32
        %and3A_626 = vector.broadcast %and3A_625 : i32 to vector<16xi32>
        %and3A_627 = arith.andi %get3A_624, %and3A_626 : vector<16xi32>
        %swap3A_628 = arith.constant 1 : i32
        %swap3A_629 = arith.index_cast %swap3A_628 : i32 to index
        %swap3A_630 = arith.constant 32 : index
        %swap3A_631 = tpu.vector_load %arg6[%swap3A_629, %swap3A_630] {strides = array<i32>} : memref<4x80xi32, #tpu.memory_space<vmem>>, vector<1x16xi32>,
        %swap3A_632 = vector.shape_cast %swap3A_631 : vector<1x16xi32> to vector<16xi32>
        %swap3A_633 = vector.shape_cast %and3A_627 : vector<16xi32> to vector<1x16xi32>
        tpu.vector_store %arg6[%swap3A_629, %swap3A_630], %swap3A_633 {strides = array<i32>} : memref<4x80xi32, #tpu.memory_space<vmem>>, vector<1x16xi32>,
        %shift_right_logical3A_634 = arith.constant 16 : i32
        %shift_right_logical3A_635 = vector.broadcast %shift_right_logical3A_634 : i32 to vector<16xi32>
        %shift_right_logical3A_636 = arith.shrui %get3A_624, %shift_right_logical3A_635 : vector<16xi32>
        %swap3A_637 = arith.constant 3 : i32
        %swap3A_638 = arith.index_cast %swap3A_637 : i32 to index
        %swap3A_639 = arith.constant 32 : index
        %swap3A_640 = tpu.vector_load %arg6[%swap3A_638, %swap3A_639] {strides = array<i32>} : memref<4x80xi32, #tpu.memory_space<vmem>>, vector<1x16xi32>,
        %swap3A_641 = vector.shape_cast %swap3A_640 : vector<1x16xi32> to vector<16xi32>
        %swap3A_642 = vector.shape_cast %shift_right_logical3A_636 : vector<16xi32> to vector<1x16xi32>
        tpu.vector_store %arg6[%swap3A_638, %swap3A_639], %swap3A_642 {strides = array<i32>} : memref<4x80xi32, #tpu.memory_space<vmem>>, vector<1x16xi32>,
        %get3A_643 = arith.index_cast %add3A_576 : i32 to index
        %get3A_644 = arith.constant 48 : index
        %get3A_645 = tpu.vector_load %arg5[%get3A_643, %get3A_644] {strides = array<i32>} : memref<128x80xi32, #tpu.memory_space<vmem>>, vector<1x16xi32>,
        %get3A_646 = vector.shape_cast %get3A_645 : vector<1x16xi32> to vector<16xi32>
        %and3A_647 = arith.constant 65535 : i32
        %and3A_648 = vector.broadcast %and3A_647 : i32 to vector<16xi32>
        %and3A_649 = arith.andi %get3A_646, %and3A_648 : vector<16xi32>
        %swap3A_650 = arith.constant 1 : i32
        %swap3A_651 = arith.index_cast %swap3A_650 : i32 to index
        %swap3A_652 = arith.constant 48 : index
        %swap3A_653 = tpu.vector_load %arg6[%swap3A_651, %swap3A_652] {strides = array<i32>} : memref<4x80xi32, #tpu.memory_space<vmem>>, vector<1x16xi32>,
        %swap3A_654 = vector.shape_cast %swap3A_653 : vector<1x16xi32> to vector<16xi32>
        %swap3A_655 = vector.shape_cast %and3A_649 : vector<16xi32> to vector<1x16xi32>
        tpu.vector_store %arg6[%swap3A_651, %swap3A_652], %swap3A_655 {strides = array<i32>} : memref<4x80xi32, #tpu.memory_space<vmem>>, vector<1x16xi32>,
        %shift_right_logical3A_656 = arith.constant 16 : i32
        %shift_right_logical3A_657 = vector.broadcast %shift_right_logical3A_656 : i32 to vector<16xi32>
        %shift_right_logical3A_658 = arith.shrui %get3A_646, %shift_right_logical3A_657 : vector<16xi32>
        %swap3A_659 = arith.constant 3 : i32
        %swap3A_660 = arith.index_cast %swap3A_659 : i32 to index
        %swap3A_661 = arith.constant 48 : index
        %swap3A_662 = tpu.vector_load %arg6[%swap3A_660, %swap3A_661] {strides = array<i32>} : memref<4x80xi32, #tpu.memory_space<vmem>>, vector<1x16xi32>,
        %swap3A_663 = vector.shape_cast %swap3A_662 : vector<1x16xi32> to vector<16xi32>
        %swap3A_664 = vector.shape_cast %shift_right_logical3A_658 : vector<16xi32> to vector<1x16xi32>
        tpu.vector_store %arg6[%swap3A_660, %swap3A_661], %swap3A_664 {strides = array<i32>} : memref<4x80xi32, #tpu.memory_space<vmem>>, vector<1x16xi32>,
        %get3A_665 = arith.index_cast %add3A_576 : i32 to index
        %get3A_666 = arith.constant 64 : index
        %get3A_667 = tpu.vector_load %arg5[%get3A_665, %get3A_666] {strides = array<i32>} : memref<128x80xi32, #tpu.memory_space<vmem>>, vector<1x16xi32>,
        %get3A_668 = vector.shape_cast %get3A_667 : vector<1x16xi32> to vector<16xi32>
        %and3A_669 = arith.constant 65535 : i32
        %and3A_670 = vector.broadcast %and3A_669 : i32 to vector<16xi32>
        %and3A_671 = arith.andi %get3A_668, %and3A_670 : vector<16xi32>
        %swap3A_672 = arith.constant 1 : i32
        %swap3A_673 = arith.index_cast %swap3A_672 : i32 to index
        %swap3A_674 = arith.constant 64 : index
        %swap3A_675 = tpu.vector_load %arg6[%swap3A_673, %swap3A_674] {strides = array<i32>} : memref<4x80xi32, #tpu.memory_space<vmem>>, vector<1x16xi32>,
        %swap3A_676 = vector.shape_cast %swap3A_675 : vector<1x16xi32> to vector<16xi32>
        %swap3A_677 = vector.shape_cast %and3A_671 : vector<16xi32> to vector<1x16xi32>
        tpu.vector_store %arg6[%swap3A_673, %swap3A_674], %swap3A_677 {strides = array<i32>} : memref<4x80xi32, #tpu.memory_space<vmem>>, vector<1x16xi32>,
        %shift_right_logical3A_678 = arith.constant 16 : i32
        %shift_right_logical3A_679 = vector.broadcast %shift_right_logical3A_678 : i32 to vector<16xi32>
        %shift_right_logical3A_680 = arith.shrui %get3A_668, %shift_right_logical3A_679 : vector<16xi32>
        %swap3A_681 = arith.constant 3 : i32
        %swap3A_682 = arith.index_cast %swap3A_681 : i32 to index
        %swap3A_683 = arith.constant 64 : index
        %swap3A_684 = tpu.vector_load %arg6[%swap3A_682, %swap3A_683] {strides = array<i32>} : memref<4x80xi32, #tpu.memory_space<vmem>>, vector<1x16xi32>,
        %swap3A_685 = vector.shape_cast %swap3A_684 : vector<1x16xi32> to vector<16xi32>
        %swap3A_686 = vector.shape_cast %shift_right_logical3A_680 : vector<16xi32> to vector<1x16xi32>
        tpu.vector_store %arg6[%swap3A_682, %swap3A_683], %swap3A_686 {strides = array<i32>} : memref<4x80xi32, #tpu.memory_space<vmem>>, vector<1x16xi32>,
        %dma_start3A_687 = arith.constant 1 : i32
        %dma_start3A_688 = arith.constant 1 : i32
        %dma_start3A_689 = arith.constant 1 : i32
        %dma_start3A_690 = arith.constant 0 : i32
        %dma_start3A_691 = arith.constant 0 : i32
        %dma_start3A_692 = tpu.memref_slice %arg7[%dma_start3A_688, %dma_start3A_690, %dma_start3A_691] : memref<2x80x128xf32, #tpu.memory_space<vmem>> -> memref<1x80x128xf32, #tpu.memory_space<vmem>>
        %dma_start3A_693 = tpu.memref_squeeze %dma_start3A_692 : memref<1x80x128xf32, #tpu.memory_space<vmem>> -> memref<80x128xf32, #tpu.memory_space<vmem>>
        %dma_start3A_694 = arith.constant 0 : i32
        %dma_start3A_695 = tpu.memref_slice %arg6[%dma_start3A_687, %dma_start3A_694] : memref<4x80xi32, #tpu.memory_space<vmem>> -> memref<1x80xi32, #tpu.memory_space<vmem>>
        %dma_start3A_696 = tpu.memref_squeeze %dma_start3A_695 : memref<1x80xi32, #tpu.memory_space<vmem>> -> memref<80xi32, #tpu.memory_space<vmem>>
        %dma_start3A_697 = arith.constant 0 : i32
        %dma_start3A_698 = arith.constant 0 : i32
        %dma_start3A_699 = tpu.memref_slice %arg2[%dma_start3A_697, %dma_start3A_698] : memref<10000x128xf32, #tpu.memory_space<hbm>> -> memref<10000x128xf32, #tpu.memory_space<hbm>>
        %dma_start3A_700 = tpu.memref_slice %arg9[%dma_start3A_689] : memref<2x!tpu.dma_semaphore, #tpu.memory_space<semaphore_mem>> -> memref<1x!tpu.dma_semaphore, #tpu.memory_space<semaphore_mem>>
        %dma_start3A_701 = tpu.memref_squeeze %dma_start3A_700 : memref<1x!tpu.dma_semaphore, #tpu.memory_space<semaphore_mem>> -> memref<!tpu.dma_semaphore, #tpu.memory_space<semaphore_mem>>
        tpu.enqueue_indirect_dma source(%dma_start3A_699 : memref<10000x128xf32, #tpu.memory_space<hbm>>) target(%dma_start3A_693 : memref<80x128xf32, #tpu.memory_space<vmem>>) offsets(%dma_start3A_696 : memref<80xi32, #tpu.memory_space<vmem>>) semaphore(%dma_start3A_701 : memref<!tpu.dma_semaphore, #tpu.memory_space<semaphore_mem>>)
      } else {
      }
      %scan3A_413 = arith.constant 0 : i32
      scf.yield %scan3A_413 : i32
    }
    %scan3A_309 = arith.constant 64 : i32
    %dma_wait3A = arith.constant 0 : i32
    %dma_wait3A_310 = arith.constant 2 : i32
    %dma_wait3A_311 = arith.constant 0 : i32
    %dma_wait3A_312 = arith.constant 0 : i32
    %dma_wait3A_313 = arith.constant 0 : i32
    %dma_wait3A_314 = tpu.memref_slice %arg7[%dma_wait3A, %dma_wait3A_312, %dma_wait3A_313] : memref<2x80x128xf32, #tpu.memory_space<vmem>> -> memref<1x80x128xf32, #tpu.memory_space<vmem>>
    %dma_wait3A_315 = tpu.memref_squeeze %dma_wait3A_314 : memref<1x80x128xf32, #tpu.memory_space<vmem>> -> memref<80x128xf32, #tpu.memory_space<vmem>>
    %dma_wait3A_316 = arith.constant 0 : i32
    %dma_wait3A_317 = tpu.memref_slice %arg6[%dma_wait3A_310, %dma_wait3A_316] : memref<4x80xi32, #tpu.memory_space<vmem>> -> memref<1x80xi32, #tpu.memory_space<vmem>>
    %dma_wait3A_318 = tpu.memref_squeeze %dma_wait3A_317 : memref<1x80xi32, #tpu.memory_space<vmem>> -> memref<80xi32, #tpu.memory_space<vmem>>
    %dma_wait3A_319 = arith.constant 0 : i32
    %dma_wait3A_320 = arith.constant 0 : i32
    %dma_wait3A_321 = tpu.memref_slice %arg8[%dma_wait3A_319, %dma_wait3A_320] : memref<10240x128xf32, #tpu.memory_space<vmem_shared>> -> memref<10240x128xf32, #tpu.memory_space<vmem_shared>>
    %dma_wait3A_322 = tpu.memref_slice %arg10[%dma_wait3A_311] : memref<2x!tpu.dma_semaphore, #tpu.memory_space<semaphore_mem>> -> memref<1x!tpu.dma_semaphore, #tpu.memory_space<semaphore_mem>>
    %dma_wait3A_323 = tpu.memref_squeeze %dma_wait3A_322 : memref<1x!tpu.dma_semaphore, #tpu.memory_space<semaphore_mem>> -> memref<!tpu.dma_semaphore, #tpu.memory_space<semaphore_mem>>
    tpu.wait_indirect_dma semaphore(%dma_wait3A_323 : memref<!tpu.dma_semaphore, #tpu.memory_space<semaphore_mem>>) src(%dma_wait3A_315 : memref<80x128xf32, #tpu.memory_space<vmem>>) dst(%dma_wait3A_321 : memref<10240x128xf32, #tpu.memory_space<vmem_shared>>)
    %dma_wait3A_324 = arith.constant 1 : i32
    %dma_wait3A_325 = arith.constant 3 : i32
    %dma_wait3A_326 = arith.constant 1 : i32
    %dma_wait3A_327 = arith.constant 0 : i32
    %dma_wait3A_328 = arith.constant 0 : i32
    %dma_wait3A_329 = tpu.memref_slice %arg7[%dma_wait3A_324, %dma_wait3A_327, %dma_wait3A_328] : memref<2x80x128xf32, #tpu.memory_space<vmem>> -> memref<1x80x128xf32, #tpu.memory_space<vmem>>
    %dma_wait3A_330 = tpu.memref_squeeze %dma_wait3A_329 : memref<1x80x128xf32, #tpu.memory_space<vmem>> -> memref<80x128xf32, #tpu.memory_space<vmem>>
    %dma_wait3A_331 = arith.constant 0 : i32
    %dma_wait3A_332 = tpu.memref_slice %arg6[%dma_wait3A_325, %dma_wait3A_331] : memref<4x80xi32, #tpu.memory_space<vmem>> -> memref<1x80xi32, #tpu.memory_space<vmem>>
    %dma_wait3A_333 = tpu.memref_squeeze %dma_wait3A_332 : memref<1x80xi32, #tpu.memory_space<vmem>> -> memref<80xi32, #tpu.memory_space<vmem>>
    %dma_wait3A_334 = arith.constant 0 : i32
    %dma_wait3A_335 = arith.constant 0 : i32
    %dma_wait3A_336 = tpu.memref_slice %arg8[%dma_wait3A_334, %dma_wait3A_335] : memref<10240x128xf32, #tpu.memory_space<vmem_shared>> -> memref<10240x128xf32, #tpu.memory_space<vmem_shared>>
    %dma_wait3A_337 = tpu.memref_slice %arg10[%dma_wait3A_326] : memref<2x!tpu.dma_semaphore, #tpu.memory_space<semaphore_mem>> -> memref<1x!tpu.dma_semaphore, #tpu.memory_space<semaphore_mem>>
    %dma_wait3A_338 = tpu.memref_squeeze %dma_wait3A_337 : memref<1x!tpu.dma_semaphore, #tpu.memory_space<semaphore_mem>> -> memref<!tpu.dma_semaphore, #tpu.memory_space<semaphore_mem>>
    tpu.wait_indirect_dma semaphore(%dma_wait3A_338 : memref<!tpu.dma_semaphore, #tpu.memory_space<semaphore_mem>>) src(%dma_wait3A_330 : memref<80x128xf32, #tpu.memory_space<vmem>>) dst(%dma_wait3A_336 : memref<10240x128xf32, #tpu.memory_space<vmem_shared>>)
    %barrier3A_339 = arith.constant 0 : index
    tpu.barrier barrier_id(%barrier3A_339)
    %lt3A = arith.constant 10 : i32
    %lt3A_340 = arith.cmpi slt, %arg1, %lt3A : i32
    %convert_element_type3A = arith.extui %lt3A_340 : i1 to i32
    %cond3A = arith.constant 0 : i32
    %cond3A_341 = arith.cmpi ne, %convert_element_type3A, %cond3A : i32
    scf.if %cond3A_341 {
      %mul3A_342 = arith.constant 1000 : i32
      %mul3A_343 = arith.muli %arg1, %mul3A_342 : i32
      %mul3A_344 = arith.constant 1000 : i32
      %mul3A_345 = arith.muli %arg1, %mul3A_344 : i32
      "tpu.region"() ({
        %run_scoped3A_346 = tpu.sem_alloc : memref<!tpu.dma_semaphore, #tpu.memory_space<semaphore_mem>>
        %dma_start3A_347 = arith.constant 0 : i32
        %dma_start3A_348 = tpu.memref_slice %arg4[%arg0, %mul3A_345, %dma_start3A_347] : memref<2x10000x128xf32, #tpu.memory_space<hbm>> -> memref<1x1000x128xf32, #tpu.memory_space<hbm>>
        %dma_start3A_349 = tpu.memref_squeeze %dma_start3A_348 : memref<1x1000x128xf32, #tpu.memory_space<hbm>> -> memref<1000x128xf32, #tpu.memory_space<hbm>>
        %dma_start3A_350 = arith.constant 0 : i32
        %dma_start3A_351 = tpu.memref_slice %arg8[%mul3A_343, %dma_start3A_350] : memref<10240x128xf32, #tpu.memory_space<vmem_shared>> -> memref<1000x128xf32, #tpu.memory_space<vmem_shared>>
        tpu.enqueue_dma source(%dma_start3A_351 : memref<1000x128xf32, #tpu.memory_space<vmem_shared>>) target(%dma_start3A_349 : memref<1000x128xf32, #tpu.memory_space<hbm>>) target_semaphore(%run_scoped3A_346 : memref<!tpu.dma_semaphore, #tpu.memory_space<semaphore_mem>>)
        %dma_wait3A_352 = arith.constant 0 : i32
        %dma_wait3A_353 = tpu.memref_slice %arg4[%arg0, %mul3A_345, %dma_wait3A_352] : memref<2x10000x128xf32, #tpu.memory_space<hbm>> -> memref<1x1000x128xf32, #tpu.memory_space<hbm>>
        %dma_wait3A_354 = tpu.memref_squeeze %dma_wait3A_353 : memref<1x1000x128xf32, #tpu.memory_space<hbm>> -> memref<1000x128xf32, #tpu.memory_space<hbm>>
        %dma_wait3A_355 = arith.constant 0 : i32
        %dma_wait3A_356 = tpu.memref_slice %arg8[%mul3A_343, %dma_wait3A_355] : memref<10240x128xf32, #tpu.memory_space<vmem_shared>> -> memref<1000x128xf32, #tpu.memory_space<vmem_shared>>
        tpu.wait_dma2 semaphore(%run_scoped3A_346 : memref<!tpu.dma_semaphore, #tpu.memory_space<semaphore_mem>>) src(%dma_wait3A_356 : memref<1000x128xf32, #tpu.memory_space<vmem_shared>>) dst(%dma_wait3A_354 : memref<1000x128xf32, #tpu.memory_space<hbm>>)
        tpu.yield
      }) : () -> ()
    } else {
    }
    return
  }
}

#map = affine_map<(d0, d1) -> (0, 0)>
#map1 = affine_map<(d0, d1) -> (0)>
module attributes {stable_mosaic.version = 14 : i64} {
  func.func @_sc_degree_body(%arg0: i32, %arg1: i32, %arg2: memref<4096x80xi32, #tpu.memory_space<hbm>>, %arg3: memref<10240xf32, #tpu.memory_space<hbm>>, %arg4: memref<2x10240xf32, #tpu.memory_space<hbm>>, %arg5: memref<128x80xi32, #tpu.memory_space<vmem>>, %arg6: memref<80xf32, #tpu.memory_space<vmem>>, %arg7: memref<10240xf32, #tpu.memory_space<vmem_shared>>) attributes {dimension_semantics = [#tpu.dimension_semantics<core_parallel>, #tpu.dimension_semantics<subcore_parallel>], iteration_bounds = array<i64: 2, 16>, scalar_prefetch = 0 : i64, scratch_operands = 3 : i64, tpu.core_type = #tpu.core_type<sc_vector_subcore>, window_params = [{transform_indices = #map}, {transform_indices = #map1}, {transform_indices = #map}]} {
    %mul3A = arith.constant 16 : i32
    %mul3A_0 = arith.muli %arg0, %mul3A : i32
    %add3A = arith.addi %mul3A_0, %arg1 : i32
    %mul3A_1 = arith.constant 128 : i32
    %mul3A_2 = arith.muli %add3A, %mul3A_1 : i32
    %eq3A = arith.constant 0 : i32
    %eq3A_3 = arith.cmpi eq, %arg1, %eq3A : i32
    %convert_element_type3A = arith.extui %eq3A_3 : i1 to i32
    %cond3A = arith.constant 0 : i32
    %cond3A_4 = arith.cmpi ne, %convert_element_type3A, %cond3A : i32
    scf.if %cond3A_4 {
      "tpu.region"() ({
        %run_scoped3A = tpu.sem_alloc : memref<!tpu.dma_semaphore, #tpu.memory_space<semaphore_mem>>
        tpu.enqueue_dma source(%arg3 : memref<10240xf32, #tpu.memory_space<hbm>>) target(%arg7 : memref<10240xf32, #tpu.memory_space<vmem_shared>>) target_semaphore(%run_scoped3A : memref<!tpu.dma_semaphore, #tpu.memory_space<semaphore_mem>>)
        tpu.wait_dma2 semaphore(%run_scoped3A : memref<!tpu.dma_semaphore, #tpu.memory_space<semaphore_mem>>) src(%arg3 : memref<10240xf32, #tpu.memory_space<hbm>>) dst(%arg7 : memref<10240xf32, #tpu.memory_space<vmem_shared>>)
        tpu.yield
      }) : () -> ()
    } else {
    }
    "tpu.region"() ({
      %run_scoped3A = tpu.sem_alloc : memref<!tpu.dma_semaphore, #tpu.memory_space<semaphore_mem>>
      %dma_start3A = arith.constant 0 : i32
      %dma_start3A_24 = tpu.memref_slice %arg2[%mul3A_2, %dma_start3A] : memref<4096x80xi32, #tpu.memory_space<hbm>> -> memref<128x80xi32, #tpu.memory_space<hbm>>
      %dma_start3A_25 = arith.constant 0 : i32
      %dma_start3A_26 = tpu.memref_slice %arg2[%mul3A_2, %dma_start3A_25] : memref<4096x80xi32, #tpu.memory_space<hbm>> -> memref<128x80xi32, #tpu.memory_space<hbm>>
      tpu.enqueue_dma source(%dma_start3A_26 : memref<128x80xi32, #tpu.memory_space<hbm>>) target(%arg5 : memref<128x80xi32, #tpu.memory_space<vmem>>) target_semaphore(%run_scoped3A : memref<!tpu.dma_semaphore, #tpu.memory_space<semaphore_mem>>)
      %dma_wait3A = arith.constant 0 : i32
      %dma_wait3A_27 = tpu.memref_slice %arg2[%mul3A_2, %dma_wait3A] : memref<4096x80xi32, #tpu.memory_space<hbm>> -> memref<128x80xi32, #tpu.memory_space<hbm>>
      %dma_wait3A_28 = arith.constant 0 : i32
      %dma_wait3A_29 = tpu.memref_slice %arg2[%mul3A_2, %dma_wait3A_28] : memref<4096x80xi32, #tpu.memory_space<hbm>> -> memref<128x80xi32, #tpu.memory_space<hbm>>
      tpu.wait_dma2 semaphore(%run_scoped3A : memref<!tpu.dma_semaphore, #tpu.memory_space<semaphore_mem>>) src(%dma_wait3A_29 : memref<128x80xi32, #tpu.memory_space<hbm>>) dst(%arg5 : memref<128x80xi32, #tpu.memory_space<vmem>>)
      tpu.yield
    }) : () -> ()
    %scan3A = arith.constant 0 : i32
    %scan3A_5 = arith.constant 0 : i32
    %scan3A_6 = arith.constant 5 : i32
    %scan3A_7 = arith.addi %scan3A_5, %scan3A_6 : i32
    %scan3A_8 = arith.constant 1 : i32
    %scan3A_9 = scf.for %scan3A_24 = %scan3A_5 to %scan3A_7 step %scan3A_8 iter_args(%scan3A_25 = %scan3A) -> (i32)  : i32 {
      %broadcast_in_dim3A = arith.constant 1.000000e+00 : f32
      %broadcast_in_dim3A_26 = vector.broadcast %broadcast_in_dim3A : f32 to vector<16xf32>
      %mul3A_27 = arith.constant 16 : i32
      %mul3A_28 = arith.muli %scan3A_24, %mul3A_27 : i32
      %swap3A = arith.index_cast %mul3A_28 : i32 to index
      %swap3A_29 = tpu.vector_load %arg6[%swap3A] {strides = array<i32>} : memref<80xf32, #tpu.memory_space<vmem>>, vector<16xf32>,
      %swap3A_30 = vector.shape_cast %swap3A_29 : vector<16xf32> to vector<16xf32>
      %swap3A_31 = vector.shape_cast %broadcast_in_dim3A_26 : vector<16xf32> to vector<16xf32>
      tpu.vector_store %arg6[%swap3A], %swap3A_31 {strides = array<i32>} : memref<80xf32, #tpu.memory_space<vmem>>, vector<16xf32>,
      %scan3A_32 = arith.constant 0 : i32
      scf.yield %scan3A_32 : i32
    }
    %scan3A_10 = arith.constant 5 : i32
    %barrier3A = arith.constant 0 : index
    tpu.barrier barrier_id(%barrier3A)
    %scan3A_11 = arith.constant 0 : i32
    %scan3A_12 = arith.constant 0 : i32
    %scan3A_13 = arith.constant 128 : i32
    %scan3A_14 = arith.addi %scan3A_12, %scan3A_13 : i32
    %scan3A_15 = arith.constant 1 : i32
    %scan3A_16 = scf.for %scan3A_24 = %scan3A_12 to %scan3A_14 step %scan3A_15 iter_args(%scan3A_25 = %scan3A_11) -> (i32)  : i32 {
      "tpu.region"() ({
        %run_scoped3A = tpu.sem_alloc : memref<!tpu.dma_semaphore, #tpu.memory_space<semaphore_mem>>
        %dma_start3A = arith.constant 0 : i32
        %dma_start3A_27 = tpu.memref_slice %arg5[%scan3A_24, %dma_start3A] : memref<128x80xi32, #tpu.memory_space<vmem>> -> memref<1x80xi32, #tpu.memory_space<vmem>>
        %dma_start3A_28 = tpu.memref_squeeze %dma_start3A_27 : memref<1x80xi32, #tpu.memory_space<vmem>> -> memref<80xi32, #tpu.memory_space<vmem>>
        %dma_start3A_29 = arith.constant 0 : i32
        %dma_start3A_30 = tpu.memref_slice %arg7[%dma_start3A_29] : memref<10240xf32, #tpu.memory_space<vmem_shared>> -> memref<10240xf32, #tpu.memory_space<vmem_shared>>
        tpu.enqueue_indirect_dma source(%arg6 : memref<80xf32, #tpu.memory_space<vmem>>) target(%dma_start3A_30 : memref<10240xf32, #tpu.memory_space<vmem_shared>>) offsets(%dma_start3A_28 : memref<80xi32, #tpu.memory_space<vmem>>) semaphore(%run_scoped3A : memref<!tpu.dma_semaphore, #tpu.memory_space<semaphore_mem>>) {add = true}
        %dma_wait3A = arith.constant 0 : i32
        %dma_wait3A_31 = tpu.memref_slice %arg5[%scan3A_24, %dma_wait3A] : memref<128x80xi32, #tpu.memory_space<vmem>> -> memref<1x80xi32, #tpu.memory_space<vmem>>
        %dma_wait3A_32 = tpu.memref_squeeze %dma_wait3A_31 : memref<1x80xi32, #tpu.memory_space<vmem>> -> memref<80xi32, #tpu.memory_space<vmem>>
        %dma_wait3A_33 = arith.constant 0 : i32
        %dma_wait3A_34 = tpu.memref_slice %arg7[%dma_wait3A_33] : memref<10240xf32, #tpu.memory_space<vmem_shared>> -> memref<10240xf32, #tpu.memory_space<vmem_shared>>
        tpu.wait_indirect_dma semaphore(%run_scoped3A : memref<!tpu.dma_semaphore, #tpu.memory_space<semaphore_mem>>) src(%arg6 : memref<80xf32, #tpu.memory_space<vmem>>) dst(%dma_wait3A_34 : memref<10240xf32, #tpu.memory_space<vmem_shared>>)
        tpu.yield
      }) : () -> ()
      %scan3A_26 = arith.constant 0 : i32
      scf.yield %scan3A_26 : i32
    }
    %scan3A_17 = arith.constant 128 : i32
    %barrier3A_18 = arith.constant 0 : index
    tpu.barrier barrier_id(%barrier3A_18)
    %eq3A_19 = arith.constant 0 : i32
    %eq3A_20 = arith.cmpi eq, %arg1, %eq3A_19 : i32
    %convert_element_type3A_21 = arith.extui %eq3A_20 : i1 to i32
    %cond3A_22 = arith.constant 0 : i32
    %cond3A_23 = arith.cmpi ne, %convert_element_type3A_21, %cond3A_22 : i32
    scf.if %cond3A_23 {
      "tpu.region"() ({
        %run_scoped3A = tpu.sem_alloc : memref<!tpu.dma_semaphore, #tpu.memory_space<semaphore_mem>>
        %dma_start3A = arith.constant 0 : i32
        %dma_start3A_24 = tpu.memref_slice %arg4[%arg0, %dma_start3A] : memref<2x10240xf32, #tpu.memory_space<hbm>> -> memref<1x10240xf32, #tpu.memory_space<hbm>>
        %dma_start3A_25 = tpu.memref_squeeze %dma_start3A_24 : memref<1x10240xf32, #tpu.memory_space<hbm>> -> memref<10240xf32, #tpu.memory_space<hbm>>
        tpu.enqueue_dma source(%arg7 : memref<10240xf32, #tpu.memory_space<vmem_shared>>) target(%dma_start3A_25 : memref<10240xf32, #tpu.memory_space<hbm>>) target_semaphore(%run_scoped3A : memref<!tpu.dma_semaphore, #tpu.memory_space<semaphore_mem>>)
        %dma_wait3A = arith.constant 0 : i32
        %dma_wait3A_26 = tpu.memref_slice %arg4[%arg0, %dma_wait3A] : memref<2x10240xf32, #tpu.memory_space<hbm>> -> memref<1x10240xf32, #tpu.memory_space<hbm>>
        %dma_wait3A_27 = tpu.memref_squeeze %dma_wait3A_26 : memref<1x10240xf32, #tpu.memory_space<hbm>> -> memref<10240xf32, #tpu.memory_space<hbm>>
        tpu.wait_dma2 semaphore(%run_scoped3A : memref<!tpu.dma_semaphore, #tpu.memory_space<semaphore_mem>>) src(%arg7 : memref<10240xf32, #tpu.memory_space<vmem_shared>>) dst(%dma_wait3A_27 : memref<10240xf32, #tpu.memory_space<hbm>>)
        tpu.yield
      }) : () -> ()
    } else {
    }
    return
  }
}

module attributes {stable_mosaic.version = 14 : i64} {
  func.func @_tc_prep_body(%arg0: i32, %arg1: memref<1000x128xf32, #tpu.memory_space<vmem>>, %arg2: memref<1000x1xf32, #tpu.memory_space<vmem>>, %arg3: memref<1000x2xf32, #tpu.memory_space<vmem>>, %arg4: memref<129x128xf32, #tpu.memory_space<vmem>>, %arg5: memref<1000x128xf32, #tpu.memory_space<vmem>>, %arg6: memref<1000x1xf32, #tpu.memory_space<vmem>>) attributes {dimension_semantics = [#tpu.dimension_semantics<arbitrary>], iteration_bounds = array<i64: 10>, scalar_prefetch = 0 : i64, scratch_operands = 0 : i64, tpu.core_type = #tpu.core_type<tc>, window_params = [{transform_indices = @transform_0, window_bounds = array<i64: 1000, 128>}, {transform_indices = @transform_1, window_bounds = array<i64: 1000, 1>}, {transform_indices = @transform_2, window_bounds = array<i64: 1000, 2>}, {pipeline_mode = #tpu.pipeline_mode<synchronous>, transform_indices = @transform_3, window_bounds = array<i64: 129, 128>}, {transform_indices = @transform_4, window_bounds = array<i64: 1000, 128>}, {transform_indices = @transform_5, window_bounds = array<i64: 1000, 1>}]} {
    %get3A = arith.constant 0 : index
    %get3A_0 = arith.constant 0 : index
    %get3A_1 = vector.load %arg3[%get3A, %get3A_0] : memref<1000x2xf32, #tpu.memory_space<vmem>>, vector<1000x1xf32>
    %get3A_2 = arith.constant 0 : index
    %get3A_3 = arith.constant 1 : index
    %get3A_4 = vector.load %arg3[%get3A_2, %get3A_3] : memref<1000x2xf32, #tpu.memory_space<vmem>>, vector<1000x1xf32>
    %add3A = arith.addf %get3A_1, %get3A_4 : vector<1000x1xf32>
    %add3A_5 = arith.constant 1.000000e+00 : f32
    %add3A_6 = vector.broadcast %add3A_5 : f32 to vector<1000x1xf32>
    %add3A_7 = arith.addf %add3A, %add3A_6 : vector<1000x1xf32>
    %rsqrt3A = math.rsqrt %add3A_7 : vector<1000x1xf32>
    %get3A_8 = arith.constant 0 : index
    %get3A_9 = arith.constant 0 : index
    %get3A_10 = vector.load %arg1[%get3A_8, %get3A_9] : memref<1000x128xf32, #tpu.memory_space<vmem>>, vector<1000x128xf32>
    %abs3A = math.absf %get3A_10 : vector<1000x128xf32>
    %get3A_11 = arith.constant 0 : index
    %get3A_12 = arith.constant 0 : index
    %get3A_13 = vector.load %arg4[%get3A_11, %get3A_12] : memref<129x128xf32, #tpu.memory_space<vmem>>, vector<128x128xf32>
    %dot_general3A = arith.constant dense<0.000000e+00> : vector<1000x128xf32>
    %dot_general3A_14 = tpu.matmul %abs3A, %get3A_13, %dot_general3A {dimension_numbers = #tpu.dot_dimension_numbers<[1], [0], [0], [1], [0, 0, 1, 1], [], []>, transpose_lhs_hint = false} : vector<1000x128xf32>, vector<128x128xf32>, vector<1000x128xf32> -> vector<1000x128xf32>
    %get3A_15 = arith.constant 0 : index
    %get3A_16 = arith.constant 0 : index
    %get3A_17 = vector.load %arg2[%get3A_15, %get3A_16] : memref<1000x1xf32, #tpu.memory_space<vmem>>, vector<1000x1xf32>
    %abs3A_18 = math.absf %get3A_17 : vector<1000x1xf32>
    %get3A_19 = arith.constant 128 : index
    %get3A_20 = arith.constant 0 : index
    %get3A_21 = vector.load %arg4[%get3A_19, %get3A_20] : memref<129x128xf32, #tpu.memory_space<vmem>>, vector<1x128xf32>
    %mul3A = vector.broadcast %abs3A_18 : vector<1000x1xf32> to vector<1000x128xf32>
    %mul3A_22 = vector.broadcast %get3A_21 : vector<1x128xf32> to vector<1000x128xf32>
    %mul3A_23 = arith.mulf %mul3A, %mul3A_22 : vector<1000x128xf32>
    %add3A_24 = arith.addf %dot_general3A_14, %mul3A_23 : vector<1000x128xf32>
    %mul3A_25 = vector.broadcast %rsqrt3A : vector<1000x1xf32> to vector<1000x128xf32>
    %mul3A_26 = arith.mulf %mul3A_25, %add3A_24 : vector<1000x128xf32>
    %swap3A = arith.constant 0 : index
    %swap3A_27 = arith.constant 0 : index
    %swap3A_28 = vector.load %arg5[%swap3A, %swap3A_27] : memref<1000x128xf32, #tpu.memory_space<vmem>>, vector<1000x128xf32>
    tpu.vector_store %arg5[%swap3A, %swap3A_27], %mul3A_26 {strides = array<i32>} : memref<1000x128xf32, #tpu.memory_space<vmem>>, vector<1000x128xf32>,
    %swap3A_29 = arith.constant 0 : index
    %swap3A_30 = arith.constant 0 : index
    %swap3A_31 = vector.load %arg6[%swap3A_29, %swap3A_30] : memref<1000x1xf32, #tpu.memory_space<vmem>>, vector<1000x1xf32>
    tpu.vector_store %arg6[%swap3A_29, %swap3A_30], %rsqrt3A {strides = array<i32>} : memref<1000x1xf32, #tpu.memory_space<vmem>>, vector<1000x1xf32>,
    return
  }
  func.func @transform_0(%arg0: i32) -> (i32, i32) {
    %c0_i32 = arith.constant 0 : i32
    %c0_i32_0 = arith.constant 0 : i32
    return %arg0, %c0_i32 : i32, i32
  }
  func.func @transform_1(%arg0: i32) -> (i32, i32) {
    %c0_i32 = arith.constant 0 : i32
    %c0_i32_0 = arith.constant 0 : i32
    return %arg0, %c0_i32 : i32, i32
  }
  func.func @transform_2(%arg0: i32) -> (i32, i32) {
    %c0_i32 = arith.constant 0 : i32
    %c0_i32_0 = arith.constant 0 : i32
    return %arg0, %c0_i32 : i32, i32
  }
  func.func @transform_3(%arg0: i32) -> (i32, i32) {
    %c0_i32 = arith.constant 0 : i32
    %c0_i32_0 = arith.constant 0 : i32
    %c0_i32_1 = arith.constant 0 : i32
    return %c0_i32, %c0_i32_0 : i32, i32
  }
  func.func @transform_4(%arg0: i32) -> (i32, i32) {
    %c0_i32 = arith.constant 0 : i32
    %c0_i32_0 = arith.constant 0 : i32
    return %arg0, %c0_i32 : i32, i32
  }
  func.func @transform_5(%arg0: i32) -> (i32, i32) {
    %c0_i32 = arith.constant 0 : i32
    %c0_i32_0 = arith.constant 0 : i32
    return %arg0, %c0_i32 : i32, i32
  }
}

module attributes {stable_mosaic.version = 14 : i64} {
  func.func @_tc_mid_body(%arg0: i32, %arg1: memref<2x1000x128xf32, #tpu.memory_space<vmem>>, %arg2: memref<1000x128xf32, #tpu.memory_space<vmem>>, %arg3: memref<1000x1xf32, #tpu.memory_space<vmem>>, %arg4: memref<1x128xf32, #tpu.memory_space<vmem>>, %arg5: memref<128x128xf32, #tpu.memory_space<vmem>>, %arg6: memref<1000x128xf32, #tpu.memory_space<vmem>>) attributes {dimension_semantics = [#tpu.dimension_semantics<arbitrary>], iteration_bounds = array<i64: 10>, scalar_prefetch = 0 : i64, scratch_operands = 0 : i64, tpu.core_type = #tpu.core_type<tc>, window_params = [{transform_indices = @transform_0, window_bounds = array<i64: 2, 1000, 128>}, {transform_indices = @transform_1, window_bounds = array<i64: 1000, 128>}, {transform_indices = @transform_2, window_bounds = array<i64: 1000, 1>}, {pipeline_mode = #tpu.pipeline_mode<synchronous>, transform_indices = @transform_3, window_bounds = array<i64: 1, 128>}, {pipeline_mode = #tpu.pipeline_mode<synchronous>, transform_indices = @transform_4, window_bounds = array<i64: 128, 128>}, {transform_indices = @transform_5, window_bounds = array<i64: 1000, 128>}]} {
    %get3A = arith.constant 0 : index
    %get3A_0 = arith.constant 0 : index
    %get3A_1 = vector.load %arg3[%get3A, %get3A_0] : memref<1000x1xf32, #tpu.memory_space<vmem>>, vector<1000x1xf32>
    %get3A_2 = arith.constant 0 : index
    %get3A_3 = arith.constant 0 : index
    %get3A_4 = arith.constant 0 : index
    %get3A_5 = vector.load %arg1[%get3A_2, %get3A_3, %get3A_4] : memref<2x1000x128xf32, #tpu.memory_space<vmem>>, vector<1x1000x128xf32>
    %get3A_6 = vector.shape_cast %get3A_5 : vector<1x1000x128xf32> to vector<1000x128xf32>
    %get3A_7 = arith.constant 1 : index
    %get3A_8 = arith.constant 0 : index
    %get3A_9 = arith.constant 0 : index
    %get3A_10 = vector.load %arg1[%get3A_7, %get3A_8, %get3A_9] : memref<2x1000x128xf32, #tpu.memory_space<vmem>>, vector<1x1000x128xf32>
    %get3A_11 = vector.shape_cast %get3A_10 : vector<1x1000x128xf32> to vector<1000x128xf32>
    %add3A = arith.addf %get3A_6, %get3A_11 : vector<1000x128xf32>
    %get3A_12 = arith.constant 0 : index
    %get3A_13 = arith.constant 0 : index
    %get3A_14 = vector.load %arg2[%get3A_12, %get3A_13] : memref<1000x128xf32, #tpu.memory_space<vmem>>, vector<1000x128xf32>
    %add3A_15 = arith.addf %add3A, %get3A_14 : vector<1000x128xf32>
    %mul3A = vector.broadcast %get3A_1 : vector<1000x1xf32> to vector<1000x128xf32>
    %mul3A_16 = arith.mulf %mul3A, %add3A_15 : vector<1000x128xf32>
    %get3A_17 = arith.constant 0 : index
    %get3A_18 = arith.constant 0 : index
    %get3A_19 = vector.load %arg4[%get3A_17, %get3A_18] : memref<1x128xf32, #tpu.memory_space<vmem>>, vector<1x128xf32>
    %add3A_20 = vector.broadcast %get3A_19 : vector<1x128xf32> to vector<1000x128xf32>
    %add3A_21 = arith.addf %mul3A_16, %add3A_20 : vector<1000x128xf32>
    %max3A = arith.constant 0.000000e+00 : f32
    %max3A_22 = vector.broadcast %max3A : f32 to vector<1000x128xf32>
    %max3A_23 = arith.maximumf %add3A_21, %max3A_22 : vector<1000x128xf32>
    %get3A_24 = arith.constant 0 : index
    %get3A_25 = arith.constant 0 : index
    %get3A_26 = vector.load %arg5[%get3A_24, %get3A_25] : memref<128x128xf32, #tpu.memory_space<vmem>>, vector<128x128xf32>
    %dot_general3A = arith.constant dense<0.000000e+00> : vector<1000x128xf32>
    %dot_general3A_27 = tpu.matmul %max3A_23, %get3A_26, %dot_general3A {dimension_numbers = #tpu.dot_dimension_numbers<[1], [0], [0], [1], [0, 0, 1, 1], [], []>, transpose_lhs_hint = false} : vector<1000x128xf32>, vector<128x128xf32>, vector<1000x128xf32> -> vector<1000x128xf32>
    %mul3A_28 = vector.broadcast %get3A_1 : vector<1000x1xf32> to vector<1000x128xf32>
    %mul3A_29 = arith.mulf %mul3A_28, %dot_general3A_27 : vector<1000x128xf32>
    %swap3A = arith.constant 0 : index
    %swap3A_30 = arith.constant 0 : index
    %swap3A_31 = vector.load %arg6[%swap3A, %swap3A_30] : memref<1000x128xf32, #tpu.memory_space<vmem>>, vector<1000x128xf32>
    tpu.vector_store %arg6[%swap3A, %swap3A_30], %mul3A_29 {strides = array<i32>} : memref<1000x128xf32, #tpu.memory_space<vmem>>, vector<1000x128xf32>,
    return
  }
  func.func @transform_0(%arg0: i32) -> (i32, i32, i32) {
    %c0_i32 = arith.constant 0 : i32
    %c0_i32_0 = arith.constant 0 : i32
    %c0_i32_1 = arith.constant 0 : i32
    return %c0_i32, %arg0, %c0_i32_0 : i32, i32, i32
  }
  func.func @transform_1(%arg0: i32) -> (i32, i32) {
    %c0_i32 = arith.constant 0 : i32
    %c0_i32_0 = arith.constant 0 : i32
    return %arg0, %c0_i32 : i32, i32
  }
  func.func @transform_2(%arg0: i32) -> (i32, i32) {
    %c0_i32 = arith.constant 0 : i32
    %c0_i32_0 = arith.constant 0 : i32
    return %arg0, %c0_i32 : i32, i32
  }
  func.func @transform_3(%arg0: i32) -> (i32, i32) {
    %c0_i32 = arith.constant 0 : i32
    %c0_i32_0 = arith.constant 0 : i32
    %c0_i32_1 = arith.constant 0 : i32
    return %c0_i32, %c0_i32_0 : i32, i32
  }
  func.func @transform_4(%arg0: i32) -> (i32, i32) {
    %c0_i32 = arith.constant 0 : i32
    %c0_i32_0 = arith.constant 0 : i32
    %c0_i32_1 = arith.constant 0 : i32
    return %c0_i32, %c0_i32_0 : i32, i32
  }
  func.func @transform_5(%arg0: i32) -> (i32, i32) {
    %c0_i32 = arith.constant 0 : i32
    %c0_i32_0 = arith.constant 0 : i32
    return %arg0, %c0_i32 : i32, i32
  }
}

module attributes {stable_mosaic.version = 14 : i64} {
  func.func @_tc_head_body(%arg0: i32, %arg1: memref<2x1000x128xf32, #tpu.memory_space<vmem>>, %arg2: memref<1000x128xf32, #tpu.memory_space<vmem>>, %arg3: memref<1000x1xf32, #tpu.memory_space<vmem>>, %arg4: memref<1x64xf32, #tpu.memory_space<vmem>>, %arg5: memref<1x64xf32, #tpu.memory_space<vmem>>, %arg6: memref<1000x64xf32, #tpu.memory_space<vmem>>, %arg7: memref<1000x64xf32, #tpu.memory_space<vmem>>) attributes {dimension_semantics = [#tpu.dimension_semantics<arbitrary>], iteration_bounds = array<i64: 10>, scalar_prefetch = 0 : i64, scratch_operands = 0 : i64, tpu.core_type = #tpu.core_type<tc>, window_params = [{transform_indices = @transform_0, window_bounds = array<i64: 2, 1000, 128>}, {transform_indices = @transform_1, window_bounds = array<i64: 1000, 128>}, {transform_indices = @transform_2, window_bounds = array<i64: 1000, 1>}, {pipeline_mode = #tpu.pipeline_mode<synchronous>, transform_indices = @transform_3, window_bounds = array<i64: 1, 64>}, {pipeline_mode = #tpu.pipeline_mode<synchronous>, transform_indices = @transform_4, window_bounds = array<i64: 1, 64>}, {transform_indices = @transform_5, window_bounds = array<i64: 1000, 64>}, {transform_indices = @transform_6, window_bounds = array<i64: 1000, 64>}]} {
    %get3A = arith.constant 0 : index
    %get3A_0 = arith.constant 0 : index
    %get3A_1 = vector.load %arg3[%get3A, %get3A_0] : memref<1000x1xf32, #tpu.memory_space<vmem>>, vector<1000x1xf32>
    %get3A_2 = arith.constant 0 : index
    %get3A_3 = arith.constant 0 : index
    %get3A_4 = arith.constant 0 : index
    %get3A_5 = vector.load %arg1[%get3A_2, %get3A_3, %get3A_4] : memref<2x1000x128xf32, #tpu.memory_space<vmem>>, vector<1x1000x128xf32>
    %get3A_6 = vector.shape_cast %get3A_5 : vector<1x1000x128xf32> to vector<1000x128xf32>
    %get3A_7 = arith.constant 1 : index
    %get3A_8 = arith.constant 0 : index
    %get3A_9 = arith.constant 0 : index
    %get3A_10 = vector.load %arg1[%get3A_7, %get3A_8, %get3A_9] : memref<2x1000x128xf32, #tpu.memory_space<vmem>>, vector<1x1000x128xf32>
    %get3A_11 = vector.shape_cast %get3A_10 : vector<1x1000x128xf32> to vector<1000x128xf32>
    %add3A = arith.addf %get3A_6, %get3A_11 : vector<1000x128xf32>
    %get3A_12 = arith.constant 0 : index
    %get3A_13 = arith.constant 0 : index
    %get3A_14 = vector.load %arg2[%get3A_12, %get3A_13] : memref<1000x128xf32, #tpu.memory_space<vmem>>, vector<1000x128xf32>
    %add3A_15 = arith.addf %add3A, %get3A_14 : vector<1000x128xf32>
    %mul3A = vector.broadcast %get3A_1 : vector<1000x1xf32> to vector<1000x128xf32>
    %mul3A_16 = arith.mulf %mul3A, %add3A_15 : vector<1000x128xf32>
    %slice3A = vector.extract_strided_slice %mul3A_16 {offsets = [0, 0], sizes = [1000, 64], strides = [1, 1]} : vector<1000x128xf32> to vector<1000x64xf32>
    %get3A_17 = arith.constant 0 : index
    %get3A_18 = arith.constant 0 : index
    %get3A_19 = vector.load %arg4[%get3A_17, %get3A_18] : memref<1x64xf32, #tpu.memory_space<vmem>>, vector<1x64xf32>
    %add3A_20 = vector.broadcast %get3A_19 : vector<1x64xf32> to vector<1000x64xf32>
    %add3A_21 = arith.addf %slice3A, %add3A_20 : vector<1000x64xf32>
    %swap3A = arith.constant 0 : index
    %swap3A_22 = arith.constant 0 : index
    %swap3A_23 = vector.load %arg6[%swap3A, %swap3A_22] : memref<1000x64xf32, #tpu.memory_space<vmem>>, vector<1000x64xf32>
    tpu.vector_store %arg6[%swap3A, %swap3A_22], %add3A_21 {strides = array<i32>} : memref<1000x64xf32, #tpu.memory_space<vmem>>, vector<1000x64xf32>,
    %slice3A_24 = vector.extract_strided_slice %mul3A_16 {offsets = [0, 64], sizes = [1000, 64], strides = [1, 1]} : vector<1000x128xf32> to vector<1000x64xf32>
    %get3A_25 = arith.constant 0 : index
    %get3A_26 = arith.constant 0 : index
    %get3A_27 = vector.load %arg5[%get3A_25, %get3A_26] : memref<1x64xf32, #tpu.memory_space<vmem>>, vector<1x64xf32>
    %add3A_28 = vector.broadcast %get3A_27 : vector<1x64xf32> to vector<1000x64xf32>
    %add3A_29 = arith.addf %slice3A_24, %add3A_28 : vector<1000x64xf32>
    %max3A = arith.constant 0.000000e+00 : f32
    %max3A_30 = vector.broadcast %max3A : f32 to vector<1000x64xf32>
    %max3A_31 = arith.maximumf %add3A_29, %max3A_30 : vector<1000x64xf32>
    %abs3A = math.absf %add3A_29 : vector<1000x64xf32>
    %neg3A = arith.constant 0.000000e+00 : f32
    %neg3A_32 = vector.broadcast %neg3A : f32 to vector<1000x64xf32>
    %neg3A_33 = arith.subf %neg3A_32, %abs3A : vector<1000x64xf32>
    %exp3A = math.exp %neg3A_33 : vector<1000x64xf32>
    %log1p3A = math.log1p %exp3A : vector<1000x64xf32>
    %add3A_34 = arith.addf %max3A_31, %log1p3A : vector<1000x64xf32>
    %swap3A_35 = arith.constant 0 : index
    %swap3A_36 = arith.constant 0 : index
    %swap3A_37 = vector.load %arg7[%swap3A_35, %swap3A_36] : memref<1000x64xf32, #tpu.memory_space<vmem>>, vector<1000x64xf32>
    tpu.vector_store %arg7[%swap3A_35, %swap3A_36], %add3A_34 {strides = array<i32>} : memref<1000x64xf32, #tpu.memory_space<vmem>>, vector<1000x64xf32>,
    return
  }
  func.func @transform_0(%arg0: i32) -> (i32, i32, i32) {
    %c0_i32 = arith.constant 0 : i32
    %c0_i32_0 = arith.constant 0 : i32
    %c0_i32_1 = arith.constant 0 : i32
    return %c0_i32, %arg0, %c0_i32_0 : i32, i32, i32
  }
  func.func @transform_1(%arg0: i32) -> (i32, i32) {
    %c0_i32 = arith.constant 0 : i32
    %c0_i32_0 = arith.constant 0 : i32
    return %arg0, %c0_i32 : i32, i32
  }
  func.func @transform_2(%arg0: i32) -> (i32, i32) {
    %c0_i32 = arith.constant 0 : i32
    %c0_i32_0 = arith.constant 0 : i32
    return %arg0, %c0_i32 : i32, i32
  }
  func.func @transform_3(%arg0: i32) -> (i32, i32) {
    %c0_i32 = arith.constant 0 : i32
    %c0_i32_0 = arith.constant 0 : i32
    %c0_i32_1 = arith.constant 0 : i32
    return %c0_i32, %c0_i32_0 : i32, i32
  }
  func.func @transform_4(%arg0: i32) -> (i32, i32) {
    %c0_i32 = arith.constant 0 : i32
    %c0_i32_0 = arith.constant 0 : i32
    %c0_i32_1 = arith.constant 0 : i32
    return %c0_i32, %c0_i32_0 : i32, i32
  }
  func.func @transform_5(%arg0: i32) -> (i32, i32) {
    %c0_i32 = arith.constant 0 : i32
    %c0_i32_0 = arith.constant 0 : i32
    return %arg0, %c0_i32 : i32, i32
  }
  func.func @transform_6(%arg0: i32) -> (i32, i32) {
    %c0_i32 = arith.constant 0 : i32
    %c0_i32_0 = arith.constant 0 : i32
    return %arg0, %c0_i32 : i32, i32
  }
}

</mosaic_0001>

<sc_bundles>
// kernel: kernel.11.cloned.1.call-start
scs
__scs_entry_jumppad:
0x0: {  	(pc) =	sbr.rel $0x88, $3  }
0x1: {  	(tag) =	ssettag $0x0;
	lr =	simm.s32 $0x1  }
0x2: {  	[smem:$0x3F98] =	sst lr;
	_ =	strace $0xD0000000  }
0x3: {  	_ = 	snop  }
0x4: {  	_ = 	snop  }
0x5: {  	_ = 	snop  }
0x6: {  	_ = 	snop  }
0x7: {  	_ = 	snop  }
__scs_overlays_trampoline_lowered:
0x8: {  	[smem:$0x3FA7] =	sst s0  }
0x9: {  	[smem:$0x3FA8] =	sst s1  }
0xa: {  	[smem:$0x3FA9] =	sst s2  }
0xb: {  	[smem:$0x3FAA] =	sst s3  }
0xc: {  	[smem:$0x3FAB] =	sst s4  }
0xd: {  	[smem:$0x3FAC] =	sst s5  }
0xe: {  	[smem:$0x3FAD] =	sst s6  }
0xf: {  	[smem:$0x3FAE] =	sst s7  }
0x10: {  	[smem:$0x3FAF] =	sst s8  }
0x11: {  	[smem:$0x3FB0] =	sst s9;
	s0 =	simm.s32 @!p0 $0x0  }
0x12: {  	s1 =	sld [smem:$0x3F96];
	s0 =	simm.s32 @p0 $0x1  }
0x13: {  	[smem:$0x3FB1] =	sst s0;
	s0 =	simm.s32 @!p1 $0x0  }
0x14: {  	s2 =	sld [smem:$0x3F95];
	s0 =	simm.s32 @p1 $0x1  }
0x15: {  	[smem:$0x3FB2] =	sst s0;
	s0 =	simm.s32 @!p2 $0x0  }
0x16: {  	s3 =	sld [smem:$0x3FDB];
	s0 =	simm.s32 @p2 $0x1  }
0x17: {  	s4 =	simm.s32 $0x1BF5;
	[smem:$0x3FB4] =	sst s0  }
0x18: {  	s0 =	sld [smem:$0x3F97];
	_ =	swait.ge [sflag:s4], $0x0  }
0x19: {  	s7 =	sld [smem:$0x3F98]  }
0x1a: {  	s8 =	sadd.s32 $0xFFFFE003, lr  }
0x1b: {  	s9 =	sadd.s32 $0xFFFFFEF7, lr;
	s5 =	simm.s32 $0xFFFFFFFF;
	p2 =	slt.u32 s8, $0xFFFFF086  }
0x1c: {  	p1 =	slt.u32 s9, $0xF7A;
	s5 =	simm.s32 @!p2 $0x0  }
0x1d: {  	s5 =	simm.s32 @p1 $0x1;
	p0 =	seq.s32 s7, s2  }
0x1e: {  	s7 =	smul.u32 @!p0 $0xF7A, s2;
	p2 =	seq.s32 @!p0 s5, $0x0  }
0x1f: {  	s9 =	smul.u32 $0xF7A, s1;
	s8 =	simm.s32 @!p0 $0x1BF5;
	p2 =	por !p2, p0  }
0x20: {  	[sflag:s8] =	ssyncset.s32 @!p0 $0xFFFFF086;
	s6 =	sadd.s32 @!p0 s3, s7;
	s7 =	simm.s32 @!p0 $0x108  }
0x21: {  	s3 =	sadd.s32 s3, s9;
	s6 =	sadd.s32 @!p0 $0x88, s6;
	s7 =	simm.s32 @p2 $0x1082  }
0x22: {  	[simem:s7], [sflag:s8] =	dma.local @!p0 [hbm:s6], $0xF7A  }
0x23: {  	s9 =	sor.u32 $0xD0000000, s2;
	s6 =	simm.s32 $0x108;
	_ =	swait.ge @!p0 [sflag:s8], $0x0  }
0x24: {  	s3 =	sadd.s32 $0x88, s3;
	s6 =	simm.s32 @!p1 $0x1082;
	[sflag:s4] =	ssyncset.s32 $0xFFFFF086  }
0x25: {  	[simem:s6], [sflag:s4] =	dma.local [hbm:s3], $0xF7A  }
0x26: {  	[smem:$0x3F98] =	sst s1;
	(tag) =	ssettag s2;
	_ =	strace s9  }
0x27: {  	s1 =	sld [smem:$0x3FA8]  }
0x28: {  	s2 =	sld [smem:$0x3FA9]  }
0x29: {  	s4 =	sld [smem:$0x3FAB]  }
0x2a: {  	p0 =	seq.s32 s5, $0x0;
	s5 =	sld [smem:$0x3FAC]  }
0x2b: {  	s6 =	sld [smem:$0x3FAD]  }
0x2c: {  	s7 =	sld [smem:$0x3FAE]  }
0x2d: {  	s3 =	simm.s32 $0x108;
	s8 =	sld [smem:$0x3FAF]  }
0x2e: {  	s3 =	simm.s32 @!p0 $0x1082;
	s9 =	sld [smem:$0x3FB0]  }
0x2f: {  	lr =	sadd.s32 s0, s3;
	s0 =	sld [smem:$0x3FA7]  }
0x30: {  	s3 =	sld [smem:$0x3FAA]  }
0x31: {  	[smem:$0x3FB3] =	sst s10  }
0x32: {  	s10 =	sld [smem:$0x3FB1];
	_ =	sdelay $0x3  }
0x33: {  	p0 =	seq.s32 s10, $0x1;
	s10 =	sld [smem:$0x3FB3];
	_ =	sdelay $0x3  }
0x34: {  	[smem:$0x3FB3] =	sst s10  }
0x35: {  	s10 =	sld [smem:$0x3FB2];
	_ =	sdelay $0x3  }
0x36: {  	p1 =	seq.s32 s10, $0x1;
	s10 =	sld [smem:$0x3FB3];
	_ =	sdelay $0x3  }
0x37: {  	[smem:$0x3FB3] =	sst s10  }
0x38: {  	s10 =	sld [smem:$0x3FB4]  }
0x39: {  	_ = 	snop;
	(pc) =	sbr.ind lr, $3  }
0x3a: {  	_ = 	snop  }
0x3b: {  	_ = 	snop  }
0x3c: {  	p2 =	seq.s32 s10, $0x1;
	s10 =	sld [smem:$0x3FB3]  }
0x3d: {  	_ =	shalt  }
0x3e: {  	_ =	shalt  }
0x3f: {  	_ =	shalt  }
0x40: {  	_ =	shalt  }
0x41: {  	_ =	shalt  }
0x42: {  	_ =	shalt  }
0x43: {  	_ =	shalt  }
0x44: {  	_ =	shalt  }
0x45: {  	_ =	shalt  }
0x46: {  	_ =	shalt  }
0x47: {  	_ =	shalt  }
0x48: {  	_ =	shalt  }
0x49: {  	_ =	shalt  }
0x4a: {  	_ =	shalt  }
0x4b: {  	_ =	shalt  }
0x4c: {  	_ =	shalt  }
0x4d: {  	_ =	shalt  }
0x4e: {  	_ =	shalt  }
0x4f: {  	_ =	shalt  }
0x50: {  	_ =	shalt  }
0x51: {  	_ =	shalt  }
0x52: {  	_ =	shalt  }
0x53: {  	_ =	shalt  }
0x54: {  	_ =	shalt  }
0x55: {  	_ =	shalt  }
0x56: {  	_ =	shalt  }
0x57: {  	_ =	shalt  }
0x58: {  	_ =	shalt  }
0x59: {  	_ =	shalt  }
0x5a: {  	_ =	shalt  }
0x5b: {  	_ =	shalt  }
0x5c: {  	_ =	shalt  }
0x5d: {  	_ =	shalt  }
0x5e: {  	_ =	shalt  }
0x5f: {  	_ =	shalt  }
0x60: {  	_ =	shalt  }
0x61: {  	_ =	shalt  }
0x62: {  	_ =	shalt  }
0x63: {  	_ =	shalt  }
0x64: {  	_ =	shalt  }
0x65: {  	_ =	shalt  }
0x66: {  	_ =	shalt  }
0x67: {  	_ =	shalt  }
0x68: {  	_ =	shalt  }
0x69: {  	_ =	shalt  }
0x6a: {  	_ =	shalt  }
0x6b: {  	_ =	shalt  }
0x6c: {  	_ =	shalt  }
0x6d: {  	_ =	shalt  }
0x6e: {  	_ =	shalt  }
0x6f: {  	_ =	shalt  }
0x70: {  	_ =	shalt  }
0x71: {  	_ =	shalt  }
0x72: {  	_ =	shalt  }
0x73: {  	_ =	shalt  }
0x74: {  	_ =	shalt  }
0x75: {  	_ =	shalt  }
0x76: {  	_ =	shalt  }
0x77: {  	_ =	shalt  }
0x78: {  	_ =	shalt  }
0x79: {  	_ =	shalt  }
0x7a: {  	_ =	shalt  }
0x7b: {  	_ =	shalt  }
0x7c: {  	_ =	shalt  }
0x7d: {  	_ =	shalt  }
0x7e: {  	_ =	shalt  }
0x7f: {  	_ =	shalt  }
0x80: {  	_ =	shalt  }
0x81: {  	_ =	shalt  }
0x82: {  	_ =	shalt  }
0x83: {  	_ =	shalt  }
0x84: {  	_ =	shalt  }
0x85: {  	_ =	shalt  }
0x86: {  	_ =	shalt  }
0x87: {  	_ =	shalt  }
.Lfunc_end0:
.L_simem_size_0:
called_computation.1_lowered:
.L_overlay_start_0:
0x88: {  	s2 =	sld [smem:$0x3FD9]  }
0x89: {  	s3 =	sld [smem:$0x3FFE];
	_ =	sdelay $0x1  }
0x8a: {  	s1 =	srdreg.scid  }
0x8b: {  	s0 =	sand.u32 $0x1, s1  }
0x8c: {  	s14 =	sshll.u32 s0, $0xA;
	s2 =	sadd.s32 s3, s2  }
0x8d: {  	s2 =	sadd.s32 s2, s14  }
0x8e: {  	[smem:$0x3FBF] =	sst s2  }
0x8f: {  	_ = 	snop  }
0x90: {  	s2 =	sld [smem:$0x3FD0];
	_ =	sdelay $0x2  }
0x91: {  	s15 =	simm.s32 $0xA;
	s4 =	simm.s32 $0x10  }
0x92: {  	[smem:s4], [sflag:s15] =	dma.local [hbm:s2], $0x1  }
0x93: {  	_ =	swait.eq [sflag:s15], $0x1  }
0x94: {  	[sflag:s15] =	ssyncset.done $0x0  }
0x95: {  	[sflag:s15] =	ssyncadd.s32 $0xFFFFFFFF  }
0x96: {  	s16 =	sld [smem:$0x10];
	(tm) =	ssettm $0x1  }
0x97: {  	s17 =	sld [smem:$0x3FFB];
	_ =	sdelay $0x3  }
0x98: {  	_ =	strace s17  }
0x99: {  	s3 =	sld [smem:$0x3FFC];
	_ =	sdelay $0x3  }
0x9a: {  	_ =	strace s3  }
0x9b: {  	s3 =	sld [smem:$0x3FFD];
	_ =	sdelay $0x3  }
0x9c: {  	_ =	strace s3  }
0x9d: {  	_ =	strace $0x8FFFFFFF  }
0x9e: {  	s18 =	sld [smem:$0x3FDB];
	_ =	sdelay $0x1  }
0x9f: {  	s19 =	simm.s32 $_scs_section_size  }
0xa0: {  	s5 =	simm.s32 $_size__tile_overlayer_lowered;
	s6 =	simm.s32 $_tile_overlayer_lowered  }
0xa1: {  	s22 =	simm.s32 $0x1BFF;
	s21 =	sshll.u32 s6, $0x1;
	s3 =	sadd.s32 s19, s18  }
0xa2: {  	s7 =	simm.s32 $0x0;
	s20 =	sshll.u32 s5, $0x1;
	s5 =	sadd.s32 s21, s3  }
0xa3: {  	[timem:s7], [sflag:s22] =	dma.local [hbm:s5], s20  }
0xa4: {  	_ =	swait.ge [sflag:s22], s20  }
0xa5: {  	s4 =	ssub.s32 $0x0, s20;
	[sflag:s22] =	ssyncset.done $0x0  }
0xa6: {  	[sflag:s22] =	ssyncadd.s32 s4;
	_ =	sdelay $0x1  }
0xa7: {  	s23 =	simm.s32 $0x1B8B  }
0xa8: {  	_ =	swait.ge [sflag:s23], $0x1  }
0xa9: {  	[sflag:s23] =	ssyncset.done $0x0  }
0xaa: {  	s25 =	simm.s32 $0x1B8E;
	s24 =	sld [smem:$0x3FFE];
	[sflag:s23] =	ssyncadd.s32 $0xFFFFFFFF  }
0xab: {  	s26 =	simm.s32 $execute0_lowered;
	[smem:$0x3FD2] =	sst s25  }
0xac: {  	s5 =	sshll.u32 s26, $0x1;
	_ =	strace $0x80000049;
	[dreg:$0x1] =	wrdreg $0xFFFFFFFF  }
0xad: {  	s28 =	simm.s32 $_size_execute0_lowered;
	s3 =	sadd.s32 s3, s5;
	[dreg:$0x0] =	wrdreg $0x0  }
0xae: {  	s5 =	sshll.u32 s28, $0x1;
	[dreg:$0x2] =	wrdreg s3  }
0xaf: {  	[dreg:$0x3] =	wrdreg s5  }
0xb0: {  	[dreg:$0x4] =	wrdreg $0xC0  }
0xb1: {  	_ =	task [dreg:s7], $0x5FFFF  }
0xb2: {  	[dreg:$0x1] =	wrdreg $0xFFFFFFFF  }
0xb3: {  	[dreg:$0x0] =	wrdreg $0x60  }
0xb4: {  	[dreg:$0x2] =	wrdreg s24  }
0xb5: {  	[dreg:$0x3] =	wrdreg s16  }
0xb6: {  	[dreg:$0x4] =	wrdreg $0x92000  }
0xb7: {  	[dreg:$0x5] =	wrdreg $0x9  }
0xb8: {  	_ =	task.clear_ibuf [dreg:s7], $0x6FFFF;
	_ =	strace $0x90000049  }
0xb9: {  	s29 =	simm.s32 $0x9;
	_ =	strace $0x8000004B  }
0xba: {  	_ =	swait.ge [sflag:s29], $0x1  }
0xbb: {  	[sflag:s29] =	ssyncadd.s32 $0xFFFFFFFF  }
0xbc: {  	_ =	strace $0x9000004B  }
0xbd: {  	_ =	sfence  }
0xbe: {  	s30 =	sld [smem:$0x0];
	_ =	sdelay $0x2  }
0xbf: {  	s31 =	sshll.u32 s1, $0xD;
	s1 =	sshrl.u32 s1, $0x2  }
0xc0: {  	s3 =	sand.u32 $0x4000, s31;
	s1 =	sadd.s32 s1, s30  }
0xc1: {  	s0 =	sor.u32 s3, s0;
	s1 =	sshll.u32 s1, $0x11  }
0xc2: {  	s0 =	sor.u32 s1, s0  }
0xc3: {  	s0 =	sadd.s32 $0x8F2B, s0  }
0xc4: {  	[sflag:s0] =	ssyncadd.remote.s32 $0x1  }
0xc5: {  	_ =	sfence.sel $0xFFFF  }
0xc6: {  	[dreg:$0x0] =	wrdreg $0xFFFFFFFF;
	(pc) =	sbr.abs _section_cstart, $3  }
0xc7: {  	[dreg:$0x1] =	wrdreg $0xFFFFFFFF  }
0xc8: {  	_ =	task.clear_ibuf [dreg:s7], $0x2FFFF;
	_ =	strace $0x9FFFFFFF  }
0xc9: {  	(tm) =	ssettm $0x7FFFFFFF  }
tec
execute0_lowered:
.L_overlay_start_1:
0x0: {  	(tag) =	ssettag $0x1  }
0x1: {  	s0 =	rddreg [dreg:$0x0]  }
0x2: {  	s1 =	rddreg [dreg:$0x1];
	s3 =	srdreg.scid  }
0x3: {  	s2 =	rddreg [dreg:$0x2];
	s24 =	stileid.u32  }
0x4: {  	s16 =	simm.s32 $0x5;
	s17 =	simm.s32 $0x4200;
	s18 =	simm.s32 $0x50  }
0x5: {  	s19 =	simm.s32 $0x4000;
	s20 =	simm.s32 $0x4080;
	s21 =	simm.s32 $0x6A00  }
0x6: {  	s22 =	simm.s32 $0x1;
	s23 =	simm.s32 $0x4100;
	s28 =	simm.s32 $0x3  }
0x7: {  	s29 =	simm.s32 $0x4;
	s30 =	simm.s32 $0x0;
	s7 =	smul.u32 $0x1F400, s24  }
0x8: {  	s5 =	sand.u32 $0x1, s3;
	s3 =	simm.s32 $0x0;
	s8 =	smul.u32 $0x50000, s24  }
0x9: {  	s4 =	sadd.s32 $0x3000, s0;
	s9 =	sshll.u32 s24, $0xB;
	s31 =	smul.u32 $0x7D000, s24  }
0xa: {  	p0 =	sgt.u32 s24, $0x9;
	s24 =	simm.s32 $0x2;
	s6 =	smul.u32 $0x138800, s5  }
0xb: {  	[smem:$0x7FF] =	sst s3;
	s25 =	ssub.s32 $0x2, s5;
	s5 =	sshll.u32 s5, $0xF  }
0xc: {  	s1 =	sadd.s32 s1, s9;
	_ =	strace $0x8000004A;
	s26 =	sshrl.u32 s25, $0x1  }
0xd: {  	s8 =	sshrl.u32 s8, $0x2;
	s1 =	sadd.s32 s5, s1;
	s6 =	sadd.s32 s7, s6  }
0xe: {  	s15 =	ssub.s32 s25, s26;
	[dreg:$0x4] =	wrdreg s1;
	s6 =	sshrl.u32 s6, $0x3  }
0xf: {  	s1 =	sshrl.u32 s31, $0x2;
	s0 =	sadd.s32 s6, s0;
	s6 =	sadd.s32 s8, s2  }
0x10: {  	s26 =	simm.s32 $0x4180;
	s15 =	smax.u32 s15, $0x1;
	s7 =	sadd.s32 $0x2800, s6  }
0x11: {  	s8 =	sadd.s32 $0x5000, s6;
	s9 =	sadd.s32 $0x7800, s6;
	s10 =	sadd.s32 $0xA000, s6  }
0x12: {  	s11 =	sadd.s32 $0xC800, s6;
	s14 =	sadd.s32 $0x2A200, s0;
	s0 =	sadd.s32 s1, s2  }
0x13: {  	v0 =	vimm.f32 $0.0e+00;
	s12 =	sadd.s32 $0xF000, s6;
	s13 =	sadd.s32 $0x11800, s6;
	s25 =	sshrl.u32 @!p0 s0, $0x3  }
.LBB2_1:
0x14: {  	s0 =	rddreg [dreg:$0x4]  }
0x15: {  	[tilespmem:s3], [sflag:$0x5] =	stream.linear.gather [hbm4b:s0+s3], $0x4000, $0x38;
	[tilespmem:$0x1D200] =	vst v63  }
0x16: {  	s5 =	sand.u32 $0xFE00, s3;
	s1 =	sand.u32 $0x70, s3;
	_ =	swait.ge [sflag:s16], $0x4000  }
0x17: {  	s31 =	sshrl.u32 s5, $0x2;
	s0 =	simm.s32 $0x40;
	[sflag:s16] =	ssyncset.done $0x0  }
0x18: {  	s1 =	sor.u32 s1, s31;
	s31 =	simm.s32 $0x0;
	[sflag:s16] =	ssyncadd.s32 $0xFFFFC000  }
.LBB2_2:
0x19: {  	p1 =	sne.s32 s0, $0x9FC0  }
0x1a: {  	[tilespmem:s1+$0x4200] =	vst v0;
	s31 =	sadd.s32 $0x10, s31;
	s1 =	smov.u32 s0;
	s0 =	sadd.s32 $0x40, s0  }
.Ltmp0:
0x1b: {  	(pc) =	sbr.rel @p1 .LBB2_2-.Ltmp0, $4  }
0x1c: {  	_ = 	snop  }
0x1d: {  	s1 =	sand.u32 $0xFE00, s1  }
0x1e: {  	s5 =	sand.u32 $0x70, s31;
	s1 =	sshrl.u32 s1, $0x2  }
0x1f: {  	s1 =	sor.u32 s5, s1  }
0x20: {  	[tilespmem:s1+$0x4200] =	vst v0  }
0x21: {  	[spmem:s6] =	stream.linear.scatter [tilespmem:s17], [sflag:$0x5], $0x2800, $0x38;
	[tilespmem:$0x1D200] =	vst v63  }
0x22: {  	_ =	swait.ge [sflag:s16], $0x2800  }
0x23: {  	[sflag:s16] =	ssyncset.done $0x0  }
0x24: {  	[sflag:s16] =	ssyncadd.s32 $0xFFFFD800  }
0x25: {  	[spmem:s7] =	stream.linear.scatter [tilespmem:s17], [sflag:$0x5], $0x2800, $0x38;
	[tilespmem:$0x1D200] =	vst v63  }
0x26: {  	_ =	swait.ge [sflag:s16], $0x2800  }
0x27: {  	[sflag:s16] =	ssyncset.done $0x0  }
0x28: {  	[sflag:s16] =	ssyncadd.s32 $0xFFFFD800  }
0x29: {  	[spmem:s8] =	stream.linear.scatter [tilespmem:s17], [sflag:$0x5], $0x2800, $0x38;
	[tilespmem:$0x1D200] =	vst v63  }
0x2a: {  	_ =	swait.ge [sflag:s16], $0x2800  }
0x2b: {  	[sflag:s16] =	ssyncset.done $0x0  }
0x2c: {  	[sflag:s16] =	ssyncadd.s32 $0xFFFFD800  }
0x2d: {  	[spmem:s9] =	stream.linear.scatter [tilespmem:s17], [sflag:$0x5], $0x2800, $0x38;
	[tilespmem:$0x1D200] =	vst v63  }
0x2e: {  	_ =	swait.ge [sflag:s16], $0x2800  }
0x2f: {  	[sflag:s16] =	ssyncset.done $0x0  }
0x30: {  	[sflag:s16] =	ssyncadd.s32 $0xFFFFD800  }
0x31: {  	[spmem:s10] =	stream.linear.scatter [tilespmem:s17], [sflag:$0x5], $0x2800, $0x38;
	[tilespmem:$0x1D200] =	vst v63  }
0x32: {  	_ =	swait.ge [sflag:s16], $0x2800  }
0x33: {  	[sflag:s16] =	ssyncset.done $0x0  }
0x34: {  	[sflag:s16] =	ssyncadd.s32 $0xFFFFD800  }
0x35: {  	[spmem:s11] =	stream.linear.scatter [tilespmem:s17], [sflag:$0x5], $0x2800, $0x38;
	[tilespmem:$0x1D200] =	vst v63  }
0x36: {  	_ =	swait.ge [sflag:s16], $0x2800  }
0x37: {  	[sflag:s16] =	ssyncset.done $0x0  }
0x38: {  	[sflag:s16] =	ssyncadd.s32 $0xFFFFD800  }
0x39: {  	[spmem:s12] =	stream.linear.scatter [tilespmem:s17], [sflag:$0x5], $0x2800, $0x38;
	[tilespmem:$0x1D200] =	vst v63  }
0x3a: {  	_ =	swait.ge [sflag:s16], $0x2800  }
0x3b: {  	[sflag:s16] =	ssyncset.done $0x0  }
0x3c: {  	[sflag:s16] =	ssyncadd.s32 $0xFFFFD800  }
0x3d: {  	[spmem:s13] =	stream.linear.scatter [tilespmem:s17], [sflag:$0x5], $0x2800, $0x38;
	[tilespmem:$0x1D200] =	vst v63  }
0x3e: {  	_ =	swait.ge [sflag:s16], $0x2800  }
0x3f: {  	[sflag:s16] =	ssyncset.done $0x0  }
0x40: {  	[sflag:s16] =	ssyncadd.s32 $0xFFFFD800  }
0x41: {  	[bflag:$0x0] =	sbarrier.arrive $0xFFFF  }
0x42: {  	v1 =	vld [tilespmem:$0x0];
	_ =	sdelay $0x1  }
0x43: {  	v2 =	vld [tilespmem:$0x10];
	_ =	sdelay $0x1  }
0x44: {  	v3 =	vld [tilespmem:$0x20]  }
0x45: {  	v4 =	vand.u32 $0xFFFF, v1  }
0x46: {  	v61 =	vld [tilespmem:$0x30];
	v1 =	vshrl.u32 v1, $0x10;
	[tilespmem:$0x4000] =	vst v4  }
0x47: {  	[tilespmem:$0x4100] =	vst v1;
	v1 =	vand.u32 $0xFFFF, v2  }
0x48: {  	[tilespmem:$0x4010] =	vst v1;
	v1 =	vshrl.u32 v2, $0x10;
	v2 =	vld [tilespmem:$0x40]  }
0x49: {  	[tilespmem:$0x4110] =	vst v1;
	v1 =	vand.u32 $0xFFFF, v3  }
0x4a: {  	[tilespmem:$0x4020] =	vst v1;
	v1 =	vshrl.u32 v3, $0x10  }
0x4b: {  	[tilespmem:$0x4120] =	vst v1;
	v1 =	vand.u32 $0xFFFF, v61  }
0x4c: {  	[tilespmem:$0x4030] =	vst v1;
	v1 =	vshrl.u32 v61, $0x10  }
0x4d: {  	[tilespmem:$0x4130] =	vst v1;
	v1 =	vand.u32 $0xFFFF, v2  }
0x4e: {  	[tilespmem:$0x4040] =	vst v1;
	v1 =	vshrl.u32 v2, $0x10  }
0x4f: {  	[tilespmem:$0x4140] =	vst v1  }
0x50: {  	[tilespmem:s17], [sflag:$0x1] =	stream.indirect.gather [hbm4b:s4+s18], $0x80, s19, s18, $0xb8;
	[tilespmem:$0x1D200] =	vst v63  }
0x51: {  	v1 =	vld [tilespmem:$0x80];
	_ =	sdelay $0x1  }
0x52: {  	v2 =	vld [tilespmem:$0x90];
	_ =	sdelay $0x1  }
0x53: {  	v3 =	vld [tilespmem:$0xA0]  }
0x54: {  	v62 =	vand.u32 $0xFFFF, v1  }
0x55: {  	v63 =	vld [tilespmem:$0xB0];
	v1 =	vshrl.u32 v1, $0x10;
	[tilespmem:$0x4080] =	vst v62  }
0x56: {  	[tilespmem:$0x4180] =	vst v1;
	v1 =	vand.u32 $0xFFFF, v2  }
0x57: {  	[tilespmem:$0x4090] =	vst v1;
	v1 =	vshrl.u32 v2, $0x10;
	v2 =	vld [tilespmem:$0xC0]  }
0x58: {  	[tilespmem:$0x4190] =	vst v1;
	v1 =	vand.u32 $0xFFFF, v3  }
0x59: {  	[tilespmem:$0x40A0] =	vst v1;
	v1 =	vshrl.u32 v3, $0x10  }
0x5a: {  	[tilespmem:$0x41A0] =	vst v1;
	v1 =	vand.u32 $0xFFFF, v63  }
0x5b: {  	[tilespmem:$0x40B0] =	vst v1;
	v1 =	vshrl.u32 v63, $0x10  }
0x5c: {  	[tilespmem:$0x41B0] =	vst v1;
	v1 =	vand.u32 $0xFFFF, v2  }
0x5d: {  	[tilespmem:$0x40C0] =	vst v1;
	v1 =	vshrl.u32 v2, $0x10  }
0x5e: {  	[tilespmem:$0x41C0] =	vst v1  }
0x5f: {  	[tilespmem:s21], [sflag:$0x2] =	stream.indirect.gather [hbm4b:s4+s18], $0x80, s20, s18, $0xb8;
	[tilespmem:$0x1D200] =	vst v63  }
0x60: {  	_ =	swait.ge [sflag:s22], $0x2800  }
0x61: {  	[sflag:s22] =	ssyncset.done $0x0  }
0x62: {  	[sflag:s22] =	ssyncadd.s32 $0xFFFFD800  }
0x63: {  	[spmem:s2] =	stream.indirect.scatter.add.f32 [tilespmem:s17], [sflag:$0x3], $0x80, s23, s18, $0xb8;
	[tilespmem:$0x1D200] =	vst v63  }
0x64: {  	_ =	swait.ge [sflag:s24], $0x2800  }
0x65: {  	[sflag:s24] =	ssyncset.done $0x0  }
0x66: {  	[sflag:s24] =	ssyncadd.s32 $0xFFFFD800  }
0x67: {  	[spmem:s2] =	stream.indirect.scatter.add.f32 [tilespmem:s21], [sflag:$0x4], $0x80, s26, s18, $0xb8;
	[tilespmem:$0x1D200] =	vst v63  }
0x68: {  	_ =	swait.ge [sflag:s28], $0x2800  }
0x69: {  	[sflag:s28] =	ssyncset.done $0x0  }
0x6a: {  	s31 =	simm.s32 $0x0;
	[sflag:s28] =	ssyncadd.s32 $0xFFFFD800  }
0x6b: {  	v1 =	vld [tilespmem:s31+$0x100];
	_ =	sdelay $0x4  }
0x6c: {  	v2 =	vand.u32 $0xFFFF, v1  }
0x6d: {  	v1 =	vshrl.u32 v1, $0x10;
	[tilespmem:$0x4000] =	vst v2  }
0x6e: {  	[tilespmem:$0x4100] =	vst v1  }
0x6f: {  	v1 =	vld [tilespmem:s31+$0x110];
	_ =	sdelay $0x4  }
0x70: {  	v2 =	vand.u32 $0xFFFF, v1  }
0x71: {  	v1 =	vshrl.u32 v1, $0x10;
	[tilespmem:$0x4010] =	vst v2  }
0x72: {  	[tilespmem:$0x4110] =	vst v1  }
0x73: {  	v1 =	vld [tilespmem:s31+$0x120];
	_ =	sdelay $0x4  }
0x74: {  	v2 =	vand.u32 $0xFFFF, v1  }
0x75: {  	v1 =	vshrl.u32 v1, $0x10;
	[tilespmem:$0x4020] =	vst v2  }
0x76: {  	[tilespmem:$0x4120] =	vst v1  }
0x77: {  	v1 =	vld [tilespmem:s31+$0x130];
	_ =	sdelay $0x4  }
0x78: {  	v2 =	vand.u32 $0xFFFF, v1  }
0x79: {  	v1 =	vshrl.u32 v1, $0x10;
	[tilespmem:$0x4030] =	vst v2  }
0x7a: {  	[tilespmem:$0x4130] =	vst v1  }
0x7b: {  	v1 =	vld [tilespmem:s31+$0x140];
	_ =	sdelay $0x4  }
0x7c: {  	v2 =	vand.u32 $0xFFFF, v1  }
0x7d: {  	v1 =	vshrl.u32 v1, $0x10;
	[tilespmem:$0x4040] =	vst v2  }
0x7e: {  	[tilespmem:$0x4140] =	vst v1  }
0x7f: {  	[tilespmem:s17], [sflag:$0x1] =	stream.indirect.gather [hbm4b:s4+s18], $0x80, s19, s18, $0xb8;
	[tilespmem:$0x1D200] =	vst v63  }
0x80: {  	_ =	swait.ge [sflag:s29], $0x2800  }
0x81: {  	[sflag:s29] =	ssyncset.done $0x0  }
0x82: {  	[sflag:s29] =	ssyncadd.s32 $0xFFFFD800  }
0x83: {  	v1 =	vld [tilespmem:s31+$0x180];
	_ =	sdelay $0x4  }
0x84: {  	v2 =	vand.u32 $0xFFFF, v1  }
0x85: {  	v1 =	vshrl.u32 v1, $0x10;
	[tilespmem:$0x4080] =	vst v2  }
0x86: {  	[tilespmem:$0x4180] =	vst v1  }
0x87: {  	v1 =	vld [tilespmem:s31+$0x190];
	_ =	sdelay $0x4  }
0x88: {  	v2 =	vand.u32 $0xFFFF, v1  }
0x89: {  	v1 =	vshrl.u32 v1, $0x10;
	[tilespmem:$0x4090] =	vst v2  }
0x8a: {  	[tilespmem:$0x4190] =	vst v1  }
0x8b: {  	v1 =	vld [tilespmem:s31+$0x1A0];
	_ =	sdelay $0x4  }
0x8c: {  	v2 =	vand.u32 $0xFFFF, v1  }
0x8d: {  	v1 =	vshrl.u32 v1, $0x10;
	[tilespmem:$0x40A0] =	vst v2  }
0x8e: {  	[tilespmem:$0x41A0] =	vst v1  }
0x8f: {  	v1 =	vld [tilespmem:s31+$0x1B0];
	_ =	sdelay $0x4  }
0x90: {  	s0 =	simm.s32 $0x400;
	v2 =	vand.u32 $0xFFFF, v1;
	v1 =	vshrl.u32 v1, $0x10  }
.LBB2_4:
0x91: {  	p1 =	sne.s32 s0, $0xF800;
	[tilespmem:$0x40B0] =	vst v2;
	s1 =	smov.u32 s0;
	s0 =	sadd.s32 $0x400, s0  }
0x92: {  	[tilespmem:$0x41B0] =	vst v1  }
0x93: {  	v1 =	vld [tilespmem:s31+$0x1C0];
	_ =	sdelay $0x4  }
0x94: {  	v2 =	vand.u32 $0xFFFF, v1;
	v1 =	vshrl.u32 v1, $0x10  }
0x95: {  	[tilespmem:$0x40C0] =	vst v2  }
0x96: {  	[tilespmem:$0x41C0] =	vst v1  }
0x97: {  	[tilespmem:s21], [sflag:$0x2] =	stream.indirect.gather [hbm4b:s4+s18], $0x80, s20, s18, $0xb8;
	[tilespmem:$0x1D200] =	vst v63  }
0x98: {  	_ =	swait.ge [sflag:s22], $0x2800  }
0x99: {  	[sflag:s22] =	ssyncset.done $0x0  }
0x9a: {  	[sflag:s22] =	ssyncadd.s32 $0xFFFFD800  }
0x9b: {  	[spmem:s2] =	stream.indirect.scatter.add.f32 [tilespmem:s17], [sflag:$0x3], $0x80, s23, s18, $0xb8;
	[tilespmem:$0x1D200] =	vst v63  }
0x9c: {  	_ =	swait.ge [sflag:s24], $0x2800  }
0x9d: {  	[sflag:s24] =	ssyncset.done $0x0  }
0x9e: {  	[sflag:s24] =	ssyncadd.s32 $0xFFFFD800  }
0x9f: {  	[spmem:s2] =	stream.indirect.scatter.add.f32 [tilespmem:s21], [sflag:$0x4], $0x80, s26, s18, $0xb8;
	[tilespmem:$0x1D200] =	vst v63  }
0xa0: {  	_ =	swait.ge [sflag:s28], $0x2800  }
0xa1: {  	[sflag:s28] =	ssyncset.done $0x0  }
0xa2: {  	s31 =	sshra.s32 s1, $0x2;
	[sflag:s28] =	ssyncadd.s32 $0xFFFFD800  }
0xa3: {  	v1 =	vld [tilespmem:s31+$0x100];
	_ =	sdelay $0x4  }
0xa4: {  	v2 =	vand.u32 $0xFFFF, v1;
	v1 =	vshrl.u32 v1, $0x10  }
0xa5: {  	[tilespmem:$0x4000] =	vst v2  }
0xa6: {  	[tilespmem:$0x4100] =	vst v1  }
0xa7: {  	v1 =	vld [tilespmem:s31+$0x110];
	_ =	sdelay $0x4  }
0xa8: {  	v2 =	vand.u32 $0xFFFF, v1;
	v1 =	vshrl.u32 v1, $0x10  }
0xa9: {  	[tilespmem:$0x4010] =	vst v2  }
0xaa: {  	[tilespmem:$0x4110] =	vst v1  }
0xab: {  	v1 =	vld [tilespmem:s31+$0x120];
	_ =	sdelay $0x4  }
0xac: {  	v2 =	vand.u32 $0xFFFF, v1;
	v1 =	vshrl.u32 v1, $0x10  }
0xad: {  	[tilespmem:$0x4020] =	vst v2  }
0xae: {  	[tilespmem:$0x4120] =	vst v1  }
0xaf: {  	v1 =	vld [tilespmem:s31+$0x130];
	_ =	sdelay $0x4  }
0xb0: {  	v2 =	vand.u32 $0xFFFF, v1;
	v1 =	vshrl.u32 v1, $0x10  }
0xb1: {  	[tilespmem:$0x4030] =	vst v2  }
0xb2: {  	[tilespmem:$0x4130] =	vst v1  }
0xb3: {  	v1 =	vld [tilespmem:s31+$0x140];
	_ =	sdelay $0x4  }
0xb4: {  	v2 =	vand.u32 $0xFFFF, v1;
	v1 =	vshrl.u32 v1, $0x10  }
0xb5: {  	[tilespmem:$0x4040] =	vst v2  }
0xb6: {  	[tilespmem:$0x4140] =	vst v1  }
0xb7: {  	[tilespmem:s17], [sflag:$0x1] =	stream.indirect.gather [hbm4b:s4+s18], $0x80, s19, s18, $0xb8;
	[tilespmem:$0x1D200] =	vst v63  }
0xb8: {  	_ =	swait.ge [sflag:s29], $0x2800  }
0xb9: {  	[sflag:s29] =	ssyncset.done $0x0  }
0xba: {  	[sflag:s29] =	ssyncadd.s32 $0xFFFFD800  }
0xbb: {  	v1 =	vld [tilespmem:s31+$0x180];
	_ =	sdelay $0x4  }
0xbc: {  	v2 =	vand.u32 $0xFFFF, v1;
	v1 =	vshrl.u32 v1, $0x10  }
0xbd: {  	[tilespmem:$0x4080] =	vst v2  }
0xbe: {  	[tilespmem:$0x4180] =	vst v1  }
0xbf: {  	v1 =	vld [tilespmem:s31+$0x190];
	_ =	sdelay $0x4  }
0xc0: {  	v2 =	vand.u32 $0xFFFF, v1;
	v1 =	vshrl.u32 v1, $0x10  }
0xc1: {  	[tilespmem:$0x4090] =	vst v2  }
0xc2: {  	[tilespmem:$0x4190] =	vst v1  }
0xc3: {  	v1 =	vld [tilespmem:s31+$0x1A0];
	_ =	sdelay $0x4  }
0xc4: {  	v2 =	vand.u32 $0xFFFF, v1;
	v1 =	vshrl.u32 v1, $0x10  }
0xc5: {  	[tilespmem:$0x40A0] =	vst v2  }
0xc6: {  	[tilespmem:$0x41A0] =	vst v1  }
0xc7: {  	v1 =	vld [tilespmem:s31+$0x1B0]  }
.Ltmp1:
0xc8: {  	(pc) =	sbr.rel @p1 .LBB2_4-.Ltmp1, $2  }
0xc9: {  	_ =	sdelay $0x2  }
0xca: {  	v2 =	vand.u32 $0xFFFF, v1;
	v1 =	vshrl.u32 v1, $0x10  }
0xcb: {  	[tilespmem:$0x40B0] =	vst v2  }
0xcc: {  	[tilespmem:$0x41B0] =	vst v1  }
0xcd: {  	v1 =	vld [tilespmem:s31+$0x1C0];
	_ =	sdelay $0x4  }
0xce: {  	v2 =	vand.u32 $0xFFFF, v1  }
0xcf: {  	v1 =	vshrl.u32 v1, $0x10;
	[tilespmem:$0x40C0] =	vst v2  }
0xd0: {  	[tilespmem:$0x41C0] =	vst v1  }
0xd1: {  	[tilespmem:s21], [sflag:$0x2] =	stream.indirect.gather [hbm4b:s4+s18], $0x80, s20, s18, $0xb8;
	[tilespmem:$0x1D200] =	vst v63  }
0xd2: {  	_ =	swait.ge [sflag:s22], $0x2800  }
0xd3: {  	[sflag:s22] =	ssyncset.done $0x0  }
0xd4: {  	[sflag:s22] =	ssyncadd.s32 $0xFFFFD800  }
0xd5: {  	[spmem:s2] =	stream.indirect.scatter.add.f32 [tilespmem:s17], [sflag:$0x3], $0x80, s23, s18, $0xb8;
	[tilespmem:$0x1D200] =	vst v63  }
0xd6: {  	_ =	swait.ge [sflag:s24], $0x2800  }
0xd7: {  	[sflag:s24] =	ssyncset.done $0x0  }
0xd8: {  	[sflag:s24] =	ssyncadd.s32 $0xFFFFD800  }
0xd9: {  	[spmem:s2] =	stream.indirect.scatter.add.f32 [tilespmem:s21], [sflag:$0x4], $0x80, s26, s18, $0xb8;
	[tilespmem:$0x1D200] =	vst v63  }
0xda: {  	_ =	swait.ge [sflag:s28], $0x2800  }
0xdb: {  	[sflag:s28] =	ssyncset.done $0x0  }
0xdc: {  	[sflag:s28] =	ssyncadd.s32 $0xFFFFD800  }
0xdd: {  	_ =	swait.ge [sflag:s29], $0x2800  }
0xde: {  	s0 =	stileid.u32;
	[sflag:s29] =	ssyncset.done $0x0  }
0xdf: {  	s30 =	sadd.s32 $0x1, s30;
	s0 =	sshll.u32 @!p0 s0, $0x6;
	[sflag:s29] =	ssyncadd.s32 $0xFFFFD800  }
0xe0: {  	p1 =	sne.s32 s30, s15;
	s0 =	sor.u32 @!p0 $0x1C05, s0;
	[bflag:$0x0] =	sbarrier.arrive $0xFFFF  }
0xe1: {  	[hbm:s14], [sflag:s0] =	dma.local @!p0 [spmem:s25], $0x3E80  }
.Ltmp2:
0xe2: {  	_ = 	snop;
	(pc) =	sbr.rel @p1 .LBB2_1-.Ltmp2, $4  }
0xe3: {  	s0 =	simm.s32 @!p0 $0x5  }
0xe4: {  	_ =	swait.ge @!p0 [sflag:s0], $0x3E80  }
0xe5: {  	[sflag:s0] =	ssyncset.done @!p0 $0x0  }
0xe6: {  	[sflag:s0] =	ssyncadd.s32 @!p0 $0xFFFFC180  }
0xe7: {  	_ =	sfence.sel $0x180000  }
0xe8: {  	[bflag:$0x0] =	sbarrier.arrive $0xFFFF  }
0xe9: {  	_ =	strace $0x9000004A  }
0xea: {  	s0 =	stileid.u32;
	[bflag:$0x2] =	sbarrier.arrive $0xFFFF  }
0xeb: {  	p0 =	sne.s32 s0, $0x0;
	s0 =	rddreg [dreg:$0x3]  }
0xec: {  	s0 =	sadd.s32 @!p0 $0x100000, s0  }
0xed: {  	[sflag:s0] =	ssyncadd.tile.s32 @!p0 $0x1;
	_ =	shalt  }
.Lfunc_end2:
_tile_overlayer_lowered:
.L_overlay_start_2:
0xee: {  	(tag) =	ssettag $0x2  }
0xef: {  	s0 =	rddreg [dreg:$0x0];
	s2 =	stileid.u32  }
0xf0: {  	s1 =	rddreg [dreg:$0x1];
	p0 =	sne.s32 s2, $0x0  }
0xf1: {  	s3 =	rddreg [dreg:$0x2];
	[bflag:$0x3] =	sbarrier.arrive $0xFFFF;
	s2 =	simm.s32 @!p0 $0x1C05  }
0xf2: {  	[timem:s3], [sflag:s2] =	dma.local @!p0 [hbm:s0], s1  }
0xf3: {  	s0 =	simm.s32 @!p0 $0x5  }
0xf4: {  	_ =	swait.ge @!p0 [sflag:s0], s1  }
0xf5: {  	s1 =	ssub.s32 @!p0 $0x0, s1;
	[sflag:s0] =	ssyncset.done @!p0 $0x0  }
0xf6: {  	[sflag:s0] =	ssyncadd.s32 @!p0 s1  }
0xf7: {  	[bflag:$0x3] =	sbarrier.arrive $0xFFFF  }
0xf8: {  	_ =	shalt  }

// kernel: kernel.14.cloned.1.call-start
scs
__scs_entry_jumppad:
0x0: {  	(pc) =	sbr.rel $0x88, $3  }
0x1: {  	(tag) =	ssettag $0x0;
	lr =	simm.s32 $0x1  }
0x2: {  	[smem:$0x3F98] =	sst lr;
	_ =	strace $0xD0000000  }
0x3: {  	_ = 	snop  }
0x4: {  	_ = 	snop  }
0x5: {  	_ = 	snop  }
0x6: {  	_ = 	snop  }
0x7: {  	_ = 	snop  }
__scs_overlays_trampoline_lowered:
0x8: {  	[smem:$0x3FA7] =	sst s0  }
0x9: {  	[smem:$0x3FA8] =	sst s1  }
0xa: {  	[smem:$0x3FA9] =	sst s2  }
0xb: {  	[smem:$0x3FAA] =	sst s3  }
0xc: {  	[smem:$0x3FAB] =	sst s4  }
0xd: {  	[smem:$0x3FAC] =	sst s5  }
0xe: {  	[smem:$0x3FAD] =	sst s6  }
0xf: {  	[smem:$0x3FAE] =	sst s7  }
0x10: {  	[smem:$0x3FAF] =	sst s8  }
0x11: {  	[smem:$0x3FB0] =	sst s9;
	s0 =	simm.s32 @!p0 $0x0  }
0x12: {  	s1 =	sld [smem:$0x3F96];
	s0 =	simm.s32 @p0 $0x1  }
0x13: {  	[smem:$0x3FB1] =	sst s0;
	s0 =	simm.s32 @!p1 $0x0  }
0x14: {  	s2 =	sld [smem:$0x3F95];
	s0 =	simm.s32 @p1 $0x1  }
0x15: {  	[smem:$0x3FB2] =	sst s0;
	s0 =	simm.s32 @!p2 $0x0  }
0x16: {  	s3 =	sld [smem:$0x3FDB];
	s0 =	simm.s32 @p2 $0x1  }
0x17: {  	s4 =	simm.s32 $0x1BF5;
	[smem:$0x3FB4] =	sst s0  }
0x18: {  	s0 =	sld [smem:$0x3F97];
	_ =	swait.ge [sflag:s4], $0x0  }
0x19: {  	s7 =	sld [smem:$0x3F98]  }
0x1a: {  	s8 =	sadd.s32 $0xFFFFE003, lr  }
0x1b: {  	s9 =	sadd.s32 $0xFFFFFEF7, lr;
	s5 =	simm.s32 $0xFFFFFFFF;
	p2 =	slt.u32 s8, $0xFFFFF086  }
0x1c: {  	p1 =	slt.u32 s9, $0xF7A;
	s5 =	simm.s32 @!p2 $0x0  }
0x1d: {  	s5 =	simm.s32 @p1 $0x1;
	p0 =	seq.s32 s7, s2  }
0x1e: {  	s7 =	smul.u32 @!p0 $0xF7A, s2;
	p2 =	seq.s32 @!p0 s5, $0x0  }
0x1f: {  	s9 =	smul.u32 $0xF7A, s1;
	s8 =	simm.s32 @!p0 $0x1BF5;
	p2 =	por !p2, p0  }
0x20: {  	[sflag:s8] =	ssyncset.s32 @!p0 $0xFFFFF086;
	s6 =	sadd.s32 @!p0 s3, s7;
	s7 =	simm.s32 @!p0 $0x108  }
0x21: {  	s3 =	sadd.s32 s3, s9;
	s6 =	sadd.s32 @!p0 $0x88, s6;
	s7 =	simm.s32 @p2 $0x1082  }
0x22: {  	[simem:s7], [sflag:s8] =	dma.local @!p0 [hbm:s6], $0xF7A  }
0x23: {  	s9 =	sor.u32 $0xD0000000, s2;
	s6 =	simm.s32 $0x108;
	_ =	swait.ge @!p0 [sflag:s8], $0x0  }
0x24: {  	s3 =	sadd.s32 $0x88, s3;
	s6 =	simm.s32 @!p1 $0x1082;
	[sflag:s4] =	ssyncset.s32 $0xFFFFF086  }
0x25: {  	[simem:s6], [sflag:s4] =	dma.local [hbm:s3], $0xF7A  }
0x26: {  	[smem:$0x3F98] =	sst s1;
	(tag) =	ssettag s2;
	_ =	strace s9  }
0x27: {  	s1 =	sld [smem:$0x3FA8]  }
0x28: {  	s2 =	sld [smem:$0x3FA9]  }
0x29: {  	s4 =	sld [smem:$0x3FAB]  }
0x2a: {  	p0 =	seq.s32 s5, $0x0;
	s5 =	sld [smem:$0x3FAC]  }
0x2b: {  	s6 =	sld [smem:$0x3FAD]  }
0x2c: {  	s7 =	sld [smem:$0x3FAE]  }
0x2d: {  	s3 =	simm.s32 $0x108;
	s8 =	sld [smem:$0x3FAF]  }
0x2e: {  	s3 =	simm.s32 @!p0 $0x1082;
	s9 =	sld [smem:$0x3FB0]  }
0x2f: {  	lr =	sadd.s32 s0, s3;
	s0 =	sld [smem:$0x3FA7]  }
0x30: {  	s3 =	sld [smem:$0x3FAA]  }
0x31: {  	[smem:$0x3FB3] =	sst s10  }
0x32: {  	s10 =	sld [smem:$0x3FB1];
	_ =	sdelay $0x3  }
0x33: {  	p0 =	seq.s32 s10, $0x1;
	s10 =	sld [smem:$0x3FB3];
	_ =	sdelay $0x3  }
0x34: {  	[smem:$0x3FB3] =	sst s10  }
0x35: {  	s10 =	sld [smem:$0x3FB2];
	_ =	sdelay $0x3  }
0x36: {  	p1 =	seq.s32 s10, $0x1;
	s10 =	sld [smem:$0x3FB3];
	_ =	sdelay $0x3  }
0x37: {  	[smem:$0x3FB3] =	sst s10  }
0x38: {  	s10 =	sld [smem:$0x3FB4]  }
0x39: {  	_ = 	snop;
	(pc) =	sbr.ind lr, $3  }
0x3a: {  	_ = 	snop  }
0x3b: {  	_ = 	snop  }
0x3c: {  	p2 =	seq.s32 s10, $0x1;
	s10 =	sld [smem:$0x3FB3]  }
0x3d: {  	_ =	shalt  }
0x3e: {  	_ =	shalt  }
0x3f: {  	_ =	shalt  }
0x40: {  	_ =	shalt  }
0x41: {  	_ =	shalt  }
0x42: {  	_ =	shalt  }
0x43: {  	_ =	shalt  }
0x44: {  	_ =	shalt  }
0x45: {  	_ =	shalt  }
0x46: {  	_ =	shalt  }
0x47: {  	_ =	shalt  }
0x48: {  	_ =	shalt  }
0x49: {  	_ =	shalt  }
0x4a: {  	_ =	shalt  }
0x4b: {  	_ =	shalt  }
0x4c: {  	_ =	shalt  }
0x4d: {  	_ =	shalt  }
0x4e: {  	_ =	shalt  }
0x4f: {  	_ =	shalt  }
0x50: {  	_ =	shalt  }
0x51: {  	_ =	shalt  }
0x52: {  	_ =	shalt  }
0x53: {  	_ =	shalt  }
0x54: {  	_ =	shalt  }
0x55: {  	_ =	shalt  }
0x56: {  	_ =	shalt  }
0x57: {  	_ =	shalt  }
0x58: {  	_ =	shalt  }
0x59: {  	_ =	shalt  }
0x5a: {  	_ =	shalt  }
0x5b: {  	_ =	shalt  }
0x5c: {  	_ =	shalt  }
0x5d: {  	_ =	shalt  }
0x5e: {  	_ =	shalt  }
0x5f: {  	_ =	shalt  }
0x60: {  	_ =	shalt  }
0x61: {  	_ =	shalt  }
0x62: {  	_ =	shalt  }
0x63: {  	_ =	shalt  }
0x64: {  	_ =	shalt  }
0x65: {  	_ =	shalt  }
0x66: {  	_ =	shalt  }
0x67: {  	_ =	shalt  }
0x68: {  	_ =	shalt  }
0x69: {  	_ =	shalt  }
0x6a: {  	_ =	shalt  }
0x6b: {  	_ =	shalt  }
0x6c: {  	_ =	shalt  }
0x6d: {  	_ =	shalt  }
0x6e: {  	_ =	shalt  }
0x6f: {  	_ =	shalt  }
0x70: {  	_ =	shalt  }
0x71: {  	_ =	shalt  }
0x72: {  	_ =	shalt  }
0x73: {  	_ =	shalt  }
0x74: {  	_ =	shalt  }
0x75: {  	_ =	shalt  }
0x76: {  	_ =	shalt  }
0x77: {  	_ =	shalt  }
0x78: {  	_ =	shalt  }
0x79: {  	_ =	shalt  }
0x7a: {  	_ =	shalt  }
0x7b: {  	_ =	shalt  }
0x7c: {  	_ =	shalt  }
0x7d: {  	_ =	shalt  }
0x7e: {  	_ =	shalt  }
0x7f: {  	_ =	shalt  }
0x80: {  	_ =	shalt  }
0x81: {  	_ =	shalt  }
0x82: {  	_ =	shalt  }
0x83: {  	_ =	shalt  }
0x84: {  	_ =	shalt  }
0x85: {  	_ =	shalt  }
0x86: {  	_ =	shalt  }
0x87: {  	_ =	shalt  }
.Lfunc_end0:
.L_simem_size_0:
called_computation.2_lowered:
.L_overlay_start_0:
0x88: {  	s2 =	sld [smem:$0x3FD9]  }
0x89: {  	s3 =	sld [smem:$0x3FFE];
	_ =	sdelay $0x1  }
0x8a: {  	s1 =	srdreg.scid  }
0x8b: {  	s0 =	sand.u32 $0x1, s1  }
0x8c: {  	s14 =	sshll.u32 s0, $0xA;
	s2 =	sadd.s32 s3, s2  }
0x8d: {  	s2 =	sadd.s32 s2, s14  }
0x8e: {  	[smem:$0x3FBF] =	sst s2  }
0x8f: {  	_ = 	snop  }
0x90: {  	s2 =	sld [smem:$0x3FD0];
	_ =	sdelay $0x2  }
0x91: {  	s15 =	simm.s32 $0xA;
	s4 =	simm.s32 $0x10  }
0x92: {  	[smem:s4], [sflag:s15] =	dma.local [hbm:s2], $0x1  }
0x93: {  	_ =	swait.eq [sflag:s15], $0x1  }
0x94: {  	[sflag:s15] =	ssyncset.done $0x0  }
0x95: {  	[sflag:s15] =	ssyncadd.s32 $0xFFFFFFFF  }
0x96: {  	s16 =	sld [smem:$0x10];
	(tm) =	ssettm $0x1  }
0x97: {  	s17 =	sld [smem:$0x3FFB];
	_ =	sdelay $0x3  }
0x98: {  	_ =	strace s17  }
0x99: {  	s3 =	sld [smem:$0x3FFC];
	_ =	sdelay $0x3  }
0x9a: {  	_ =	strace s3  }
0x9b: {  	s3 =	sld [smem:$0x3FFD];
	_ =	sdelay $0x3  }
0x9c: {  	_ =	strace s3  }
0x9d: {  	_ =	strace $0x8FFFFFFF  }
0x9e: {  	s18 =	sld [smem:$0x3FDB];
	_ =	sdelay $0x1  }
0x9f: {  	s19 =	simm.s32 $_scs_section_size  }
0xa0: {  	s5 =	simm.s32 $_size__tile_overlayer_lowered;
	s6 =	simm.s32 $_tile_overlayer_lowered  }
0xa1: {  	s22 =	simm.s32 $0x1BFF;
	s21 =	sshll.u32 s6, $0x1;
	s3 =	sadd.s32 s19, s18  }
0xa2: {  	s7 =	simm.s32 $0x0;
	s20 =	sshll.u32 s5, $0x1;
	s5 =	sadd.s32 s21, s3  }
0xa3: {  	[timem:s7], [sflag:s22] =	dma.local [hbm:s5], s20  }
0xa4: {  	_ =	swait.ge [sflag:s22], s20  }
0xa5: {  	s4 =	ssub.s32 $0x0, s20;
	[sflag:s22] =	ssyncset.done $0x0  }
0xa6: {  	[sflag:s22] =	ssyncadd.s32 s4;
	_ =	sdelay $0x1  }
0xa7: {  	s23 =	simm.s32 $0x1B8B  }
0xa8: {  	_ =	swait.ge [sflag:s23], $0x1  }
0xa9: {  	[sflag:s23] =	ssyncset.done $0x0  }
0xaa: {  	s25 =	simm.s32 $0x1B8E;
	s24 =	sld [smem:$0x3FFE];
	[sflag:s23] =	ssyncadd.s32 $0xFFFFFFFF  }
0xab: {  	s26 =	simm.s32 $execute0_lowered;
	[smem:$0x3FD2] =	sst s25  }
0xac: {  	s5 =	sshll.u32 s26, $0x1;
	_ =	strace $0x8000004C;
	[dreg:$0x1] =	wrdreg $0xFFFFFFFF  }
0xad: {  	s28 =	simm.s32 $_size_execute0_lowered;
	s3 =	sadd.s32 s3, s5;
	[dreg:$0x0] =	wrdreg $0x0  }
0xae: {  	s5 =	sshll.u32 s28, $0x1;
	[dreg:$0x2] =	wrdreg s3  }
0xaf: {  	[dreg:$0x3] =	wrdreg s5  }
0xb0: {  	[dreg:$0x4] =	wrdreg $0xC0  }
0xb1: {  	_ =	task [dreg:s7], $0x5FFFF  }
0xb2: {  	[dreg:$0x1] =	wrdreg $0xFFFFFFFF  }
0xb3: {  	[dreg:$0x0] =	wrdreg $0x60  }
0xb4: {  	[dreg:$0x2] =	wrdreg s24  }
0xb5: {  	[dreg:$0x3] =	wrdreg s16  }
0xb6: {  	[dreg:$0x4] =	wrdreg $0x92000  }
0xb7: {  	[dreg:$0x5] =	wrdreg $0x9  }
0xb8: {  	_ =	task.clear_ibuf [dreg:s7], $0x6FFFF;
	_ =	strace $0x9000004C  }
0xb9: {  	s29 =	simm.s32 $0x9;
	_ =	strace $0x8000004E  }
0xba: {  	_ =	swait.ge [sflag:s29], $0x1  }
0xbb: {  	[sflag:s29] =	ssyncadd.s32 $0xFFFFFFFF  }
0xbc: {  	_ =	strace $0x9000004E  }
0xbd: {  	_ =	sfence  }
0xbe: {  	s30 =	sld [smem:$0x0];
	_ =	sdelay $0x2  }
0xbf: {  	s31 =	sshll.u32 s1, $0xD;
	s1 =	sshrl.u32 s1, $0x2  }
0xc0: {  	s3 =	sand.u32 $0x4000, s31;
	s1 =	sadd.s32 s1, s30  }
0xc1: {  	s0 =	sor.u32 s3, s0;
	s1 =	sshll.u32 s1, $0x11  }
0xc2: {  	s0 =	sor.u32 s1, s0  }
0xc3: {  	s0 =	sadd.s32 $0x8F2B, s0  }
0xc4: {  	[sflag:s0] =	ssyncadd.remote.s32 $0x1  }
0xc5: {  	_ =	sfence.sel $0xFFFF  }
0xc6: {  	[dreg:$0x0] =	wrdreg $0xFFFFFFFF;
	(pc) =	sbr.abs _section_cstart, $3  }
0xc7: {  	[dreg:$0x1] =	wrdreg $0xFFFFFFFF  }
0xc8: {  	_ =	task.clear_ibuf [dreg:s7], $0x2FFFF;
	_ =	strace $0x9FFFFFFF  }
0xc9: {  	(tm) =	ssettm $0x7FFFFFFF  }
tec
execute0_lowered:
.L_overlay_start_1:
0x0: {  	(tag) =	ssettag $0x1  }
0x1: {  	s0 =	rddreg [dreg:$0x0]  }
0x2: {  	s1 =	rddreg [dreg:$0x1];
	s3 =	srdreg.scid  }
0x3: {  	s2 =	rddreg [dreg:$0x2];
	s24 =	stileid.u32  }
0x4: {  	s16 =	simm.s32 $0x5;
	s17 =	simm.s32 $0x4200;
	s18 =	simm.s32 $0x50  }
0x5: {  	s19 =	simm.s32 $0x4000;
	s20 =	simm.s32 $0x4080;
	s21 =	simm.s32 $0x6A00  }
0x6: {  	s22 =	simm.s32 $0x1;
	s23 =	simm.s32 $0x4100;
	s28 =	simm.s32 $0x3  }
0x7: {  	s29 =	simm.s32 $0x4;
	s30 =	simm.s32 $0x0;
	s7 =	smul.u32 $0x1F400, s24  }
0x8: {  	s5 =	sand.u32 $0x1, s3;
	s3 =	simm.s32 $0x0;
	s8 =	smul.u32 $0x50000, s24  }
0x9: {  	s4 =	sadd.s32 $0x3000, s0;
	s9 =	sshll.u32 s24, $0xB;
	s31 =	smul.u32 $0x7D000, s24  }
0xa: {  	p0 =	sgt.u32 s24, $0x9;
	s24 =	simm.s32 $0x2;
	s6 =	smul.u32 $0x138800, s5  }
0xb: {  	[smem:$0x7FF] =	sst s3;
	s25 =	ssub.s32 $0x2, s5;
	s5 =	sshll.u32 s5, $0xF  }
0xc: {  	s1 =	sadd.s32 s1, s9;
	_ =	strace $0x8000004D;
	s26 =	sshrl.u32 s25, $0x1  }
0xd: {  	s8 =	sshrl.u32 s8, $0x2;
	s1 =	sadd.s32 s5, s1;
	s6 =	sadd.s32 s7, s6  }
0xe: {  	s15 =	ssub.s32 s25, s26;
	[dreg:$0x4] =	wrdreg s1;
	s6 =	sshrl.u32 s6, $0x3  }
0xf: {  	s1 =	sshrl.u32 s31, $0x2;
	s0 =	sadd.s32 s6, s0;
	s6 =	sadd.s32 s8, s2  }
0x10: {  	s26 =	simm.s32 $0x4180;
	s15 =	smax.u32 s15, $0x1;
	s7 =	sadd.s32 $0x2800, s6  }
0x11: {  	s8 =	sadd.s32 $0x5000, s6;
	s9 =	sadd.s32 $0x7800, s6;
	s10 =	sadd.s32 $0xA000, s6  }
0x12: {  	s11 =	sadd.s32 $0xC800, s6;
	s14 =	sadd.s32 $0x2A200, s0;
	s0 =	sadd.s32 s1, s2  }
0x13: {  	v0 =	vimm.f32 $0.0e+00;
	s12 =	sadd.s32 $0xF000, s6;
	s13 =	sadd.s32 $0x11800, s6;
	s25 =	sshrl.u32 @!p0 s0, $0x3  }
.LBB2_1:
0x14: {  	s0 =	rddreg [dreg:$0x4]  }
0x15: {  	[tilespmem:s3], [sflag:$0x5] =	stream.linear.gather [hbm4b:s0+s3], $0x4000, $0x38;
	[tilespmem:$0x1D200] =	vst v63  }
0x16: {  	s5 =	sand.u32 $0xFE00, s3;
	s1 =	sand.u32 $0x70, s3;
	_ =	swait.ge [sflag:s16], $0x4000  }
0x17: {  	s31 =	sshrl.u32 s5, $0x2;
	s0 =	simm.s32 $0x40;
	[sflag:s16] =	ssyncset.done $0x0  }
0x18: {  	s1 =	sor.u32 s1, s31;
	s31 =	simm.s32 $0x0;
	[sflag:s16] =	ssyncadd.s32 $0xFFFFC000  }
.LBB2_2:
0x19: {  	p1 =	sne.s32 s0, $0x9FC0  }
0x1a: {  	[tilespmem:s1+$0x4200] =	vst v0;
	s31 =	sadd.s32 $0x10, s31;
	s1 =	smov.u32 s0;
	s0 =	sadd.s32 $0x40, s0  }
.Ltmp0:
0x1b: {  	(pc) =	sbr.rel @p1 .LBB2_2-.Ltmp0, $4  }
0x1c: {  	_ = 	snop  }
0x1d: {  	s1 =	sand.u32 $0xFE00, s1  }
0x1e: {  	s5 =	sand.u32 $0x70, s31;
	s1 =	sshrl.u32 s1, $0x2  }
0x1f: {  	s1 =	sor.u32 s5, s1  }
0x20: {  	[tilespmem:s1+$0x4200] =	vst v0  }
0x21: {  	[spmem:s6] =	stream.linear.scatter [tilespmem:s17], [sflag:$0x5], $0x2800, $0x38;
	[tilespmem:$0x1D200] =	vst v63  }
0x22: {  	_ =	swait.ge [sflag:s16], $0x2800  }
0x23: {  	[sflag:s16] =	ssyncset.done $0x0  }
0x24: {  	[sflag:s16] =	ssyncadd.s32 $0xFFFFD800  }
0x25: {  	[spmem:s7] =	stream.linear.scatter [tilespmem:s17], [sflag:$0x5], $0x2800, $0x38;
	[tilespmem:$0x1D200] =	vst v63  }
0x26: {  	_ =	swait.ge [sflag:s16], $0x2800  }
0x27: {  	[sflag:s16] =	ssyncset.done $0x0  }
0x28: {  	[sflag:s16] =	ssyncadd.s32 $0xFFFFD800  }
0x29: {  	[spmem:s8] =	stream.linear.scatter [tilespmem:s17], [sflag:$0x5], $0x2800, $0x38;
	[tilespmem:$0x1D200] =	vst v63  }
0x2a: {  	_ =	swait.ge [sflag:s16], $0x2800  }
0x2b: {  	[sflag:s16] =	ssyncset.done $0x0  }
0x2c: {  	[sflag:s16] =	ssyncadd.s32 $0xFFFFD800  }
0x2d: {  	[spmem:s9] =	stream.linear.scatter [tilespmem:s17], [sflag:$0x5], $0x2800, $0x38;
	[tilespmem:$0x1D200] =	vst v63  }
0x2e: {  	_ =	swait.ge [sflag:s16], $0x2800  }
0x2f: {  	[sflag:s16] =	ssyncset.done $0x0  }
0x30: {  	[sflag:s16] =	ssyncadd.s32 $0xFFFFD800  }
0x31: {  	[spmem:s10] =	stream.linear.scatter [tilespmem:s17], [sflag:$0x5], $0x2800, $0x38;
	[tilespmem:$0x1D200] =	vst v63  }
0x32: {  	_ =	swait.ge [sflag:s16], $0x2800  }
0x33: {  	[sflag:s16] =	ssyncset.done $0x0  }
0x34: {  	[sflag:s16] =	ssyncadd.s32 $0xFFFFD800  }
0x35: {  	[spmem:s11] =	stream.linear.scatter [tilespmem:s17], [sflag:$0x5], $0x2800, $0x38;
	[tilespmem:$0x1D200] =	vst v63  }
0x36: {  	_ =	swait.ge [sflag:s16], $0x2800  }
0x37: {  	[sflag:s16] =	ssyncset.done $0x0  }
0x38: {  	[sflag:s16] =	ssyncadd.s32 $0xFFFFD800  }
0x39: {  	[spmem:s12] =	stream.linear.scatter [tilespmem:s17], [sflag:$0x5], $0x2800, $0x38;
	[tilespmem:$0x1D200] =	vst v63  }
0x3a: {  	_ =	swait.ge [sflag:s16], $0x2800  }
0x3b: {  	[sflag:s16] =	ssyncset.done $0x0  }
0x3c: {  	[sflag:s16] =	ssyncadd.s32 $0xFFFFD800  }
0x3d: {  	[spmem:s13] =	stream.linear.scatter [tilespmem:s17], [sflag:$0x5], $0x2800, $0x38;
	[tilespmem:$0x1D200] =	vst v63  }
0x3e: {  	_ =	swait.ge [sflag:s16], $0x2800  }
0x3f: {  	[sflag:s16] =	ssyncset.done $0x0  }
0x40: {  	[sflag:s16] =	ssyncadd.s32 $0xFFFFD800  }
0x41: {  	[bflag:$0x0] =	sbarrier.arrive $0xFFFF  }
0x42: {  	v1 =	vld [tilespmem:$0x0];
	_ =	sdelay $0x1  }
0x43: {  	v2 =	vld [tilespmem:$0x10];
	_ =	sdelay $0x1  }
0x44: {  	v3 =	vld [tilespmem:$0x20]  }
0x45: {  	v4 =	vand.u32 $0xFFFF, v1  }
0x46: {  	v61 =	vld [tilespmem:$0x30];
	v1 =	vshrl.u32 v1, $0x10;
	[tilespmem:$0x4000] =	vst v4  }
0x47: {  	[tilespmem:$0x4100] =	vst v1;
	v1 =	vand.u32 $0xFFFF, v2  }
0x48: {  	[tilespmem:$0x4010] =	vst v1;
	v1 =	vshrl.u32 v2, $0x10;
	v2 =	vld [tilespmem:$0x40]  }
0x49: {  	[tilespmem:$0x4110] =	vst v1;
	v1 =	vand.u32 $0xFFFF, v3  }
0x4a: {  	[tilespmem:$0x4020] =	vst v1;
	v1 =	vshrl.u32 v3, $0x10  }
0x4b: {  	[tilespmem:$0x4120] =	vst v1;
	v1 =	vand.u32 $0xFFFF, v61  }
0x4c: {  	[tilespmem:$0x4030] =	vst v1;
	v1 =	vshrl.u32 v61, $0x10  }
0x4d: {  	[tilespmem:$0x4130] =	vst v1;
	v1 =	vand.u32 $0xFFFF, v2  }
0x4e: {  	[tilespmem:$0x4040] =	vst v1;
	v1 =	vshrl.u32 v2, $0x10  }
0x4f: {  	[tilespmem:$0x4140] =	vst v1  }
0x50: {  	[tilespmem:s17], [sflag:$0x1] =	stream.indirect.gather [hbm4b:s4+s18], $0x80, s19, s18, $0xb8;
	[tilespmem:$0x1D200] =	vst v63  }
0x51: {  	v1 =	vld [tilespmem:$0x80];
	_ =	sdelay $0x1  }
0x52: {  	v2 =	vld [tilespmem:$0x90];
	_ =	sdelay $0x1  }
0x53: {  	v3 =	vld [tilespmem:$0xA0]  }
0x54: {  	v62 =	vand.u32 $0xFFFF, v1  }
0x55: {  	v63 =	vld [tilespmem:$0xB0];
	v1 =	vshrl.u32 v1, $0x10;
	[tilespmem:$0x4080] =	vst v62  }
0x56: {  	[tilespmem:$0x4180] =	vst v1;
	v1 =	vand.u32 $0xFFFF, v2  }
0x57: {  	[tilespmem:$0x4090] =	vst v1;
	v1 =	vshrl.u32 v2, $0x10;
	v2 =	vld [tilespmem:$0xC0]  }
0x58: {  	[tilespmem:$0x4190] =	vst v1;
	v1 =	vand.u32 $0xFFFF, v3  }
0x59: {  	[tilespmem:$0x40A0] =	vst v1;
	v1 =	vshrl.u32 v3, $0x10  }
0x5a: {  	[tilespmem:$0x41A0] =	vst v1;
	v1 =	vand.u32 $0xFFFF, v63  }
0x5b: {  	[tilespmem:$0x40B0] =	vst v1;
	v1 =	vshrl.u32 v63, $0x10  }
0x5c: {  	[tilespmem:$0x41B0] =	vst v1;
	v1 =	vand.u32 $0xFFFF, v2  }
0x5d: {  	[tilespmem:$0x40C0] =	vst v1;
	v1 =	vshrl.u32 v2, $0x10  }
0x5e: {  	[tilespmem:$0x41C0] =	vst v1  }
0x5f: {  	[tilespmem:s21], [sflag:$0x2] =	stream.indirect.gather [hbm4b:s4+s18], $0x80, s20, s18, $0xb8;
	[tilespmem:$0x1D200] =	vst v63  }
0x60: {  	_ =	swait.ge [sflag:s22], $0x2800  }
0x61: {  	[sflag:s22] =	ssyncset.done $0x0  }
0x62: {  	[sflag:s22] =	ssyncadd.s32 $0xFFFFD800  }
0x63: {  	[spmem:s2] =	stream.indirect.scatter.add.f32 [tilespmem:s17], [sflag:$0x3], $0x80, s23, s18, $0xb8;
	[tilespmem:$0x1D200] =	vst v63  }
0x64: {  	_ =	swait.ge [sflag:s24], $0x2800  }
0x65: {  	[sflag:s24] =	ssyncset.done $0x0  }
0x66: {  	[sflag:s24] =	ssyncadd.s32 $0xFFFFD800  }
0x67: {  	[spmem:s2] =	stream.indirect.scatter.add.f32 [tilespmem:s21], [sflag:$0x4], $0x80, s26, s18, $0xb8;
	[tilespmem:$0x1D200] =	vst v63  }
0x68: {  	_ =	swait.ge [sflag:s28], $0x2800  }
0x69: {  	[sflag:s28] =	ssyncset.done $0x0  }
0x6a: {  	s31 =	simm.s32 $0x0;
	[sflag:s28] =	ssyncadd.s32 $0xFFFFD800  }
0x6b: {  	v1 =	vld [tilespmem:s31+$0x100];
	_ =	sdelay $0x4  }
0x6c: {  	v2 =	vand.u32 $0xFFFF, v1  }
0x6d: {  	v1 =	vshrl.u32 v1, $0x10;
	[tilespmem:$0x4000] =	vst v2  }
0x6e: {  	[tilespmem:$0x4100] =	vst v1  }
0x6f: {  	v1 =	vld [tilespmem:s31+$0x110];
	_ =	sdelay $0x4  }
0x70: {  	v2 =	vand.u32 $0xFFFF, v1  }
0x71: {  	v1 =	vshrl.u32 v1, $0x10;
	[tilespmem:$0x4010] =	vst v2  }
0x72: {  	[tilespmem:$0x4110] =	vst v1  }
0x73: {  	v1 =	vld [tilespmem:s31+$0x120];
	_ =	sdelay $0x4  }
0x74: {  	v2 =	vand.u32 $0xFFFF, v1  }
0x75: {  	v1 =	vshrl.u32 v1, $0x10;
	[tilespmem:$0x4020] =	vst v2  }
0x76: {  	[tilespmem:$0x4120] =	vst v1  }
0x77: {  	v1 =	vld [tilespmem:s31+$0x130];
	_ =	sdelay $0x4  }
0x78: {  	v2 =	vand.u32 $0xFFFF, v1  }
0x79: {  	v1 =	vshrl.u32 v1, $0x10;
	[tilespmem:$0x4030] =	vst v2  }
0x7a: {  	[tilespmem:$0x4130] =	vst v1  }
0x7b: {  	v1 =	vld [tilespmem:s31+$0x140];
	_ =	sdelay $0x4  }
0x7c: {  	v2 =	vand.u32 $0xFFFF, v1  }
0x7d: {  	v1 =	vshrl.u32 v1, $0x10;
	[tilespmem:$0x4040] =	vst v2  }
0x7e: {  	[tilespmem:$0x4140] =	vst v1  }
0x7f: {  	[tilespmem:s17], [sflag:$0x1] =	stream.indirect.gather [hbm4b:s4+s18], $0x80, s19, s18, $0xb8;
	[tilespmem:$0x1D200] =	vst v63  }
0x80: {  	_ =	swait.ge [sflag:s29], $0x2800  }
0x81: {  	[sflag:s29] =	ssyncset.done $0x0  }
0x82: {  	[sflag:s29] =	ssyncadd.s32 $0xFFFFD800  }
0x83: {  	v1 =	vld [tilespmem:s31+$0x180];
	_ =	sdelay $0x4  }
0x84: {  	v2 =	vand.u32 $0xFFFF, v1  }
0x85: {  	v1 =	vshrl.u32 v1, $0x10;
	[tilespmem:$0x4080] =	vst v2  }
0x86: {  	[tilespmem:$0x4180] =	vst v1  }
0x87: {  	v1 =	vld [tilespmem:s31+$0x190];
	_ =	sdelay $0x4  }
0x88: {  	v2 =	vand.u32 $0xFFFF, v1  }
0x89: {  	v1 =	vshrl.u32 v1, $0x10;
	[tilespmem:$0x4090] =	vst v2  }
0x8a: {  	[tilespmem:$0x4190] =	vst v1  }
0x8b: {  	v1 =	vld [tilespmem:s31+$0x1A0];
	_ =	sdelay $0x4  }
0x8c: {  	v2 =	vand.u32 $0xFFFF, v1  }
0x8d: {  	v1 =	vshrl.u32 v1, $0x10;
	[tilespmem:$0x40A0] =	vst v2  }
0x8e: {  	[tilespmem:$0x41A0] =	vst v1  }
0x8f: {  	v1 =	vld [tilespmem:s31+$0x1B0];
	_ =	sdelay $0x4  }
0x90: {  	s0 =	simm.s32 $0x400;
	v2 =	vand.u32 $0xFFFF, v1;
	v1 =	vshrl.u32 v1, $0x10  }
.LBB2_4:
0x91: {  	p1 =	sne.s32 s0, $0xF800;
	[tilespmem:$0x40B0] =	vst v2;
	s1 =	smov.u32 s0;
	s0 =	sadd.s32 $0x400, s0  }
0x92: {  	[tilespmem:$0x41B0] =	vst v1  }
0x93: {  	v1 =	vld [tilespmem:s31+$0x1C0];
	_ =	sdelay $0x4  }
0x94: {  	v2 =	vand.u32 $0xFFFF, v1;
	v1 =	vshrl.u32 v1, $0x10  }
0x95: {  	[tilespmem:$0x40C0] =	vst v2  }
0x96: {  	[tilespmem:$0x41C0] =	vst v1  }
0x97: {  	[tilespmem:s21], [sflag:$0x2] =	stream.indirect.gather [hbm4b:s4+s18], $0x80, s20, s18, $0xb8;
	[tilespmem:$0x1D200] =	vst v63  }
0x98: {  	_ =	swait.ge [sflag:s22], $0x2800  }
0x99: {  	[sflag:s22] =	ssyncset.done $0x0  }
0x9a: {  	[sflag:s22] =	ssyncadd.s32 $0xFFFFD800  }
0x9b: {  	[spmem:s2] =	stream.indirect.scatter.add.f32 [tilespmem:s17], [sflag:$0x3], $0x80, s23, s18, $0xb8;
	[tilespmem:$0x1D200] =	vst v63  }
0x9c: {  	_ =	swait.ge [sflag:s24], $0x2800  }
0x9d: {  	[sflag:s24] =	ssyncset.done $0x0  }
0x9e: {  	[sflag:s24] =	ssyncadd.s32 $0xFFFFD800  }
0x9f: {  	[spmem:s2] =	stream.indirect.scatter.add.f32 [tilespmem:s21], [sflag:$0x4], $0x80, s26, s18, $0xb8;
	[tilespmem:$0x1D200] =	vst v63  }
0xa0: {  	_ =	swait.ge [sflag:s28], $0x2800  }
0xa1: {  	[sflag:s28] =	ssyncset.done $0x0  }
0xa2: {  	s31 =	sshra.s32 s1, $0x2;
	[sflag:s28] =	ssyncadd.s32 $0xFFFFD800  }
0xa3: {  	v1 =	vld [tilespmem:s31+$0x100];
	_ =	sdelay $0x4  }
0xa4: {  	v2 =	vand.u32 $0xFFFF, v1;
	v1 =	vshrl.u32 v1, $0x10  }
0xa5: {  	[tilespmem:$0x4000] =	vst v2  }
0xa6: {  	[tilespmem:$0x4100] =	vst v1  }
0xa7: {  	v1 =	vld [tilespmem:s31+$0x110];
	_ =	sdelay $0x4  }
0xa8: {  	v2 =	vand.u32 $0xFFFF, v1;
	v1 =	vshrl.u32 v1, $0x10  }
0xa9: {  	[tilespmem:$0x4010] =	vst v2  }
0xaa: {  	[tilespmem:$0x4110] =	vst v1  }
0xab: {  	v1 =	vld [tilespmem:s31+$0x120];
	_ =	sdelay $0x4  }
0xac: {  	v2 =	vand.u32 $0xFFFF, v1;
	v1 =	vshrl.u32 v1, $0x10  }
0xad: {  	[tilespmem:$0x4020] =	vst v2  }
0xae: {  	[tilespmem:$0x4120] =	vst v1  }
0xaf: {  	v1 =	vld [tilespmem:s31+$0x130];
	_ =	sdelay $0x4  }
0xb0: {  	v2 =	vand.u32 $0xFFFF, v1;
	v1 =	vshrl.u32 v1, $0x10  }
0xb1: {  	[tilespmem:$0x4030] =	vst v2  }
0xb2: {  	[tilespmem:$0x4130] =	vst v1  }
0xb3: {  	v1 =	vld [tilespmem:s31+$0x140];
	_ =	sdelay $0x4  }
0xb4: {  	v2 =	vand.u32 $0xFFFF, v1;
	v1 =	vshrl.u32 v1, $0x10  }
0xb5: {  	[tilespmem:$0x4040] =	vst v2  }
0xb6: {  	[tilespmem:$0x4140] =	vst v1  }
0xb7: {  	[tilespmem:s17], [sflag:$0x1] =	stream.indirect.gather [hbm4b:s4+s18], $0x80, s19, s18, $0xb8;
	[tilespmem:$0x1D200] =	vst v63  }
0xb8: {  	_ =	swait.ge [sflag:s29], $0x2800  }
0xb9: {  	[sflag:s29] =	ssyncset.done $0x0  }
0xba: {  	[sflag:s29] =	ssyncadd.s32 $0xFFFFD800  }
0xbb: {  	v1 =	vld [tilespmem:s31+$0x180];
	_ =	sdelay $0x4  }
0xbc: {  	v2 =	vand.u32 $0xFFFF, v1;
	v1 =	vshrl.u32 v1, $0x10  }
0xbd: {  	[tilespmem:$0x4080] =	vst v2  }
0xbe: {  	[tilespmem:$0x4180] =	vst v1  }
0xbf: {  	v1 =	vld [tilespmem:s31+$0x190];
	_ =	sdelay $0x4  }
0xc0: {  	v2 =	vand.u32 $0xFFFF, v1;
	v1 =	vshrl.u32 v1, $0x10  }
0xc1: {  	[tilespmem:$0x4090] =	vst v2  }
0xc2: {  	[tilespmem:$0x4190] =	vst v1  }
0xc3: {  	v1 =	vld [tilespmem:s31+$0x1A0];
	_ =	sdelay $0x4  }
0xc4: {  	v2 =	vand.u32 $0xFFFF, v1;
	v1 =	vshrl.u32 v1, $0x10  }
0xc5: {  	[tilespmem:$0x40A0] =	vst v2  }
0xc6: {  	[tilespmem:$0x41A0] =	vst v1  }
0xc7: {  	v1 =	vld [tilespmem:s31+$0x1B0]  }
.Ltmp1:
0xc8: {  	(pc) =	sbr.rel @p1 .LBB2_4-.Ltmp1, $2  }
0xc9: {  	_ =	sdelay $0x2  }
0xca: {  	v2 =	vand.u32 $0xFFFF, v1;
	v1 =	vshrl.u32 v1, $0x10  }
0xcb: {  	[tilespmem:$0x40B0] =	vst v2  }
0xcc: {  	[tilespmem:$0x41B0] =	vst v1  }
0xcd: {  	v1 =	vld [tilespmem:s31+$0x1C0];
	_ =	sdelay $0x4  }
0xce: {  	v2 =	vand.u32 $0xFFFF, v1  }
0xcf: {  	v1 =	vshrl.u32 v1, $0x10;
	[tilespmem:$0x40C0] =	vst v2  }
0xd0: {  	[tilespmem:$0x41C0] =	vst v1  }
0xd1: {  	[tilespmem:s21], [sflag:$0x2] =	stream.indirect.gather [hbm4b:s4+s18], $0x80, s20, s18, $0xb8;
	[tilespmem:$0x1D200] =	vst v63  }
0xd2: {  	_ =	swait.ge [sflag:s22], $0x2800  }
0xd3: {  	[sflag:s22] =	ssyncset.done $0x0  }
0xd4: {  	[sflag:s22] =	ssyncadd.s32 $0xFFFFD800  }
0xd5: {  	[spmem:s2] =	stream.indirect.scatter.add.f32 [tilespmem:s17], [sflag:$0x3], $0x80, s23, s18, $0xb8;
	[tilespmem:$0x1D200] =	vst v63  }
0xd6: {  	_ =	swait.ge [sflag:s24], $0x2800  }
0xd7: {  	[sflag:s24] =	ssyncset.done $0x0  }
0xd8: {  	[sflag:s24] =	ssyncadd.s32 $0xFFFFD800  }
0xd9: {  	[spmem:s2] =	stream.indirect.scatter.add.f32 [tilespmem:s21], [sflag:$0x4], $0x80, s26, s18, $0xb8;
	[tilespmem:$0x1D200] =	vst v63  }
0xda: {  	_ =	swait.ge [sflag:s28], $0x2800  }
0xdb: {  	[sflag:s28] =	ssyncset.done $0x0  }
0xdc: {  	[sflag:s28] =	ssyncadd.s32 $0xFFFFD800  }
0xdd: {  	_ =	swait.ge [sflag:s29], $0x2800  }
0xde: {  	s0 =	stileid.u32;
	[sflag:s29] =	ssyncset.done $0x0  }
0xdf: {  	s30 =	sadd.s32 $0x1, s30;
	s0 =	sshll.u32 @!p0 s0, $0x6;
	[sflag:s29] =	ssyncadd.s32 $0xFFFFD800  }
0xe0: {  	p1 =	sne.s32 s30, s15;
	s0 =	sor.u32 @!p0 $0x1C05, s0;
	[bflag:$0x0] =	sbarrier.arrive $0xFFFF  }
0xe1: {  	[hbm:s14], [sflag:s0] =	dma.local @!p0 [spmem:s25], $0x3E80  }
.Ltmp2:
0xe2: {  	_ = 	snop;
	(pc) =	sbr.rel @p1 .LBB2_1-.Ltmp2, $4  }
0xe3: {  	s0 =	simm.s32 @!p0 $0x5  }
0xe4: {  	_ =	swait.ge @!p0 [sflag:s0], $0x3E80  }
0xe5: {  	[sflag:s0] =	ssyncset.done @!p0 $0x0  }
0xe6: {  	[sflag:s0] =	ssyncadd.s32 @!p0 $0xFFFFC180  }
0xe7: {  	_ =	sfence.sel $0x180000  }
0xe8: {  	[bflag:$0x0] =	sbarrier.arrive $0xFFFF  }
0xe9: {  	_ =	strace $0x9000004D  }
0xea: {  	s0 =	stileid.u32;
	[bflag:$0x2] =	sbarrier.arrive $0xFFFF  }
0xeb: {  	p0 =	sne.s32 s0, $0x0;
	s0 =	rddreg [dreg:$0x3]  }
0xec: {  	s0 =	sadd.s32 @!p0 $0x100000, s0  }
0xed: {  	[sflag:s0] =	ssyncadd.tile.s32 @!p0 $0x1;
	_ =	shalt  }
.Lfunc_end2:
_tile_overlayer_lowered:
.L_overlay_start_2:
0xee: {  	(tag) =	ssettag $0x2  }
0xef: {  	s0 =	rddreg [dreg:$0x0];
	s2 =	stileid.u32  }
0xf0: {  	s1 =	rddreg [dreg:$0x1];
	p0 =	sne.s32 s2, $0x0  }
0xf1: {  	s3 =	rddreg [dreg:$0x2];
	[bflag:$0x3] =	sbarrier.arrive $0xFFFF;
	s2 =	simm.s32 @!p0 $0x1C05  }
0xf2: {  	[timem:s3], [sflag:s2] =	dma.local @!p0 [hbm:s0], s1  }
0xf3: {  	s0 =	simm.s32 @!p0 $0x5  }
0xf4: {  	_ =	swait.ge @!p0 [sflag:s0], s1  }
0xf5: {  	s1 =	ssub.s32 @!p0 $0x0, s1;
	[sflag:s0] =	ssyncset.done @!p0 $0x0  }
0xf6: {  	[sflag:s0] =	ssyncadd.s32 @!p0 s1  }
0xf7: {  	[bflag:$0x3] =	sbarrier.arrive $0xFFFF  }
0xf8: {  	_ =	shalt  }

// kernel: kernel.8.cloned.1.call-start
scs
__scs_entry_jumppad:
0x0: {  	(pc) =	sbr.rel $0x88, $3  }
0x1: {  	(tag) =	ssettag $0x0;
	lr =	simm.s32 $0x1  }
0x2: {  	[smem:$0x3F98] =	sst lr;
	_ =	strace $0xD0000000  }
0x3: {  	_ = 	snop  }
0x4: {  	_ = 	snop  }
0x5: {  	_ = 	snop  }
0x6: {  	_ = 	snop  }
0x7: {  	_ = 	snop  }
__scs_overlays_trampoline_lowered:
0x8: {  	[smem:$0x3FA7] =	sst s0  }
0x9: {  	[smem:$0x3FA8] =	sst s1  }
0xa: {  	[smem:$0x3FA9] =	sst s2  }
0xb: {  	[smem:$0x3FAA] =	sst s3  }
0xc: {  	[smem:$0x3FAB] =	sst s4  }
0xd: {  	[smem:$0x3FAC] =	sst s5  }
0xe: {  	[smem:$0x3FAD] =	sst s6  }
0xf: {  	[smem:$0x3FAE] =	sst s7  }
0x10: {  	[smem:$0x3FAF] =	sst s8  }
0x11: {  	[smem:$0x3FB0] =	sst s9;
	s0 =	simm.s32 @!p0 $0x0  }
0x12: {  	s1 =	sld [smem:$0x3F96];
	s0 =	simm.s32 @p0 $0x1  }
0x13: {  	[smem:$0x3FB1] =	sst s0;
	s0 =	simm.s32 @!p1 $0x0  }
0x14: {  	s2 =	sld [smem:$0x3F95];
	s0 =	simm.s32 @p1 $0x1  }
0x15: {  	[smem:$0x3FB2] =	sst s0;
	s0 =	simm.s32 @!p2 $0x0  }
0x16: {  	s3 =	sld [smem:$0x3FDB];
	s0 =	simm.s32 @p2 $0x1  }
0x17: {  	s4 =	simm.s32 $0x1BF5;
	[smem:$0x3FB4] =	sst s0  }
0x18: {  	s0 =	sld [smem:$0x3F97];
	_ =	swait.ge [sflag:s4], $0x0  }
0x19: {  	s7 =	sld [smem:$0x3F98]  }
0x1a: {  	s8 =	sadd.s32 $0xFFFFE003, lr  }
0x1b: {  	s9 =	sadd.s32 $0xFFFFFEF7, lr;
	s5 =	simm.s32 $0xFFFFFFFF;
	p2 =	slt.u32 s8, $0xFFFFF086  }
0x1c: {  	p1 =	slt.u32 s9, $0xF7A;
	s5 =	simm.s32 @!p2 $0x0  }
0x1d: {  	s5 =	simm.s32 @p1 $0x1;
	p0 =	seq.s32 s7, s2  }
0x1e: {  	s7 =	smul.u32 @!p0 $0xF7A, s2;
	p2 =	seq.s32 @!p0 s5, $0x0  }
0x1f: {  	s9 =	smul.u32 $0xF7A, s1;
	s8 =	simm.s32 @!p0 $0x1BF5;
	p2 =	por !p2, p0  }
0x20: {  	[sflag:s8] =	ssyncset.s32 @!p0 $0xFFFFF086;
	s6 =	sadd.s32 @!p0 s3, s7;
	s7 =	simm.s32 @!p0 $0x108  }
0x21: {  	s3 =	sadd.s32 s3, s9;
	s6 =	sadd.s32 @!p0 $0x88, s6;
	s7 =	simm.s32 @p2 $0x1082  }
0x22: {  	[simem:s7], [sflag:s8] =	dma.local @!p0 [hbm:s6], $0xF7A  }
0x23: {  	s9 =	sor.u32 $0xD0000000, s2;
	s6 =	simm.s32 $0x108;
	_ =	swait.ge @!p0 [sflag:s8], $0x0  }
0x24: {  	s3 =	sadd.s32 $0x88, s3;
	s6 =	simm.s32 @!p1 $0x1082;
	[sflag:s4] =	ssyncset.s32 $0xFFFFF086  }
0x25: {  	[simem:s6], [sflag:s4] =	dma.local [hbm:s3], $0xF7A  }
0x26: {  	[smem:$0x3F98] =	sst s1;
	(tag) =	ssettag s2;
	_ =	strace s9  }
0x27: {  	s1 =	sld [smem:$0x3FA8]  }
0x28: {  	s2 =	sld [smem:$0x3FA9]  }
0x29: {  	s4 =	sld [smem:$0x3FAB]  }
0x2a: {  	p0 =	seq.s32 s5, $0x0;
	s5 =	sld [smem:$0x3FAC]  }
0x2b: {  	s6 =	sld [smem:$0x3FAD]  }
0x2c: {  	s7 =	sld [smem:$0x3FAE]  }
0x2d: {  	s3 =	simm.s32 $0x108;
	s8 =	sld [smem:$0x3FAF]  }
0x2e: {  	s3 =	simm.s32 @!p0 $0x1082;
	s9 =	sld [smem:$0x3FB0]  }
0x2f: {  	lr =	sadd.s32 s0, s3;
	s0 =	sld [smem:$0x3FA7]  }
0x30: {  	s3 =	sld [smem:$0x3FAA]  }
0x31: {  	[smem:$0x3FB3] =	sst s10  }
0x32: {  	s10 =	sld [smem:$0x3FB1];
	_ =	sdelay $0x3  }
0x33: {  	p0 =	seq.s32 s10, $0x1;
	s10 =	sld [smem:$0x3FB3];
	_ =	sdelay $0x3  }
0x34: {  	[smem:$0x3FB3] =	sst s10  }
0x35: {  	s10 =	sld [smem:$0x3FB2];
	_ =	sdelay $0x3  }
0x36: {  	p1 =	seq.s32 s10, $0x1;
	s10 =	sld [smem:$0x3FB3];
	_ =	sdelay $0x3  }
0x37: {  	[smem:$0x3FB3] =	sst s10  }
0x38: {  	s10 =	sld [smem:$0x3FB4]  }
0x39: {  	_ = 	snop;
	(pc) =	sbr.ind lr, $3  }
0x3a: {  	_ = 	snop  }
0x3b: {  	_ = 	snop  }
0x3c: {  	p2 =	seq.s32 s10, $0x1;
	s10 =	sld [smem:$0x3FB3]  }
0x3d: {  	_ =	shalt  }
0x3e: {  	_ =	shalt  }
0x3f: {  	_ =	shalt  }
0x40: {  	_ =	shalt  }
0x41: {  	_ =	shalt  }
0x42: {  	_ =	shalt  }
0x43: {  	_ =	shalt  }
0x44: {  	_ =	shalt  }
0x45: {  	_ =	shalt  }
0x46: {  	_ =	shalt  }
0x47: {  	_ =	shalt  }
0x48: {  	_ =	shalt  }
0x49: {  	_ =	shalt  }
0x4a: {  	_ =	shalt  }
0x4b: {  	_ =	shalt  }
0x4c: {  	_ =	shalt  }
0x4d: {  	_ =	shalt  }
0x4e: {  	_ =	shalt  }
0x4f: {  	_ =	shalt  }
0x50: {  	_ =	shalt  }
0x51: {  	_ =	shalt  }
0x52: {  	_ =	shalt  }
0x53: {  	_ =	shalt  }
0x54: {  	_ =	shalt  }
0x55: {  	_ =	shalt  }
0x56: {  	_ =	shalt  }
0x57: {  	_ =	shalt  }
0x58: {  	_ =	shalt  }
0x59: {  	_ =	shalt  }
0x5a: {  	_ =	shalt  }
0x5b: {  	_ =	shalt  }
0x5c: {  	_ =	shalt  }
0x5d: {  	_ =	shalt  }
0x5e: {  	_ =	shalt  }
0x5f: {  	_ =	shalt  }
0x60: {  	_ =	shalt  }
0x61: {  	_ =	shalt  }
0x62: {  	_ =	shalt  }
0x63: {  	_ =	shalt  }
0x64: {  	_ =	shalt  }
0x65: {  	_ =	shalt  }
0x66: {  	_ =	shalt  }
0x67: {  	_ =	shalt  }
0x68: {  	_ =	shalt  }
0x69: {  	_ =	shalt  }
0x6a: {  	_ =	shalt  }
0x6b: {  	_ =	shalt  }
0x6c: {  	_ =	shalt  }
0x6d: {  	_ =	shalt  }
0x6e: {  	_ =	shalt  }
0x6f: {  	_ =	shalt  }
0x70: {  	_ =	shalt  }
0x71: {  	_ =	shalt  }
0x72: {  	_ =	shalt  }
0x73: {  	_ =	shalt  }
0x74: {  	_ =	shalt  }
0x75: {  	_ =	shalt  }
0x76: {  	_ =	shalt  }
0x77: {  	_ =	shalt  }
0x78: {  	_ =	shalt  }
0x79: {  	_ =	shalt  }
0x7a: {  	_ =	shalt  }
0x7b: {  	_ =	shalt  }
0x7c: {  	_ =	shalt  }
0x7d: {  	_ =	shalt  }
0x7e: {  	_ =	shalt  }
0x7f: {  	_ =	shalt  }
0x80: {  	_ =	shalt  }
0x81: {  	_ =	shalt  }
0x82: {  	_ =	shalt  }
0x83: {  	_ =	shalt  }
0x84: {  	_ =	shalt  }
0x85: {  	_ =	shalt  }
0x86: {  	_ =	shalt  }
0x87: {  	_ =	shalt  }
.Lfunc_end0:
.L_simem_size_0:
called_computation_lowered:
.L_overlay_start_0:
0x88: {  	s2 =	sld [smem:$0x3FD9]  }
0x89: {  	s3 =	sld [smem:$0x3FFE];
	_ =	sdelay $0x1  }
0x8a: {  	s1 =	srdreg.scid  }
0x8b: {  	s0 =	sand.u32 $0x1, s1  }
0x8c: {  	s14 =	sshll.u32 s0, $0xA;
	s2 =	sadd.s32 s3, s2  }
0x8d: {  	s2 =	sadd.s32 s2, s14  }
0x8e: {  	[smem:$0x3FBF] =	sst s2  }
0x8f: {  	_ = 	snop  }
0x90: {  	s2 =	sld [smem:$0x3FD0];
	_ =	sdelay $0x2  }
0x91: {  	s15 =	simm.s32 $0xA;
	s4 =	simm.s32 $0x10  }
0x92: {  	[smem:s4], [sflag:s15] =	dma.local [hbm:s2], $0x1  }
0x93: {  	_ =	swait.eq [sflag:s15], $0x1  }
0x94: {  	[sflag:s15] =	ssyncset.done $0x0  }
0x95: {  	[sflag:s15] =	ssyncadd.s32 $0xFFFFFFFF  }
0x96: {  	s16 =	sld [smem:$0x11];
	(tm) =	ssettm $0x1  }
0x97: {  	s17 =	sld [smem:$0x3FFB];
	_ =	sdelay $0x3  }
0x98: {  	_ =	strace s17  }
0x99: {  	s3 =	sld [smem:$0x3FFC];
	_ =	sdelay $0x3  }
0x9a: {  	_ =	strace s3  }
0x9b: {  	s3 =	sld [smem:$0x3FFD];
	_ =	sdelay $0x3  }
0x9c: {  	_ =	strace s3  }
0x9d: {  	_ =	strace $0x8FFFFFFF  }
0x9e: {  	s18 =	sld [smem:$0x3FDB];
	_ =	sdelay $0x1  }
0x9f: {  	s19 =	simm.s32 $_scs_section_size  }
0xa0: {  	s5 =	simm.s32 $_size__tile_overlayer_lowered;
	s6 =	simm.s32 $_tile_overlayer_lowered  }
0xa1: {  	s22 =	simm.s32 $0x1BFF;
	s21 =	sshll.u32 s6, $0x1;
	s3 =	sadd.s32 s19, s18  }
0xa2: {  	s7 =	simm.s32 $0x0;
	s20 =	sshll.u32 s5, $0x1;
	s5 =	sadd.s32 s21, s3  }
0xa3: {  	[timem:s7], [sflag:s22] =	dma.local [hbm:s5], s20  }
0xa4: {  	_ =	swait.ge [sflag:s22], s20  }
0xa5: {  	s4 =	ssub.s32 $0x0, s20;
	[sflag:s22] =	ssyncset.done $0x0  }
0xa6: {  	[sflag:s22] =	ssyncadd.s32 s4;
	_ =	sdelay $0x1  }
0xa7: {  	s23 =	simm.s32 $0x1B8B  }
0xa8: {  	_ =	swait.ge [sflag:s23], $0x1  }
0xa9: {  	[sflag:s23] =	ssyncset.done $0x0  }
0xaa: {  	s25 =	simm.s32 $0x1B8E;
	s24 =	sld [smem:$0x3FFE];
	[sflag:s23] =	ssyncadd.s32 $0xFFFFFFFF  }
0xab: {  	s26 =	simm.s32 $execute0_lowered;
	[smem:$0x3FD2] =	sst s25  }
0xac: {  	s5 =	sshll.u32 s26, $0x1;
	_ =	strace $0x80000046;
	[dreg:$0x1] =	wrdreg $0xFFFFFFFF  }
0xad: {  	s28 =	simm.s32 $_size_execute0_lowered;
	s3 =	sadd.s32 s3, s5;
	[dreg:$0x0] =	wrdreg $0x0  }
0xae: {  	s5 =	sshll.u32 s28, $0x1;
	[dreg:$0x2] =	wrdreg s3  }
0xaf: {  	[dreg:$0x3] =	wrdreg s5  }
0xb0: {  	[dreg:$0x4] =	wrdreg $0xC0  }
0xb1: {  	_ =	task [dreg:s7], $0x5FFFF  }
0xb2: {  	[dreg:$0x1] =	wrdreg $0xFFFFFFFF  }
0xb3: {  	[dreg:$0x0] =	wrdreg $0x60  }
0xb4: {  	[dreg:$0x2] =	wrdreg s16  }
0xb5: {  	[dreg:$0x3] =	wrdreg s24  }
0xb6: {  	[dreg:$0x4] =	wrdreg $0x40800  }
0xb7: {  	[dreg:$0x5] =	wrdreg $0x9  }
0xb8: {  	_ =	task.clear_ibuf [dreg:s7], $0x6FFFF;
	_ =	strace $0x90000046  }
0xb9: {  	s29 =	simm.s32 $0x9;
	_ =	strace $0x80000048  }
0xba: {  	_ =	swait.ge [sflag:s29], $0x1  }
0xbb: {  	[sflag:s29] =	ssyncadd.s32 $0xFFFFFFFF  }
0xbc: {  	_ =	strace $0x90000048  }
0xbd: {  	_ =	sfence  }
0xbe: {  	s30 =	sld [smem:$0x0];
	_ =	sdelay $0x2  }
0xbf: {  	s31 =	sshll.u32 s1, $0xD;
	s1 =	sshrl.u32 s1, $0x2  }
0xc0: {  	s3 =	sand.u32 $0x4000, s31;
	s1 =	sadd.s32 s1, s30  }
0xc1: {  	s0 =	sor.u32 s3, s0;
	s1 =	sshll.u32 s1, $0x11  }
0xc2: {  	s0 =	sor.u32 s1, s0  }
0xc3: {  	s0 =	sadd.s32 $0x8F2B, s0  }
0xc4: {  	[sflag:s0] =	ssyncadd.remote.s32 $0x1  }
0xc5: {  	_ =	sfence.sel $0xFFFF  }
0xc6: {  	[dreg:$0x0] =	wrdreg $0xFFFFFFFF;
	(pc) =	sbr.abs _section_cstart, $3  }
0xc7: {  	[dreg:$0x1] =	wrdreg $0xFFFFFFFF  }
0xc8: {  	_ =	task.clear_ibuf [dreg:s7], $0x2FFFF;
	_ =	strace $0x9FFFFFFF  }
0xc9: {  	(tm) =	ssettm $0x7FFFFFFF  }
tec
execute0_lowered:
.L_overlay_start_1:
0x0: {  	(tag) =	ssettag $0x1  }
0x1: {  	s4 =	rddreg [dreg:$0x0]  }
0x2: {  	s5 =	rddreg [dreg:$0x1]  }
0x3: {  	s1 =	rddreg [dreg:$0x2]  }
0x4: {  	s0 =	rddreg [dreg:$0x3]  }
0x5: {  	s2 =	simm.s32 $0x0;
	s6 =	srdreg.scid;
	s8 =	stileid.u32  }
0x6: {  	s11 =	simm.s32 $0x0;
	[smem:$0x7FF] =	sst s2;
	s3 =	sadd.s32 $0x3000, s5  }
0x7: {  	s6 =	sand.u32 $0x1, s6;
	s10 =	sshll.u32 s8, $0xB;
	p0 =	sne.s32 s8, $0x0  }
0x8: {  	s8 =	simm.s32 $0x1;
	_ =	strace $0x80000047;
	s7 =	sshll.u32 s6, $0x4  }
0x9: {  	s9 =	ssub.s32 $0x2, s6;
	s6 =	sshll.u32 s6, $0xF;
	s4 =	sadd.s32 s4, s10  }
0xa: {  	s10 =	simm.s32 $0x4000;
	s5 =	sadd.s32 s7, s5;
	s31 =	sshrl.u32 s9, $0x1  }
0xb: {  	s4 =	sadd.s32 s6, s4;
	s7 =	ssub.s32 s9, s31;
	s5 =	sadd.s32 $0x3600, s5  }
0xc: {  	v0 =	vimm.f32 $1.000000000e+00;
	s9 =	simm.s32 $0x50;
	s6 =	smax.u32 s7, $0x1;
	s7 =	sshrl.u32 @!p0 s1, $0x3  }
.LBB2_1:
0xd: {  	s12 =	simm.s32 @!p0 $0x1C01  }
0xe: {  	[spmem:s7], [sflag:s12] =	dma.local @!p0 [hbm:s3], $0x500  }
0xf: {  	s12 =	simm.s32 @!p0 $0x1  }
0x10: {  	_ =	swait.ge @!p0 [sflag:s12], $0x500  }
0x11: {  	[sflag:s12] =	ssyncset.done @!p0 $0x0  }
0x12: {  	[sflag:s12] =	ssyncadd.s32 @!p0 $0xFFFFFB00  }
0x13: {  	[tilespmem:s2], [sflag:$0x1] =	stream.linear.gather [hbm4b:s4+s2], $0x4000, $0x38;
	[tilespmem:$0x4300] =	vst v63  }
0x14: {  	_ =	swait.ge [sflag:s8], $0x4000  }
0x15: {  	[sflag:s8] =	ssyncset.done $0x0  }
0x16: {  	[sflag:s8] =	ssyncadd.s32 $0xFFFFC000  }
0x17: {  	[tilespmem:$0x4000] =	vst v0  }
0x18: {  	[tilespmem:$0x4010] =	vst v0  }
0x19: {  	[tilespmem:$0x4020] =	vst v0  }
0x1a: {  	[tilespmem:$0x4030] =	vst v0  }
0x1b: {  	[tilespmem:$0x4040] =	vst v0  }
0x1c: {  	s31 =	simm.s32 $0x0;
	[bflag:$0x0] =	sbarrier.arrive $0xFFFF  }
0x1d: {  	[spmem:s1] =	stream.indirect.scatter.add.f32 [tilespmem:s10], [sflag:$0x1], $0x1, s31, s9, $0xb8;
	[tilespmem:$0x4300] =	vst v63  }
0x1e: {  	_ =	swait.ge [sflag:s8], $0x50  }
0x1f: {  	s12 =	simm.s32 $0x200;
	[sflag:s8] =	ssyncset.done $0x0  }
.LBB2_2:
0x20: {  	s13 =	sshra.s32 s12, $0x2;
	[sflag:s8] =	ssyncadd.s32 $0xFFFFFFB0;
	p1 =	sne.s32 s12, $0xFE00  }
0x21: {  	[spmem:s1] =	stream.indirect.scatter.add.f32 [tilespmem:s10], [sflag:$0x1], $0x1, s13, s9, $0xb8;
	[tilespmem:$0x4300] =	vst v63  }
.Ltmp0:
0x22: {  	_ = 	snop;
	(pc) =	sbr.rel @p1 .LBB2_2-.Ltmp0, $4  }
0x23: {  	_ = 	snop  }
0x24: {  	s12 =	sadd.s32 $0x200, s12  }
0x25: {  	_ =	swait.ge [sflag:s8], $0x50  }
0x26: {  	[sflag:s8] =	ssyncset.done $0x0  }
0x27: {  	[sflag:s8] =	ssyncadd.s32 $0xFFFFFFB0;
	s12 =	simm.s32 @!p0 $0x1;
	s11 =	sadd.s32 $0x1, s11  }
0x28: {  	s13 =	simm.s32 @!p0 $0x20;
	s14 =	simm.s32 @!p0 $0x10;
	p1 =	sne.s32 s11, s6  }
.Ltmp1:
0x29: {  	s15 =	simm.s32 @!p0 $0x1C01;
	[bflag:$0x0] =	sbarrier.arrive $0xFFFF;
	(pc) =	sbr.rel @p1 .LBB2_1-.Ltmp1, $4  }
0x2a: {  	[hbm:s5@s13], [sflag:s15] =	dma.strided @!p0 [spmem:s7@s14], $0x500, s12, $0x10   }
0x2b: {  	_ =	swait.ge @!p0 [sflag:s12], $0x500  }
0x2c: {  	[sflag:s12] =	ssyncset.done @!p0 $0x0  }
0x2d: {  	[sflag:s12] =	ssyncadd.s32 @!p0 $0xFFFFFB00  }
0x2e: {  	_ =	sfence.sel $0x180000  }
0x2f: {  	[bflag:$0x0] =	sbarrier.arrive $0xFFFF  }
0x30: {  	_ =	strace $0x90000047  }
0x31: {  	s0 =	sadd.s32 @!p0 $0x100000, s0;
	[bflag:$0x2] =	sbarrier.arrive $0xFFFF  }
0x32: {  	[sflag:s0] =	ssyncadd.tile.s32 @!p0 $0x1;
	_ =	shalt  }
.Lfunc_end2:
_tile_overlayer_lowered:
.L_overlay_start_2:
0x33: {  	(tag) =	ssettag $0x2  }
0x34: {  	s0 =	rddreg [dreg:$0x0];
	s2 =	stileid.u32  }
0x35: {  	s1 =	rddreg [dreg:$0x1];
	p0 =	sne.s32 s2, $0x0  }
0x36: {  	s3 =	rddreg [dreg:$0x2];
	[bflag:$0x3] =	sbarrier.arrive $0xFFFF;
	s2 =	simm.s32 @!p0 $0x1C01  }
0x37: {  	[timem:s3], [sflag:s2] =	dma.local @!p0 [hbm:s0], s1  }
0x38: {  	s0 =	simm.s32 @!p0 $0x1  }
0x39: {  	_ =	swait.ge @!p0 [sflag:s0], s1  }
0x3a: {  	s1 =	ssub.s32 @!p0 $0x0, s1;
	[sflag:s0] =	ssyncset.done @!p0 $0x0  }
0x3b: {  	[sflag:s0] =	ssyncadd.s32 @!p0 s1  }
0x3c: {  	[bflag:$0x3] =	sbarrier.arrive $0xFFFF  }
0x3d: {  	_ =	shalt  }

</sc_bundles>
